<compile_context>
chip_gen: v7x
topology: tpu7x:2x2x1
jax: 0.10.2.dev20260603
libtpu: 0.0.44.dev20260713+nightly
codegen_flags: <defaults>
</compile_context>

<pallas_src>
import functools

import jax
import jax.numpy as jnp
import numpy as np
from jax import lax
from jax.experimental import pallas as pl
from jax.experimental.pallas import tpu as pltpu
from jax.experimental.pallas import tpu_sc as plsc

B = 16384
D = 128
NPHASE = 2
PB = B // NPHASE
NC = 2
NS = 16
NW = NC * NS
BPW = PB // NW
CH = 64
NCH = BPW // CH
NSLOT = 3

def _sc_gather_body(woff, uidx_hbm, iidx_hbm, um_hbm, im_hbm, ug_hbm, ig_hbm,
                    out, idx_u, idx_i,
                    bum0, bum1, bum2, bim0, bim1, bim2,
                    bug0, bug1, bug2, big0, big1, big2,
                    sum0, sum1, sum2, sim0, sim1, sim2,
                    sug0, sug1, sug2, sig0, sig1, sig2, sw0, sw1, sw2):
    wid = lax.axis_index("s") * NC + lax.axis_index("c")
    gbase = (woff + wid) * BPW
    pltpu.sync_copy(uidx_hbm.at[pl.ds(gbase, BPW)], idx_u)
    pltpu.sync_copy(iidx_hbm.at[pl.ds(gbase, BPW)], idx_i)

    bum = (bum0, bum1, bum2)
    bim = (bim0, bim1, bim2)
    bug = (bug0, bug1, bug2)
    big = (big0, big1, big2)
    gsem = ((sum0, sim0, sug0, sig0),
            (sum1, sim1, sug1, sig1),
            (sum2, sim2, sug2, sig2))
    wsem = (sw0, sw1, sw2)

    def fire(j):
        s = j % NSLOT
        sems = gsem[s]
        return (
            pltpu.async_copy(um_hbm.at[idx_u.at[pl.ds(j * CH, CH)]], bum[s], sems[0]),
            pltpu.async_copy(im_hbm.at[idx_i.at[pl.ds(j * CH, CH)]], bim[s], sems[1]),
            pltpu.async_copy(ug_hbm.at[idx_u.at[pl.ds(j * CH, CH)]], bug[s], sems[2]),
            pltpu.async_copy(ig_hbm.at[idx_i.at[pl.ds(j * CH, CH)]], big[s], sems[3]),
        )

    def gmf_chunk(s):
        a_r, b_r = bug[s], big[s]

        def row(r, carry):
            for g in range(D // 16):
                sl = pl.ds(16 * g, 16)
                a_r[r, sl] = a_r[r, sl] * b_r[r, sl]
            return carry

        lax.fori_loop(0, CH, row, 0)

    pending = {0: fire(0)}
    if NCH > 1:
        pending[1] = fire(1)
    writes = {}
    for j in range(NCH):
        s = j % NSLOT
        if j >= 1 and j + 1 < NCH:
            if j - 2 >= 0:
                for w in writes.pop(j - 2):
                    w.wait()
            pending[j + 1] = fire(j + 1)
        for cp in pending.pop(j):
            cp.wait()
        gmf_chunk(s)
        base = wid * BPW + j * CH
        rows = pl.ds(base, CH)
        writes[j] = (
            pltpu.async_copy(bum[s], out.at[rows, pl.ds(0, D)], wsem[s]),
            pltpu.async_copy(bim[s], out.at[rows, pl.ds(D, D)], wsem[s]),
            pltpu.async_copy(bug[s], out.at[rows, pl.ds(2 * D, D)], wsem[s]),
        )
    for j in sorted(writes):
        for w in writes.pop(j):
            w.wait()


def _make_sc_gather(phase):
    return functools.partial(
        pl.kernel,
        out_type=jax.ShapeDtypeStruct((PB, 3 * D), jnp.float32),
        mesh=plsc.VectorSubcoreMesh(core_axis_name="c", subcore_axis_name="s"),
        scratch_types=[
            pltpu.VMEM((BPW,), jnp.int32),
            pltpu.VMEM((BPW,), jnp.int32),
        ] + [pltpu.VMEM((CH, D), jnp.float32)] * 12
          + [pltpu.SemaphoreType.DMA] * 15,
    )(functools.partial(_sc_gather_body, phase * NW))


_sc_gather = [_make_sc_gather(p) for p in range(NPHASE)]

BLK = 4096


def _mlp_body(x_ref, w0_ref, b0_ref, w1_ref, b1_ref,
              w2_ref, b2_ref, womlp_ref, wogmf_ref, bo_ref, out_ref):
    f32 = jnp.float32
    bf = jnp.bfloat16
    x = x_ref[...]
    ui = x[:, :2 * D].astype(bf)
    g = x[:, 2 * D:].astype(bf)
    h = jnp.dot(ui, w0_ref[...], preferred_element_type=f32) + b0_ref[...]
    h = jnp.maximum(h, 0.0).astype(bf)
    h = jnp.maximum(
        jnp.dot(h, w1_ref[...], preferred_element_type=f32) + b1_ref[...], 0.0
    ).astype(bf)
    h = jnp.maximum(
        jnp.dot(h, w2_ref[...], preferred_element_type=f32) + b2_ref[...], 0.0
    )
    logit = (jnp.dot(h.astype(bf), womlp_ref[...], preferred_element_type=f32)
             + jnp.dot(g, wogmf_ref[...], preferred_element_type=f32)
             + bo_ref[...])
    out_ref[...] = jax.nn.sigmoid(logit[:, 0])


def kernel(user_idx, item_idx, emb_user_mlp, emb_item_mlp, emb_user_gmf,
           emb_item_gmf, W0, b0, W1, b1, W2, b2, W_out, b_out):
    uidx = user_idx.astype(jnp.int32)
    iidx = item_idx.astype(jnp.int32)

    bf = jnp.bfloat16
    w0t = W0.T.astype(bf)
    w1t = W1.T.astype(bf)
    w2t = W2.T.astype(bf)
    womlp = W_out[:, :64].T.astype(bf)
    wogmf = W_out[:, 64:].T.astype(bf)
    b0r = b0.reshape(1, -1)
    b1r = b1.reshape(1, -1)
    b2r = b2.reshape(1, -1)
    bor = b_out.reshape(1, 1)

    full = lambda shape: pl.BlockSpec(shape, lambda i: (0, 0))
    mlp_call = pl.pallas_call(
        _mlp_body,
        grid=(PB // BLK,),
        in_specs=[
            pl.BlockSpec((BLK, 3 * D), lambda i: (i, 0)),
            full((2 * D, 256)), full((1, 256)),
            full((256, D)), full((1, D)),
            full((D, 64)), full((1, 64)),
            full((64, 1)), full((D, 1)), full((1, 1)),
        ],
        out_specs=pl.BlockSpec((BLK,), lambda i: (i,)),
        out_shape=jax.ShapeDtypeStruct((PB,), jnp.float32),
    )

    outs = []
    for p in range(NPHASE):
        x = _sc_gather[p](uidx, iidx, emb_user_mlp, emb_item_mlp,
                          emb_user_gmf, emb_item_gmf)
        outs.append(mlp_call(x, w0t, b0r, w1t, b1r, w2t, b2r,
                             womlp, wogmf, bor))
    return jnp.concatenate(outs).reshape(B, 1)

# --- scband reference (transcript-rebuilt; emitter-appended) ---
"""Pipeline reference for scband-ncf-33088428048872 (READ-ONLY COPY).

The authoritative reference and input builder live on the scoring server;
editing this copy changes nothing except your own understanding.
"""

import jax, jax.numpy as jnp
import numpy as np

B = 16384
NUM_USERS = 100000
NUM_ITEMS = 100000
D_GMF = 128
D_MLP = 128
LAYERS = [256, 256, 128, 64]


def setup_inputs(seed: int = 0) -> dict:
    key = jax.random.key(seed)
    ks = jax.random.split(key, 20)
    inp = {}
    inp["user_idx"] = jax.random.randint(ks[0], (B,), 0, NUM_USERS)
    inp["item_idx"] = jax.random.randint(ks[1], (B,), 0, NUM_ITEMS)
    inp["emb_user_mlp"] = jax.random.normal(ks[2], (NUM_USERS, D_MLP), dtype=jnp.float32) * 0.02
    inp["emb_item_mlp"] = jax.random.normal(ks[3], (NUM_ITEMS, D_MLP), dtype=jnp.float32) * 0.02
    inp["emb_user_gmf"] = jax.random.normal(ks[4], (NUM_USERS, D_GMF), dtype=jnp.float32) * 0.02
    inp["emb_item_gmf"] = jax.random.normal(ks[5], (NUM_ITEMS, D_GMF), dtype=jnp.float32) * 0.02
    # fc layers: Linear(in, out) -> W shape (out, in), b shape (out,)
    for i, (din, dout) in enumerate(zip(LAYERS[:-1], LAYERS[1:])):
        inp[f"W{i}"] = jax.random.normal(ks[6 + 2 * i], (dout, din), dtype=jnp.float32) * (1.0 / np.sqrt(din))
        inp[f"b{i}"] = jnp.zeros((dout,), dtype=jnp.float32)
    d_aff = LAYERS[-1] + D_GMF
    inp["W_out"] = jax.random.normal(ks[15], (1, d_aff), dtype=jnp.float32) * (1.0 / np.sqrt(d_aff))
    inp["b_out"] = jnp.zeros((1,), dtype=jnp.float32)
    return inp


def reference(user_idx, item_idx, emb_user_mlp, emb_item_mlp, emb_user_gmf, emb_item_gmf,
              W0, b0, W1, b1, W2, b2, W_out, b_out):
    user_embedding_mlp = jnp.take(emb_user_mlp, user_idx, axis=0)
    item_embedding_mlp = jnp.take(emb_item_mlp, item_idx, axis=0)
    user_embedding_gmf = jnp.take(emb_user_gmf, user_idx, axis=0)
    item_embedding_gmf = jnp.take(emb_item_gmf, item_idx, axis=0)
    mlp_vector = jnp.concatenate([user_embedding_mlp, item_embedding_mlp], axis=-1)
    gmf_vector = user_embedding_gmf * item_embedding_gmf
    for W, b in ((W0, b0), (W1, b1), (W2, b2)):
        mlp_vector = jax.nn.relu(mlp_vector @ W.T + b)
    vector = jnp.concatenate([mlp_vector, gmf_vector], axis=-1)
    logits = vector @ W_out.T + b_out
    rating = jax.nn.sigmoid(logits)
    return rating

if __name__ == "__main__":
    import jax
    _d = setup_inputs()
    print(jax.jit(kernel)(*tuple(_d.values())))

</pallas_src>

<mosaic_0001>
#map = affine_map<(d0, d1) -> (0)>
#map1 = affine_map<(d0, d1) -> (0, 0)>
module attributes {stable_mosaic.version = 14 : i64} {
  func.func @_sc_gather_body(%arg0: i32, %arg1: i32, %arg2: memref<16384xi32, #tpu.memory_space<hbm>>, %arg3: memref<16384xi32, #tpu.memory_space<hbm>>, %arg4: memref<100000x128xf32, #tpu.memory_space<hbm>>, %arg5: memref<100000x128xf32, #tpu.memory_space<hbm>>, %arg6: memref<100000x128xf32, #tpu.memory_space<hbm>>, %arg7: memref<100000x128xf32, #tpu.memory_space<hbm>>, %arg8: memref<8192x384xf32, #tpu.memory_space<hbm>>, %arg9: memref<256xi32, #tpu.memory_space<vmem>>, %arg10: memref<256xi32, #tpu.memory_space<vmem>>, %arg11: memref<64x128xf32, #tpu.memory_space<vmem>>, %arg12: memref<64x128xf32, #tpu.memory_space<vmem>>, %arg13: memref<64x128xf32, #tpu.memory_space<vmem>>, %arg14: memref<64x128xf32, #tpu.memory_space<vmem>>, %arg15: memref<64x128xf32, #tpu.memory_space<vmem>>, %arg16: memref<64x128xf32, #tpu.memory_space<vmem>>, %arg17: memref<64x128xf32, #tpu.memory_space<vmem>>, %arg18: memref<64x128xf32, #tpu.memory_space<vmem>>, %arg19: memref<64x128xf32, #tpu.memory_space<vmem>>, %arg20: memref<64x128xf32, #tpu.memory_space<vmem>>, %arg21: memref<64x128xf32, #tpu.memory_space<vmem>>, %arg22: memref<64x128xf32, #tpu.memory_space<vmem>>, %arg23: memref<!tpu.dma_semaphore, #tpu.memory_space<semaphore_mem>>, %arg24: memref<!tpu.dma_semaphore, #tpu.memory_space<semaphore_mem>>, %arg25: memref<!tpu.dma_semaphore, #tpu.memory_space<semaphore_mem>>, %arg26: memref<!tpu.dma_semaphore, #tpu.memory_space<semaphore_mem>>, %arg27: memref<!tpu.dma_semaphore, #tpu.memory_space<semaphore_mem>>, %arg28: memref<!tpu.dma_semaphore, #tpu.memory_space<semaphore_mem>>, %arg29: memref<!tpu.dma_semaphore, #tpu.memory_space<semaphore_mem>>, %arg30: memref<!tpu.dma_semaphore, #tpu.memory_space<semaphore_mem>>, %arg31: memref<!tpu.dma_semaphore, #tpu.memory_space<semaphore_mem>>, %arg32: memref<!tpu.dma_semaphore, #tpu.memory_space<semaphore_mem>>, %arg33: memref<!tpu.dma_semaphore, #tpu.memory_space<semaphore_mem>>, %arg34: memref<!tpu.dma_semaphore, #tpu.memory_space<semaphore_mem>>, %arg35: memref<!tpu.dma_semaphore, #tpu.memory_space<semaphore_mem>>, %arg36: memref<!tpu.dma_semaphore, #tpu.memory_space<semaphore_mem>>, %arg37: memref<!tpu.dma_semaphore, #tpu.memory_space<semaphore_mem>>) attributes {dimension_semantics = [#tpu.dimension_semantics<core_parallel>, #tpu.dimension_semantics<subcore_parallel>], iteration_bounds = array<i64: 2, 16>, scalar_prefetch = 0 : i64, scratch_operands = 29 : i64, tpu.core_type = #tpu.core_type<sc_vector_subcore>, window_params = [{transform_indices = #map}, {transform_indices = #map}, {transform_indices = #map1}, {transform_indices = #map1}, {transform_indices = #map1}, {transform_indices = #map1}, {transform_indices = #map1}]} {
    %mul3A = arith.constant 2 : i32
    %mul3A_0 = arith.muli %arg1, %mul3A : i32
    %add3A = arith.addi %mul3A_0, %arg0 : i32
    %add3A_1 = arith.constant 0 : i32
    %add3A_2 = arith.addi %add3A_1, %add3A : i32
    %mul3A_3 = arith.constant 256 : i32
    %mul3A_4 = arith.muli %add3A_2, %mul3A_3 : i32
    "tpu.region"() ({
      %run_scoped3A = tpu.sem_alloc : memref<!tpu.dma_semaphore, #tpu.memory_space<semaphore_mem>>
      %dma_start3A_298 = tpu.memref_slice %arg2[%mul3A_4] : memref<16384xi32, #tpu.memory_space<hbm>> -> memref<256xi32, #tpu.memory_space<hbm>>
      %dma_start3A_299 = tpu.memref_slice %arg2[%mul3A_4] : memref<16384xi32, #tpu.memory_space<hbm>> -> memref<256xi32, #tpu.memory_space<hbm>>
      tpu.enqueue_dma source(%dma_start3A_299 : memref<256xi32, #tpu.memory_space<hbm>>) target(%arg9 : memref<256xi32, #tpu.memory_space<vmem>>) target_semaphore(%run_scoped3A : memref<!tpu.dma_semaphore, #tpu.memory_space<semaphore_mem>>)
      %dma_wait3A_300 = tpu.memref_slice %arg2[%mul3A_4] : memref<16384xi32, #tpu.memory_space<hbm>> -> memref<256xi32, #tpu.memory_space<hbm>>
      %dma_wait3A_301 = tpu.memref_slice %arg2[%mul3A_4] : memref<16384xi32, #tpu.memory_space<hbm>> -> memref<256xi32, #tpu.memory_space<hbm>>
      tpu.wait_dma2 semaphore(%run_scoped3A : memref<!tpu.dma_semaphore, #tpu.memory_space<semaphore_mem>>) src(%dma_wait3A_301 : memref<256xi32, #tpu.memory_space<hbm>>) dst(%arg9 : memref<256xi32, #tpu.memory_space<vmem>>)
      tpu.yield
    }) : () -> ()
    "tpu.region"() ({
      %run_scoped3A = tpu.sem_alloc : memref<!tpu.dma_semaphore, #tpu.memory_space<semaphore_mem>>
      %dma_start3A_298 = tpu.memref_slice %arg3[%mul3A_4] : memref<16384xi32, #tpu.memory_space<hbm>> -> memref<256xi32, #tpu.memory_space<hbm>>
      %dma_start3A_299 = tpu.memref_slice %arg3[%mul3A_4] : memref<16384xi32, #tpu.memory_space<hbm>> -> memref<256xi32, #tpu.memory_space<hbm>>
      tpu.enqueue_dma source(%dma_start3A_299 : memref<256xi32, #tpu.memory_space<hbm>>) target(%arg10 : memref<256xi32, #tpu.memory_space<vmem>>) target_semaphore(%run_scoped3A : memref<!tpu.dma_semaphore, #tpu.memory_space<semaphore_mem>>)
      %dma_wait3A_300 = tpu.memref_slice %arg3[%mul3A_4] : memref<16384xi32, #tpu.memory_space<hbm>> -> memref<256xi32, #tpu.memory_space<hbm>>
      %dma_wait3A_301 = tpu.memref_slice %arg3[%mul3A_4] : memref<16384xi32, #tpu.memory_space<hbm>> -> memref<256xi32, #tpu.memory_space<hbm>>
      tpu.wait_dma2 semaphore(%run_scoped3A : memref<!tpu.dma_semaphore, #tpu.memory_space<semaphore_mem>>) src(%dma_wait3A_301 : memref<256xi32, #tpu.memory_space<hbm>>) dst(%arg10 : memref<256xi32, #tpu.memory_space<vmem>>)
      tpu.yield
    }) : () -> ()
    %dma_start3A = arith.constant 0 : i32
    %dma_start3A_5 = tpu.memref_slice %arg9[%dma_start3A] : memref<256xi32, #tpu.memory_space<vmem>> -> memref<64xi32, #tpu.memory_space<vmem>>
    %dma_start3A_6 = arith.constant 0 : i32
    %dma_start3A_7 = arith.constant 0 : i32
    %dma_start3A_8 = tpu.memref_slice %arg4[%dma_start3A_6, %dma_start3A_7] : memref<100000x128xf32, #tpu.memory_space<hbm>> -> memref<100000x128xf32, #tpu.memory_space<hbm>>
    tpu.enqueue_indirect_dma source(%dma_start3A_8 : memref<100000x128xf32, #tpu.memory_space<hbm>>) target(%arg11 : memref<64x128xf32, #tpu.memory_space<vmem>>) offsets(%dma_start3A_5 : memref<64xi32, #tpu.memory_space<vmem>>) semaphore(%arg23 : memref<!tpu.dma_semaphore, #tpu.memory_space<semaphore_mem>>)
    %dma_start3A_9 = arith.constant 0 : i32
    %dma_start3A_10 = tpu.memref_slice %arg10[%dma_start3A_9] : memref<256xi32, #tpu.memory_space<vmem>> -> memref<64xi32, #tpu.memory_space<vmem>>
    %dma_start3A_11 = arith.constant 0 : i32
    %dma_start3A_12 = arith.constant 0 : i32
    %dma_start3A_13 = tpu.memref_slice %arg5[%dma_start3A_11, %dma_start3A_12] : memref<100000x128xf32, #tpu.memory_space<hbm>> -> memref<100000x128xf32, #tpu.memory_space<hbm>>
    tpu.enqueue_indirect_dma source(%dma_start3A_13 : memref<100000x128xf32, #tpu.memory_space<hbm>>) target(%arg14 : memref<64x128xf32, #tpu.memory_space<vmem>>) offsets(%dma_start3A_10 : memref<64xi32, #tpu.memory_space<vmem>>) semaphore(%arg26 : memref<!tpu.dma_semaphore, #tpu.memory_space<semaphore_mem>>)
    %dma_start3A_14 = arith.constant 0 : i32
    %dma_start3A_15 = tpu.memref_slice %arg9[%dma_start3A_14] : memref<256xi32, #tpu.memory_space<vmem>> -> memref<64xi32, #tpu.memory_space<vmem>>
    %dma_start3A_16 = arith.constant 0 : i32
    %dma_start3A_17 = arith.constant 0 : i32
    %dma_start3A_18 = tpu.memref_slice %arg6[%dma_start3A_16, %dma_start3A_17] : memref<100000x128xf32, #tpu.memory_space<hbm>> -> memref<100000x128xf32, #tpu.memory_space<hbm>>
    tpu.enqueue_indirect_dma source(%dma_start3A_18 : memref<100000x128xf32, #tpu.memory_space<hbm>>) target(%arg17 : memref<64x128xf32, #tpu.memory_space<vmem>>) offsets(%dma_start3A_15 : memref<64xi32, #tpu.memory_space<vmem>>) semaphore(%arg29 : memref<!tpu.dma_semaphore, #tpu.memory_space<semaphore_mem>>)
    %dma_start3A_19 = arith.constant 0 : i32
    %dma_start3A_20 = tpu.memref_slice %arg10[%dma_start3A_19] : memref<256xi32, #tpu.memory_space<vmem>> -> memref<64xi32, #tpu.memory_space<vmem>>
    %dma_start3A_21 = arith.constant 0 : i32
    %dma_start3A_22 = arith.constant 0 : i32
    %dma_start3A_23 = tpu.memref_slice %arg7[%dma_start3A_21, %dma_start3A_22] : memref<100000x128xf32, #tpu.memory_space<hbm>> -> memref<100000x128xf32, #tpu.memory_space<hbm>>
    tpu.enqueue_indirect_dma source(%dma_start3A_23 : memref<100000x128xf32, #tpu.memory_space<hbm>>) target(%arg20 : memref<64x128xf32, #tpu.memory_space<vmem>>) offsets(%dma_start3A_20 : memref<64xi32, #tpu.memory_space<vmem>>) semaphore(%arg32 : memref<!tpu.dma_semaphore, #tpu.memory_space<semaphore_mem>>)
    %dma_start3A_24 = arith.constant 64 : i32
    %dma_start3A_25 = tpu.memref_slice %arg9[%dma_start3A_24] : memref<256xi32, #tpu.memory_space<vmem>> -> memref<64xi32, #tpu.memory_space<vmem>>
    %dma_start3A_26 = arith.constant 0 : i32
    %dma_start3A_27 = arith.constant 0 : i32
    %dma_start3A_28 = tpu.memref_slice %arg4[%dma_start3A_26, %dma_start3A_27] : memref<100000x128xf32, #tpu.memory_space<hbm>> -> memref<100000x128xf32, #tpu.memory_space<hbm>>
    tpu.enqueue_indirect_dma source(%dma_start3A_28 : memref<100000x128xf32, #tpu.memory_space<hbm>>) target(%arg12 : memref<64x128xf32, #tpu.memory_space<vmem>>) offsets(%dma_start3A_25 : memref<64xi32, #tpu.memory_space<vmem>>) semaphore(%arg24 : memref<!tpu.dma_semaphore, #tpu.memory_space<semaphore_mem>>)
    %dma_start3A_29 = arith.constant 64 : i32
    %dma_start3A_30 = tpu.memref_slice %arg10[%dma_start3A_29] : memref<256xi32, #tpu.memory_space<vmem>> -> memref<64xi32, #tpu.memory_space<vmem>>
    %dma_start3A_31 = arith.constant 0 : i32
    %dma_start3A_32 = arith.constant 0 : i32
    %dma_start3A_33 = tpu.memref_slice %arg5[%dma_start3A_31, %dma_start3A_32] : memref<100000x128xf32, #tpu.memory_space<hbm>> -> memref<100000x128xf32, #tpu.memory_space<hbm>>
    tpu.enqueue_indirect_dma source(%dma_start3A_33 : memref<100000x128xf32, #tpu.memory_space<hbm>>) target(%arg15 : memref<64x128xf32, #tpu.memory_space<vmem>>) offsets(%dma_start3A_30 : memref<64xi32, #tpu.memory_space<vmem>>) semaphore(%arg27 : memref<!tpu.dma_semaphore, #tpu.memory_space<semaphore_mem>>)
    %dma_start3A_34 = arith.constant 64 : i32
    %dma_start3A_35 = tpu.memref_slice %arg9[%dma_start3A_34] : memref<256xi32, #tpu.memory_space<vmem>> -> memref<64xi32, #tpu.memory_space<vmem>>
    %dma_start3A_36 = arith.constant 0 : i32
    %dma_start3A_37 = arith.constant 0 : i32
    %dma_start3A_38 = tpu.memref_slice %arg6[%dma_start3A_36, %dma_start3A_37] : memref<100000x128xf32, #tpu.memory_space<hbm>> -> memref<100000x128xf32, #tpu.memory_space<hbm>>
    tpu.enqueue_indirect_dma source(%dma_start3A_38 : memref<100000x128xf32, #tpu.memory_space<hbm>>) target(%arg18 : memref<64x128xf32, #tpu.memory_space<vmem>>) offsets(%dma_start3A_35 : memref<64xi32, #tpu.memory_space<vmem>>) semaphore(%arg30 : memref<!tpu.dma_semaphore, #tpu.memory_space<semaphore_mem>>)
    %dma_start3A_39 = arith.constant 64 : i32
    %dma_start3A_40 = tpu.memref_slice %arg10[%dma_start3A_39] : memref<256xi32, #tpu.memory_space<vmem>> -> memref<64xi32, #tpu.memory_space<vmem>>
    %dma_start3A_41 = arith.constant 0 : i32
    %dma_start3A_42 = arith.constant 0 : i32
    %dma_start3A_43 = tpu.memref_slice %arg7[%dma_start3A_41, %dma_start3A_42] : memref<100000x128xf32, #tpu.memory_space<hbm>> -> memref<100000x128xf32, #tpu.memory_space<hbm>>
    tpu.enqueue_indirect_dma source(%dma_start3A_43 : memref<100000x128xf32, #tpu.memory_space<hbm>>) target(%arg21 : memref<64x128xf32, #tpu.memory_space<vmem>>) offsets(%dma_start3A_40 : memref<64xi32, #tpu.memory_space<vmem>>) semaphore(%arg33 : memref<!tpu.dma_semaphore, #tpu.memory_space<semaphore_mem>>)
    %dma_wait3A = arith.constant 0 : i32
    %dma_wait3A_44 = tpu.memref_slice %arg9[%dma_wait3A] : memref<256xi32, #tpu.memory_space<vmem>> -> memref<64xi32, #tpu.memory_space<vmem>>
    %dma_wait3A_45 = arith.constant 0 : i32
    %dma_wait3A_46 = arith.constant 0 : i32
    %dma_wait3A_47 = tpu.memref_slice %arg4[%dma_wait3A_45, %dma_wait3A_46] : memref<100000x128xf32, #tpu.memory_space<hbm>> -> memref<100000x128xf32, #tpu.memory_space<hbm>>
    tpu.wait_indirect_dma semaphore(%arg23 : memref<!tpu.dma_semaphore, #tpu.memory_space<semaphore_mem>>) src(%dma_wait3A_47 : memref<100000x128xf32, #tpu.memory_space<hbm>>) dst(%arg11 : memref<64x128xf32, #tpu.memory_space<vmem>>)
    %dma_wait3A_48 = arith.constant 0 : i32
    %dma_wait3A_49 = tpu.memref_slice %arg10[%dma_wait3A_48] : memref<256xi32, #tpu.memory_space<vmem>> -> memref<64xi32, #tpu.memory_space<vmem>>
    %dma_wait3A_50 = arith.constant 0 : i32
    %dma_wait3A_51 = arith.constant 0 : i32
    %dma_wait3A_52 = tpu.memref_slice %arg5[%dma_wait3A_50, %dma_wait3A_51] : memref<100000x128xf32, #tpu.memory_space<hbm>> -> memref<100000x128xf32, #tpu.memory_space<hbm>>
    tpu.wait_indirect_dma semaphore(%arg26 : memref<!tpu.dma_semaphore, #tpu.memory_space<semaphore_mem>>) src(%dma_wait3A_52 : memref<100000x128xf32, #tpu.memory_space<hbm>>) dst(%arg14 : memref<64x128xf32, #tpu.memory_space<vmem>>)
    %dma_wait3A_53 = arith.constant 0 : i32
    %dma_wait3A_54 = tpu.memref_slice %arg9[%dma_wait3A_53] : memref<256xi32, #tpu.memory_space<vmem>> -> memref<64xi32, #tpu.memory_space<vmem>>
    %dma_wait3A_55 = arith.constant 0 : i32
    %dma_wait3A_56 = arith.constant 0 : i32
    %dma_wait3A_57 = tpu.memref_slice %arg6[%dma_wait3A_55, %dma_wait3A_56] : memref<100000x128xf32, #tpu.memory_space<hbm>> -> memref<100000x128xf32, #tpu.memory_space<hbm>>
    tpu.wait_indirect_dma semaphore(%arg29 : memref<!tpu.dma_semaphore, #tpu.memory_space<semaphore_mem>>) src(%dma_wait3A_57 : memref<100000x128xf32, #tpu.memory_space<hbm>>) dst(%arg17 : memref<64x128xf32, #tpu.memory_space<vmem>>)
    %dma_wait3A_58 = arith.constant 0 : i32
    %dma_wait3A_59 = tpu.memref_slice %arg10[%dma_wait3A_58] : memref<256xi32, #tpu.memory_space<vmem>> -> memref<64xi32, #tpu.memory_space<vmem>>
    %dma_wait3A_60 = arith.constant 0 : i32
    %dma_wait3A_61 = arith.constant 0 : i32
    %dma_wait3A_62 = tpu.memref_slice %arg7[%dma_wait3A_60, %dma_wait3A_61] : memref<100000x128xf32, #tpu.memory_space<hbm>> -> memref<100000x128xf32, #tpu.memory_space<hbm>>
    tpu.wait_indirect_dma semaphore(%arg32 : memref<!tpu.dma_semaphore, #tpu.memory_space<semaphore_mem>>) src(%dma_wait3A_62 : memref<100000x128xf32, #tpu.memory_space<hbm>>) dst(%arg20 : memref<64x128xf32, #tpu.memory_space<vmem>>)
    %scan3A = arith.constant 0 : i32
    %scan3A_63 = arith.constant 0 : i32
    %scan3A_64 = arith.constant 64 : i32
    %scan3A_65 = arith.addi %scan3A_63, %scan3A_64 : i32
    %scan3A_66 = arith.constant 1 : i32
    scf.for %scan3A_298 = %scan3A_63 to %scan3A_65 step %scan3A_66  : i32 {
      %get3A = arith.index_cast %scan3A_298 : i32 to index
      %get3A_299 = arith.constant 0 : index
      %get3A_300 = tpu.vector_load %arg17[%get3A, %get3A_299] {strides = array<i32>} : memref<64x128xf32, #tpu.memory_space<vmem>>, vector<1x16xf32>,
      %get3A_301 = vector.shape_cast %get3A_300 : vector<1x16xf32> to vector<16xf32>
      %get3A_302 = arith.index_cast %scan3A_298 : i32 to index
      %get3A_303 = arith.constant 0 : index
      %get3A_304 = tpu.vector_load %arg20[%get3A_302, %get3A_303] {strides = array<i32>} : memref<64x128xf32, #tpu.memory_space<vmem>>, vector<1x16xf32>,
      %get3A_305 = vector.shape_cast %get3A_304 : vector<1x16xf32> to vector<16xf32>
      %mul3A_306 = arith.mulf %get3A_301, %get3A_305 : vector<16xf32>
      %swap3A = arith.index_cast %scan3A_298 : i32 to index
      %swap3A_307 = arith.constant 0 : index
      %swap3A_308 = tpu.vector_load %arg17[%swap3A, %swap3A_307] {strides = array<i32>} : memref<64x128xf32, #tpu.memory_space<vmem>>, vector<1x16xf32>,
      %swap3A_309 = vector.shape_cast %swap3A_308 : vector<1x16xf32> to vector<16xf32>
      %swap3A_310 = vector.shape_cast %mul3A_306 : vector<16xf32> to vector<1x16xf32>
      tpu.vector_store %arg17[%swap3A, %swap3A_307], %swap3A_310 {strides = array<i32>} : memref<64x128xf32, #tpu.memory_space<vmem>>, vector<1x16xf32>,
      %get3A_311 = arith.index_cast %scan3A_298 : i32 to index
      %get3A_312 = arith.constant 16 : index
      %get3A_313 = tpu.vector_load %arg17[%get3A_311, %get3A_312] {strides = array<i32>} : memref<64x128xf32, #tpu.memory_space<vmem>>, vector<1x16xf32>,
      %get3A_314 = vector.shape_cast %get3A_313 : vector<1x16xf32> to vector<16xf32>
      %get3A_315 = arith.index_cast %scan3A_298 : i32 to index
      %get3A_316 = arith.constant 16 : index
      %get3A_317 = tpu.vector_load %arg20[%get3A_315, %get3A_316] {strides = array<i32>} : memref<64x128xf32, #tpu.memory_space<vmem>>, vector<1x16xf32>,
      %get3A_318 = vector.shape_cast %get3A_317 : vector<1x16xf32> to vector<16xf32>
      %mul3A_319 = arith.mulf %get3A_314, %get3A_318 : vector<16xf32>
      %swap3A_320 = arith.index_cast %scan3A_298 : i32 to index
      %swap3A_321 = arith.constant 16 : index
      %swap3A_322 = tpu.vector_load %arg17[%swap3A_320, %swap3A_321] {strides = array<i32>} : memref<64x128xf32, #tpu.memory_space<vmem>>, vector<1x16xf32>,
      %swap3A_323 = vector.shape_cast %swap3A_322 : vector<1x16xf32> to vector<16xf32>
      %swap3A_324 = vector.shape_cast %mul3A_319 : vector<16xf32> to vector<1x16xf32>
      tpu.vector_store %arg17[%swap3A_320, %swap3A_321], %swap3A_324 {strides = array<i32>} : memref<64x128xf32, #tpu.memory_space<vmem>>, vector<1x16xf32>,
      %get3A_325 = arith.index_cast %scan3A_298 : i32 to index
      %get3A_326 = arith.constant 32 : index
      %get3A_327 = tpu.vector_load %arg17[%get3A_325, %get3A_326] {strides = array<i32>} : memref<64x128xf32, #tpu.memory_space<vmem>>, vector<1x16xf32>,
      %get3A_328 = vector.shape_cast %get3A_327 : vector<1x16xf32> to vector<16xf32>
      %get3A_329 = arith.index_cast %scan3A_298 : i32 to index
      %get3A_330 = arith.constant 32 : index
      %get3A_331 = tpu.vector_load %arg20[%get3A_329, %get3A_330] {strides = array<i32>} : memref<64x128xf32, #tpu.memory_space<vmem>>, vector<1x16xf32>,
      %get3A_332 = vector.shape_cast %get3A_331 : vector<1x16xf32> to vector<16xf32>
      %mul3A_333 = arith.mulf %get3A_328, %get3A_332 : vector<16xf32>
      %swap3A_334 = arith.index_cast %scan3A_298 : i32 to index
      %swap3A_335 = arith.constant 32 : index
      %swap3A_336 = tpu.vector_load %arg17[%swap3A_334, %swap3A_335] {strides = array<i32>} : memref<64x128xf32, #tpu.memory_space<vmem>>, vector<1x16xf32>,
      %swap3A_337 = vector.shape_cast %swap3A_336 : vector<1x16xf32> to vector<16xf32>
      %swap3A_338 = vector.shape_cast %mul3A_333 : vector<16xf32> to vector<1x16xf32>
      tpu.vector_store %arg17[%swap3A_334, %swap3A_335], %swap3A_338 {strides = array<i32>} : memref<64x128xf32, #tpu.memory_space<vmem>>, vector<1x16xf32>,
      %get3A_339 = arith.index_cast %scan3A_298 : i32 to index
      %get3A_340 = arith.constant 48 : index
      %get3A_341 = tpu.vector_load %arg17[%get3A_339, %get3A_340] {strides = array<i32>} : memref<64x128xf32, #tpu.memory_space<vmem>>, vector<1x16xf32>,
      %get3A_342 = vector.shape_cast %get3A_341 : vector<1x16xf32> to vector<16xf32>
      %get3A_343 = arith.index_cast %scan3A_298 : i32 to index
      %get3A_344 = arith.constant 48 : index
      %get3A_345 = tpu.vector_load %arg20[%get3A_343, %get3A_344] {strides = array<i32>} : memref<64x128xf32, #tpu.memory_space<vmem>>, vector<1x16xf32>,
      %get3A_346 = vector.shape_cast %get3A_345 : vector<1x16xf32> to vector<16xf32>
      %mul3A_347 = arith.mulf %get3A_342, %get3A_346 : vector<16xf32>
      %swap3A_348 = arith.index_cast %scan3A_298 : i32 to index
      %swap3A_349 = arith.constant 48 : index
      %swap3A_350 = tpu.vector_load %arg17[%swap3A_348, %swap3A_349] {strides = array<i32>} : memref<64x128xf32, #tpu.memory_space<vmem>>, vector<1x16xf32>,
      %swap3A_351 = vector.shape_cast %swap3A_350 : vector<1x16xf32> to vector<16xf32>
      %swap3A_352 = vector.shape_cast %mul3A_347 : vector<16xf32> to vector<1x16xf32>
      tpu.vector_store %arg17[%swap3A_348, %swap3A_349], %swap3A_352 {strides = array<i32>} : memref<64x128xf32, #tpu.memory_space<vmem>>, vector<1x16xf32>,
      %get3A_353 = arith.index_cast %scan3A_298 : i32 to index
      %get3A_354 = arith.constant 64 : index
      %get3A_355 = tpu.vector_load %arg17[%get3A_353, %get3A_354] {strides = array<i32>} : memref<64x128xf32, #tpu.memory_space<vmem>>, vector<1x16xf32>,
      %get3A_356 = vector.shape_cast %get3A_355 : vector<1x16xf32> to vector<16xf32>
      %get3A_357 = arith.index_cast %scan3A_298 : i32 to index
      %get3A_358 = arith.constant 64 : index
      %get3A_359 = tpu.vector_load %arg20[%get3A_357, %get3A_358] {strides = array<i32>} : memref<64x128xf32, #tpu.memory_space<vmem>>, vector<1x16xf32>,
      %get3A_360 = vector.shape_cast %get3A_359 : vector<1x16xf32> to vector<16xf32>
      %mul3A_361 = arith.mulf %get3A_356, %get3A_360 : vector<16xf32>
      %swap3A_362 = arith.index_cast %scan3A_298 : i32 to index
      %swap3A_363 = arith.constant 64 : index
      %swap3A_364 = tpu.vector_load %arg17[%swap3A_362, %swap3A_363] {strides = array<i32>} : memref<64x128xf32, #tpu.memory_space<vmem>>, vector<1x16xf32>,
      %swap3A_365 = vector.shape_cast %swap3A_364 : vector<1x16xf32> to vector<16xf32>
      %swap3A_366 = vector.shape_cast %mul3A_361 : vector<16xf32> to vector<1x16xf32>
      tpu.vector_store %arg17[%swap3A_362, %swap3A_363], %swap3A_366 {strides = array<i32>} : memref<64x128xf32, #tpu.memory_space<vmem>>, vector<1x16xf32>,
      %get3A_367 = arith.index_cast %scan3A_298 : i32 to index
      %get3A_368 = arith.constant 80 : index
      %get3A_369 = tpu.vector_load %arg17[%get3A_367, %get3A_368] {strides = array<i32>} : memref<64x128xf32, #tpu.memory_space<vmem>>, vector<1x16xf32>,
      %get3A_370 = vector.shape_cast %get3A_369 : vector<1x16xf32> to vector<16xf32>
      %get3A_371 = arith.index_cast %scan3A_298 : i32 to index
      %get3A_372 = arith.constant 80 : index
      %get3A_373 = tpu.vector_load %arg20[%get3A_371, %get3A_372] {strides = array<i32>} : memref<64x128xf32, #tpu.memory_space<vmem>>, vector<1x16xf32>,
      %get3A_374 = vector.shape_cast %get3A_373 : vector<1x16xf32> to vector<16xf32>
      %mul3A_375 = arith.mulf %get3A_370, %get3A_374 : vector<16xf32>
      %swap3A_376 = arith.index_cast %scan3A_298 : i32 to index
      %swap3A_377 = arith.constant 80 : index
      %swap3A_378 = tpu.vector_load %arg17[%swap3A_376, %swap3A_377] {strides = array<i32>} : memref<64x128xf32, #tpu.memory_space<vmem>>, vector<1x16xf32>,
      %swap3A_379 = vector.shape_cast %swap3A_378 : vector<1x16xf32> to vector<16xf32>
      %swap3A_380 = vector.shape_cast %mul3A_375 : vector<16xf32> to vector<1x16xf32>
      tpu.vector_store %arg17[%swap3A_376, %swap3A_377], %swap3A_380 {strides = array<i32>} : memref<64x128xf32, #tpu.memory_space<vmem>>, vector<1x16xf32>,
      %get3A_381 = arith.index_cast %scan3A_298 : i32 to index
      %get3A_382 = arith.constant 96 : index
      %get3A_383 = tpu.vector_load %arg17[%get3A_381, %get3A_382] {strides = array<i32>} : memref<64x128xf32, #tpu.memory_space<vmem>>, vector<1x16xf32>,
      %get3A_384 = vector.shape_cast %get3A_383 : vector<1x16xf32> to vector<16xf32>
      %get3A_385 = arith.index_cast %scan3A_298 : i32 to index
      %get3A_386 = arith.constant 96 : index
      %get3A_387 = tpu.vector_load %arg20[%get3A_385, %get3A_386] {strides = array<i32>} : memref<64x128xf32, #tpu.memory_space<vmem>>, vector<1x16xf32>,
      %get3A_388 = vector.shape_cast %get3A_387 : vector<1x16xf32> to vector<16xf32>
      %mul3A_389 = arith.mulf %get3A_384, %get3A_388 : vector<16xf32>
      %swap3A_390 = arith.index_cast %scan3A_298 : i32 to index
      %swap3A_391 = arith.constant 96 : index
      %swap3A_392 = tpu.vector_load %arg17[%swap3A_390, %swap3A_391] {strides = array<i32>} : memref<64x128xf32, #tpu.memory_space<vmem>>, vector<1x16xf32>,
      %swap3A_393 = vector.shape_cast %swap3A_392 : vector<1x16xf32> to vector<16xf32>
      %swap3A_394 = vector.shape_cast %mul3A_389 : vector<16xf32> to vector<1x16xf32>
      tpu.vector_store %arg17[%swap3A_390, %swap3A_391], %swap3A_394 {strides = array<i32>} : memref<64x128xf32, #tpu.memory_space<vmem>>, vector<1x16xf32>,
      %get3A_395 = arith.index_cast %scan3A_298 : i32 to index
      %get3A_396 = arith.constant 112 : index
      %get3A_397 = tpu.vector_load %arg17[%get3A_395, %get3A_396] {strides = array<i32>} : memref<64x128xf32, #tpu.memory_space<vmem>>, vector<1x16xf32>,
      %get3A_398 = vector.shape_cast %get3A_397 : vector<1x16xf32> to vector<16xf32>
      %get3A_399 = arith.index_cast %scan3A_298 : i32 to index
      %get3A_400 = arith.constant 112 : index
      %get3A_401 = tpu.vector_load %arg20[%get3A_399, %get3A_400] {strides = array<i32>} : memref<64x128xf32, #tpu.memory_space<vmem>>, vector<1x16xf32>,
      %get3A_402 = vector.shape_cast %get3A_401 : vector<1x16xf32> to vector<16xf32>
      %mul3A_403 = arith.mulf %get3A_398, %get3A_402 : vector<16xf32>
      %swap3A_404 = arith.index_cast %scan3A_298 : i32 to index
      %swap3A_405 = arith.constant 112 : index
      %swap3A_406 = tpu.vector_load %arg17[%swap3A_404, %swap3A_405] {strides = array<i32>} : memref<64x128xf32, #tpu.memory_space<vmem>>, vector<1x16xf32>,
      %swap3A_407 = vector.shape_cast %swap3A_406 : vector<1x16xf32> to vector<16xf32>
      %swap3A_408 = vector.shape_cast %mul3A_403 : vector<16xf32> to vector<1x16xf32>
      tpu.vector_store %arg17[%swap3A_404, %swap3A_405], %swap3A_408 {strides = array<i32>} : memref<64x128xf32, #tpu.memory_space<vmem>>, vector<1x16xf32>,
    }
    %scan3A_67 = arith.constant 64 : i32
    %mul3A_68 = arith.constant 256 : i32
    %mul3A_69 = arith.muli %add3A, %mul3A_68 : i32
    %add3A_70 = arith.constant 0 : i32
    %add3A_71 = arith.addi %mul3A_69, %add3A_70 : i32
    %dma_start3A_72 = arith.constant 0 : i32
    %dma_start3A_73 = tpu.memref_slice %arg8[%add3A_71, %dma_start3A_72] : memref<8192x384xf32, #tpu.memory_space<hbm>> -> memref<64x128xf32, #tpu.memory_space<hbm>>
    %dma_start3A_74 = arith.constant 0 : i32
    %dma_start3A_75 = tpu.memref_slice %arg8[%add3A_71, %dma_start3A_74] : memref<8192x384xf32, #tpu.memory_space<hbm>> -> memref<64x128xf32, #tpu.memory_space<hbm>>
    tpu.enqueue_dma source(%arg11 : memref<64x128xf32, #tpu.memory_space<vmem>>) target(%dma_start3A_75 : memref<64x128xf32, #tpu.memory_space<hbm>>) target_semaphore(%arg35 : memref<!tpu.dma_semaphore, #tpu.memory_space<semaphore_mem>>)
    %dma_start3A_76 = arith.constant 128 : i32
    %dma_start3A_77 = tpu.memref_slice %arg8[%add3A_71, %dma_start3A_76] : memref<8192x384xf32, #tpu.memory_space<hbm>> -> memref<64x128xf32, #tpu.memory_space<hbm>>
    %dma_start3A_78 = arith.constant 128 : i32
    %dma_start3A_79 = tpu.memref_slice %arg8[%add3A_71, %dma_start3A_78] : memref<8192x384xf32, #tpu.memory_space<hbm>> -> memref<64x128xf32, #tpu.memory_space<hbm>>
    tpu.enqueue_dma source(%arg14 : memref<64x128xf32, #tpu.memory_space<vmem>>) target(%dma_start3A_79 : memref<64x128xf32, #tpu.memory_space<hbm>>) target_semaphore(%arg35 : memref<!tpu.dma_semaphore, #tpu.memory_space<semaphore_mem>>)
    %dma_start3A_80 = arith.constant 256 : i32
    %dma_start3A_81 = tpu.memref_slice %arg8[%add3A_71, %dma_start3A_80] : memref<8192x384xf32, #tpu.memory_space<hbm>> -> memref<64x128xf32, #tpu.memory_space<hbm>>
    %dma_start3A_82 = arith.constant 256 : i32
    %dma_start3A_83 = tpu.memref_slice %arg8[%add3A_71, %dma_start3A_82] : memref<8192x384xf32, #tpu.memory_space<hbm>> -> memref<64x128xf32, #tpu.memory_space<hbm>>
    tpu.enqueue_dma source(%arg17 : memref<64x128xf32, #tpu.memory_space<vmem>>) target(%dma_start3A_83 : memref<64x128xf32, #tpu.memory_space<hbm>>) target_semaphore(%arg35 : memref<!tpu.dma_semaphore, #tpu.memory_space<semaphore_mem>>)
    %dma_start3A_84 = arith.constant 128 : i32
    %dma_start3A_85 = tpu.memref_slice %arg9[%dma_start3A_84] : memref<256xi32, #tpu.memory_space<vmem>> -> memref<64xi32, #tpu.memory_space<vmem>>
    %dma_start3A_86 = arith.constant 0 : i32
    %dma_start3A_87 = arith.constant 0 : i32
    %dma_start3A_88 = tpu.memref_slice %arg4[%dma_start3A_86, %dma_start3A_87] : memref<100000x128xf32, #tpu.memory_space<hbm>> -> memref<100000x128xf32, #tpu.memory_space<hbm>>
    tpu.enqueue_indirect_dma source(%dma_start3A_88 : memref<100000x128xf32, #tpu.memory_space<hbm>>) target(%arg13 : memref<64x128xf32, #tpu.memory_space<vmem>>) offsets(%dma_start3A_85 : memref<64xi32, #tpu.memory_space<vmem>>) semaphore(%arg25 : memref<!tpu.dma_semaphore, #tpu.memory_space<semaphore_mem>>)
    %dma_start3A_89 = arith.constant 128 : i32
    %dma_start3A_90 = tpu.memref_slice %arg10[%dma_start3A_89] : memref<256xi32, #tpu.memory_space<vmem>> -> memref<64xi32, #tpu.memory_space<vmem>>
    %dma_start3A_91 = arith.constant 0 : i32
    %dma_start3A_92 = arith.constant 0 : i32
    %dma_start3A_93 = tpu.memref_slice %arg5[%dma_start3A_91, %dma_start3A_92] : memref<100000x128xf32, #tpu.memory_space<hbm>> -> memref<100000x128xf32, #tpu.memory_space<hbm>>
    tpu.enqueue_indirect_dma source(%dma_start3A_93 : memref<100000x128xf32, #tpu.memory_space<hbm>>) target(%arg16 : memref<64x128xf32, #tpu.memory_space<vmem>>) offsets(%dma_start3A_90 : memref<64xi32, #tpu.memory_space<vmem>>) semaphore(%arg28 : memref<!tpu.dma_semaphore, #tpu.memory_space<semaphore_mem>>)
    %dma_start3A_94 = arith.constant 128 : i32
    %dma_start3A_95 = tpu.memref_slice %arg9[%dma_start3A_94] : memref<256xi32, #tpu.memory_space<vmem>> -> memref<64xi32, #tpu.memory_space<vmem>>
    %dma_start3A_96 = arith.constant 0 : i32
    %dma_start3A_97 = arith.constant 0 : i32
    %dma_start3A_98 = tpu.memref_slice %arg6[%dma_start3A_96, %dma_start3A_97] : memref<100000x128xf32, #tpu.memory_space<hbm>> -> memref<100000x128xf32, #tpu.memory_space<hbm>>
    tpu.enqueue_indirect_dma source(%dma_start3A_98 : memref<100000x128xf32, #tpu.memory_space<hbm>>) target(%arg19 : memref<64x128xf32, #tpu.memory_space<vmem>>) offsets(%dma_start3A_95 : memref<64xi32, #tpu.memory_space<vmem>>) semaphore(%arg31 : memref<!tpu.dma_semaphore, #tpu.memory_space<semaphore_mem>>)
    %dma_start3A_99 = arith.constant 128 : i32
    %dma_start3A_100 = tpu.memref_slice %arg10[%dma_start3A_99] : memref<256xi32, #tpu.memory_space<vmem>> -> memref<64xi32, #tpu.memory_space<vmem>>
    %dma_start3A_101 = arith.constant 0 : i32
    %dma_start3A_102 = arith.constant 0 : i32
    %dma_start3A_103 = tpu.memref_slice %arg7[%dma_start3A_101, %dma_start3A_102] : memref<100000x128xf32, #tpu.memory_space<hbm>> -> memref<100000x128xf32, #tpu.memory_space<hbm>>
    tpu.enqueue_indirect_dma source(%dma_start3A_103 : memref<100000x128xf32, #tpu.memory_space<hbm>>) target(%arg22 : memref<64x128xf32, #tpu.memory_space<vmem>>) offsets(%dma_start3A_100 : memref<64xi32, #tpu.memory_space<vmem>>) semaphore(%arg34 : memref<!tpu.dma_semaphore, #tpu.memory_space<semaphore_mem>>)
    %dma_wait3A_104 = arith.constant 64 : i32
    %dma_wait3A_105 = tpu.memref_slice %arg9[%dma_wait3A_104] : memref<256xi32, #tpu.memory_space<vmem>> -> memref<64xi32, #tpu.memory_space<vmem>>
    %dma_wait3A_106 = arith.constant 0 : i32
    %dma_wait3A_107 = arith.constant 0 : i32
    %dma_wait3A_108 = tpu.memref_slice %arg4[%dma_wait3A_106, %dma_wait3A_107] : memref<100000x128xf32, #tpu.memory_space<hbm>> -> memref<100000x128xf32, #tpu.memory_space<hbm>>
    tpu.wait_indirect_dma semaphore(%arg24 : memref<!tpu.dma_semaphore, #tpu.memory_space<semaphore_mem>>) src(%dma_wait3A_108 : memref<100000x128xf32, #tpu.memory_space<hbm>>) dst(%arg12 : memref<64x128xf32, #tpu.memory_space<vmem>>)
    %dma_wait3A_109 = arith.constant 64 : i32
    %dma_wait3A_110 = tpu.memref_slice %arg10[%dma_wait3A_109] : memref<256xi32, #tpu.memory_space<vmem>> -> memref<64xi32, #tpu.memory_space<vmem>>
    %dma_wait3A_111 = arith.constant 0 : i32
    %dma_wait3A_112 = arith.constant 0 : i32
    %dma_wait3A_113 = tpu.memref_slice %arg5[%dma_wait3A_111, %dma_wait3A_112] : memref<100000x128xf32, #tpu.memory_space<hbm>> -> memref<100000x128xf32, #tpu.memory_space<hbm>>
    tpu.wait_indirect_dma semaphore(%arg27 : memref<!tpu.dma_semaphore, #tpu.memory_space<semaphore_mem>>) src(%dma_wait3A_113 : memref<100000x128xf32, #tpu.memory_space<hbm>>) dst(%arg15 : memref<64x128xf32, #tpu.memory_space<vmem>>)
    %dma_wait3A_114 = arith.constant 64 : i32
    %dma_wait3A_115 = tpu.memref_slice %arg9[%dma_wait3A_114] : memref<256xi32, #tpu.memory_space<vmem>> -> memref<64xi32, #tpu.memory_space<vmem>>
    %dma_wait3A_116 = arith.constant 0 : i32
    %dma_wait3A_117 = arith.constant 0 : i32
    %dma_wait3A_118 = tpu.memref_slice %arg6[%dma_wait3A_116, %dma_wait3A_117] : memref<100000x128xf32, #tpu.memory_space<hbm>> -> memref<100000x128xf32, #tpu.memory_space<hbm>>
    tpu.wait_indirect_dma semaphore(%arg30 : memref<!tpu.dma_semaphore, #tpu.memory_space<semaphore_mem>>) src(%dma_wait3A_118 : memref<100000x128xf32, #tpu.memory_space<hbm>>) dst(%arg18 : memref<64x128xf32, #tpu.memory_space<vmem>>)
    %dma_wait3A_119 = arith.constant 64 : i32
    %dma_wait3A_120 = tpu.memref_slice %arg10[%dma_wait3A_119] : memref<256xi32, #tpu.memory_space<vmem>> -> memref<64xi32, #tpu.memory_space<vmem>>
    %dma_wait3A_121 = arith.constant 0 : i32
    %dma_wait3A_122 = arith.constant 0 : i32
    %dma_wait3A_123 = tpu.memref_slice %arg7[%dma_wait3A_121, %dma_wait3A_122] : memref<100000x128xf32, #tpu.memory_space<hbm>> -> memref<100000x128xf32, #tpu.memory_space<hbm>>
    tpu.wait_indirect_dma semaphore(%arg33 : memref<!tpu.dma_semaphore, #tpu.memory_space<semaphore_mem>>) src(%dma_wait3A_123 : memref<100000x128xf32, #tpu.memory_space<hbm>>) dst(%arg21 : memref<64x128xf32, #tpu.memory_space<vmem>>)
    %scan3A_124 = arith.constant 0 : i32
    %scan3A_125 = arith.constant 0 : i32
    %scan3A_126 = arith.constant 64 : i32
    %scan3A_127 = arith.addi %scan3A_125, %scan3A_126 : i32
    %scan3A_128 = arith.constant 1 : i32
    scf.for %scan3A_298 = %scan3A_125 to %scan3A_127 step %scan3A_128  : i32 {
      %get3A = arith.index_cast %scan3A_298 : i32 to index
      %get3A_299 = arith.constant 0 : index
      %get3A_300 = tpu.vector_load %arg18[%get3A, %get3A_299] {strides = array<i32>} : memref<64x128xf32, #tpu.memory_space<vmem>>, vector<1x16xf32>,
      %get3A_301 = vector.shape_cast %get3A_300 : vector<1x16xf32> to vector<16xf32>
      %get3A_302 = arith.index_cast %scan3A_298 : i32 to index
      %get3A_303 = arith.constant 0 : index
      %get3A_304 = tpu.vector_load %arg21[%get3A_302, %get3A_303] {strides = array<i32>} : memref<64x128xf32, #tpu.memory_space<vmem>>, vector<1x16xf32>,
      %get3A_305 = vector.shape_cast %get3A_304 : vector<1x16xf32> to vector<16xf32>
      %mul3A_306 = arith.mulf %get3A_301, %get3A_305 : vector<16xf32>
      %swap3A = arith.index_cast %scan3A_298 : i32 to index
      %swap3A_307 = arith.constant 0 : index
      %swap3A_308 = tpu.vector_load %arg18[%swap3A, %swap3A_307] {strides = array<i32>} : memref<64x128xf32, #tpu.memory_space<vmem>>, vector<1x16xf32>,
      %swap3A_309 = vector.shape_cast %swap3A_308 : vector<1x16xf32> to vector<16xf32>
      %swap3A_310 = vector.shape_cast %mul3A_306 : vector<16xf32> to vector<1x16xf32>
      tpu.vector_store %arg18[%swap3A, %swap3A_307], %swap3A_310 {strides = array<i32>} : memref<64x128xf32, #tpu.memory_space<vmem>>, vector<1x16xf32>,
      %get3A_311 = arith.index_cast %scan3A_298 : i32 to index
      %get3A_312 = arith.constant 16 : index
      %get3A_313 = tpu.vector_load %arg18[%get3A_311, %get3A_312] {strides = array<i32>} : memref<64x128xf32, #tpu.memory_space<vmem>>, vector<1x16xf32>,
      %get3A_314 = vector.shape_cast %get3A_313 : vector<1x16xf32> to vector<16xf32>
      %get3A_315 = arith.index_cast %scan3A_298 : i32 to index
      %get3A_316 = arith.constant 16 : index
      %get3A_317 = tpu.vector_load %arg21[%get3A_315, %get3A_316] {strides = array<i32>} : memref<64x128xf32, #tpu.memory_space<vmem>>, vector<1x16xf32>,
      %get3A_318 = vector.shape_cast %get3A_317 : vector<1x16xf32> to vector<16xf32>
      %mul3A_319 = arith.mulf %get3A_314, %get3A_318 : vector<16xf32>
      %swap3A_320 = arith.index_cast %scan3A_298 : i32 to index
      %swap3A_321 = arith.constant 16 : index
      %swap3A_322 = tpu.vector_load %arg18[%swap3A_320, %swap3A_321] {strides = array<i32>} : memref<64x128xf32, #tpu.memory_space<vmem>>, vector<1x16xf32>,
      %swap3A_323 = vector.shape_cast %swap3A_322 : vector<1x16xf32> to vector<16xf32>
      %swap3A_324 = vector.shape_cast %mul3A_319 : vector<16xf32> to vector<1x16xf32>
      tpu.vector_store %arg18[%swap3A_320, %swap3A_321], %swap3A_324 {strides = array<i32>} : memref<64x128xf32, #tpu.memory_space<vmem>>, vector<1x16xf32>,
      %get3A_325 = arith.index_cast %scan3A_298 : i32 to index
      %get3A_326 = arith.constant 32 : index
      %get3A_327 = tpu.vector_load %arg18[%get3A_325, %get3A_326] {strides = array<i32>} : memref<64x128xf32, #tpu.memory_space<vmem>>, vector<1x16xf32>,
      %get3A_328 = vector.shape_cast %get3A_327 : vector<1x16xf32> to vector<16xf32>
      %get3A_329 = arith.index_cast %scan3A_298 : i32 to index
      %get3A_330 = arith.constant 32 : index
      %get3A_331 = tpu.vector_load %arg21[%get3A_329, %get3A_330] {strides = array<i32>} : memref<64x128xf32, #tpu.memory_space<vmem>>, vector<1x16xf32>,
      %get3A_332 = vector.shape_cast %get3A_331 : vector<1x16xf32> to vector<16xf32>
      %mul3A_333 = arith.mulf %get3A_328, %get3A_332 : vector<16xf32>
      %swap3A_334 = arith.index_cast %scan3A_298 : i32 to index
      %swap3A_335 = arith.constant 32 : index
      %swap3A_336 = tpu.vector_load %arg18[%swap3A_334, %swap3A_335] {strides = array<i32>} : memref<64x128xf32, #tpu.memory_space<vmem>>, vector<1x16xf32>,
      %swap3A_337 = vector.shape_cast %swap3A_336 : vector<1x16xf32> to vector<16xf32>
      %swap3A_338 = vector.shape_cast %mul3A_333 : vector<16xf32> to vector<1x16xf32>
      tpu.vector_store %arg18[%swap3A_334, %swap3A_335], %swap3A_338 {strides = array<i32>} : memref<64x128xf32, #tpu.memory_space<vmem>>, vector<1x16xf32>,
      %get3A_339 = arith.index_cast %scan3A_298 : i32 to index
      %get3A_340 = arith.constant 48 : index
      %get3A_341 = tpu.vector_load %arg18[%get3A_339, %get3A_340] {strides = array<i32>} : memref<64x128xf32, #tpu.memory_space<vmem>>, vector<1x16xf32>,
      %get3A_342 = vector.shape_cast %get3A_341 : vector<1x16xf32> to vector<16xf32>
      %get3A_343 = arith.index_cast %scan3A_298 : i32 to index
      %get3A_344 = arith.constant 48 : index
      %get3A_345 = tpu.vector_load %arg21[%get3A_343, %get3A_344] {strides = array<i32>} : memref<64x128xf32, #tpu.memory_space<vmem>>, vector<1x16xf32>,
      %get3A_346 = vector.shape_cast %get3A_345 : vector<1x16xf32> to vector<16xf32>
      %mul3A_347 = arith.mulf %get3A_342, %get3A_346 : vector<16xf32>
      %swap3A_348 = arith.index_cast %scan3A_298 : i32 to index
      %swap3A_349 = arith.constant 48 : index
      %swap3A_350 = tpu.vector_load %arg18[%swap3A_348, %swap3A_349] {strides = array<i32>} : memref<64x128xf32, #tpu.memory_space<vmem>>, vector<1x16xf32>,
      %swap3A_351 = vector.shape_cast %swap3A_350 : vector<1x16xf32> to vector<16xf32>
      %swap3A_352 = vector.shape_cast %mul3A_347 : vector<16xf32> to vector<1x16xf32>
      tpu.vector_store %arg18[%swap3A_348, %swap3A_349], %swap3A_352 {strides = array<i32>} : memref<64x128xf32, #tpu.memory_space<vmem>>, vector<1x16xf32>,
      %get3A_353 = arith.index_cast %scan3A_298 : i32 to index
      %get3A_354 = arith.constant 64 : index
      %get3A_355 = tpu.vector_load %arg18[%get3A_353, %get3A_354] {strides = array<i32>} : memref<64x128xf32, #tpu.memory_space<vmem>>, vector<1x16xf32>,
      %get3A_356 = vector.shape_cast %get3A_355 : vector<1x16xf32> to vector<16xf32>
      %get3A_357 = arith.index_cast %scan3A_298 : i32 to index
      %get3A_358 = arith.constant 64 : index
      %get3A_359 = tpu.vector_load %arg21[%get3A_357, %get3A_358] {strides = array<i32>} : memref<64x128xf32, #tpu.memory_space<vmem>>, vector<1x16xf32>,
      %get3A_360 = vector.shape_cast %get3A_359 : vector<1x16xf32> to vector<16xf32>
      %mul3A_361 = arith.mulf %get3A_356, %get3A_360 : vector<16xf32>
      %swap3A_362 = arith.index_cast %scan3A_298 : i32 to index
      %swap3A_363 = arith.constant 64 : index
      %swap3A_364 = tpu.vector_load %arg18[%swap3A_362, %swap3A_363] {strides = array<i32>} : memref<64x128xf32, #tpu.memory_space<vmem>>, vector<1x16xf32>,
      %swap3A_365 = vector.shape_cast %swap3A_364 : vector<1x16xf32> to vector<16xf32>
      %swap3A_366 = vector.shape_cast %mul3A_361 : vector<16xf32> to vector<1x16xf32>
      tpu.vector_store %arg18[%swap3A_362, %swap3A_363], %swap3A_366 {strides = array<i32>} : memref<64x128xf32, #tpu.memory_space<vmem>>, vector<1x16xf32>,
      %get3A_367 = arith.index_cast %scan3A_298 : i32 to index
      %get3A_368 = arith.constant 80 : index
      %get3A_369 = tpu.vector_load %arg18[%get3A_367, %get3A_368] {strides = array<i32>} : memref<64x128xf32, #tpu.memory_space<vmem>>, vector<1x16xf32>,
      %get3A_370 = vector.shape_cast %get3A_369 : vector<1x16xf32> to vector<16xf32>
      %get3A_371 = arith.index_cast %scan3A_298 : i32 to index
      %get3A_372 = arith.constant 80 : index
      %get3A_373 = tpu.vector_load %arg21[%get3A_371, %get3A_372] {strides = array<i32>} : memref<64x128xf32, #tpu.memory_space<vmem>>, vector<1x16xf32>,
      %get3A_374 = vector.shape_cast %get3A_373 : vector<1x16xf32> to vector<16xf32>
      %mul3A_375 = arith.mulf %get3A_370, %get3A_374 : vector<16xf32>
      %swap3A_376 = arith.index_cast %scan3A_298 : i32 to index
      %swap3A_377 = arith.constant 80 : index
      %swap3A_378 = tpu.vector_load %arg18[%swap3A_376, %swap3A_377] {strides = array<i32>} : memref<64x128xf32, #tpu.memory_space<vmem>>, vector<1x16xf32>,
      %swap3A_379 = vector.shape_cast %swap3A_378 : vector<1x16xf32> to vector<16xf32>
      %swap3A_380 = vector.shape_cast %mul3A_375 : vector<16xf32> to vector<1x16xf32>
      tpu.vector_store %arg18[%swap3A_376, %swap3A_377], %swap3A_380 {strides = array<i32>} : memref<64x128xf32, #tpu.memory_space<vmem>>, vector<1x16xf32>,
      %get3A_381 = arith.index_cast %scan3A_298 : i32 to index
      %get3A_382 = arith.constant 96 : index
      %get3A_383 = tpu.vector_load %arg18[%get3A_381, %get3A_382] {strides = array<i32>} : memref<64x128xf32, #tpu.memory_space<vmem>>, vector<1x16xf32>,
      %get3A_384 = vector.shape_cast %get3A_383 : vector<1x16xf32> to vector<16xf32>
      %get3A_385 = arith.index_cast %scan3A_298 : i32 to index
      %get3A_386 = arith.constant 96 : index
      %get3A_387 = tpu.vector_load %arg21[%get3A_385, %get3A_386] {strides = array<i32>} : memref<64x128xf32, #tpu.memory_space<vmem>>, vector<1x16xf32>,
      %get3A_388 = vector.shape_cast %get3A_387 : vector<1x16xf32> to vector<16xf32>
      %mul3A_389 = arith.mulf %get3A_384, %get3A_388 : vector<16xf32>
      %swap3A_390 = arith.index_cast %scan3A_298 : i32 to index
      %swap3A_391 = arith.constant 96 : index
      %swap3A_392 = tpu.vector_load %arg18[%swap3A_390, %swap3A_391] {strides = array<i32>} : memref<64x128xf32, #tpu.memory_space<vmem>>, vector<1x16xf32>,
      %swap3A_393 = vector.shape_cast %swap3A_392 : vector<1x16xf32> to vector<16xf32>
      %swap3A_394 = vector.shape_cast %mul3A_389 : vector<16xf32> to vector<1x16xf32>
      tpu.vector_store %arg18[%swap3A_390, %swap3A_391], %swap3A_394 {strides = array<i32>} : memref<64x128xf32, #tpu.memory_space<vmem>>, vector<1x16xf32>,
      %get3A_395 = arith.index_cast %scan3A_298 : i32 to index
      %get3A_396 = arith.constant 112 : index
      %get3A_397 = tpu.vector_load %arg18[%get3A_395, %get3A_396] {strides = array<i32>} : memref<64x128xf32, #tpu.memory_space<vmem>>, vector<1x16xf32>,
      %get3A_398 = vector.shape_cast %get3A_397 : vector<1x16xf32> to vector<16xf32>
      %get3A_399 = arith.index_cast %scan3A_298 : i32 to index
      %get3A_400 = arith.constant 112 : index
      %get3A_401 = tpu.vector_load %arg21[%get3A_399, %get3A_400] {strides = array<i32>} : memref<64x128xf32, #tpu.memory_space<vmem>>, vector<1x16xf32>,
      %get3A_402 = vector.shape_cast %get3A_401 : vector<1x16xf32> to vector<16xf32>
      %mul3A_403 = arith.mulf %get3A_398, %get3A_402 : vector<16xf32>
      %swap3A_404 = arith.index_cast %scan3A_298 : i32 to index
      %swap3A_405 = arith.constant 112 : index
      %swap3A_406 = tpu.vector_load %arg18[%swap3A_404, %swap3A_405] {strides = array<i32>} : memref<64x128xf32, #tpu.memory_space<vmem>>, vector<1x16xf32>,
      %swap3A_407 = vector.shape_cast %swap3A_406 : vector<1x16xf32> to vector<16xf32>
      %swap3A_408 = vector.shape_cast %mul3A_403 : vector<16xf32> to vector<1x16xf32>
      tpu.vector_store %arg18[%swap3A_404, %swap3A_405], %swap3A_408 {strides = array<i32>} : memref<64x128xf32, #tpu.memory_space<vmem>>, vector<1x16xf32>,
    }
    %scan3A_129 = arith.constant 64 : i32
    %mul3A_130 = arith.constant 256 : i32
    %mul3A_131 = arith.muli %add3A, %mul3A_130 : i32
    %add3A_132 = arith.constant 64 : i32
    %add3A_133 = arith.addi %mul3A_131, %add3A_132 : i32
    %dma_start3A_134 = arith.constant 0 : i32
    %dma_start3A_135 = tpu.memref_slice %arg8[%add3A_133, %dma_start3A_134] : memref<8192x384xf32, #tpu.memory_space<hbm>> -> memref<64x128xf32, #tpu.memory_space<hbm>>
    %dma_start3A_136 = arith.constant 0 : i32
    %dma_start3A_137 = tpu.memref_slice %arg8[%add3A_133, %dma_start3A_136] : memref<8192x384xf32, #tpu.memory_space<hbm>> -> memref<64x128xf32, #tpu.memory_space<hbm>>
    tpu.enqueue_dma source(%arg12 : memref<64x128xf32, #tpu.memory_space<vmem>>) target(%dma_start3A_137 : memref<64x128xf32, #tpu.memory_space<hbm>>) target_semaphore(%arg36 : memref<!tpu.dma_semaphore, #tpu.memory_space<semaphore_mem>>)
    %dma_start3A_138 = arith.constant 128 : i32
    %dma_start3A_139 = tpu.memref_slice %arg8[%add3A_133, %dma_start3A_138] : memref<8192x384xf32, #tpu.memory_space<hbm>> -> memref<64x128xf32, #tpu.memory_space<hbm>>
    %dma_start3A_140 = arith.constant 128 : i32
    %dma_start3A_141 = tpu.memref_slice %arg8[%add3A_133, %dma_start3A_140] : memref<8192x384xf32, #tpu.memory_space<hbm>> -> memref<64x128xf32, #tpu.memory_space<hbm>>
    tpu.enqueue_dma source(%arg15 : memref<64x128xf32, #tpu.memory_space<vmem>>) target(%dma_start3A_141 : memref<64x128xf32, #tpu.memory_space<hbm>>) target_semaphore(%arg36 : memref<!tpu.dma_semaphore, #tpu.memory_space<semaphore_mem>>)
    %dma_start3A_142 = arith.constant 256 : i32
    %dma_start3A_143 = tpu.memref_slice %arg8[%add3A_133, %dma_start3A_142] : memref<8192x384xf32, #tpu.memory_space<hbm>> -> memref<64x128xf32, #tpu.memory_space<hbm>>
    %dma_start3A_144 = arith.constant 256 : i32
    %dma_start3A_145 = tpu.memref_slice %arg8[%add3A_133, %dma_start3A_144] : memref<8192x384xf32, #tpu.memory_space<hbm>> -> memref<64x128xf32, #tpu.memory_space<hbm>>
    tpu.enqueue_dma source(%arg18 : memref<64x128xf32, #tpu.memory_space<vmem>>) target(%dma_start3A_145 : memref<64x128xf32, #tpu.memory_space<hbm>>) target_semaphore(%arg36 : memref<!tpu.dma_semaphore, #tpu.memory_space<semaphore_mem>>)
    %dma_wait3A_146 = arith.constant 0 : i32
    %dma_wait3A_147 = tpu.memref_slice %arg8[%add3A_71, %dma_wait3A_146] : memref<8192x384xf32, #tpu.memory_space<hbm>> -> memref<64x128xf32, #tpu.memory_space<hbm>>
    %dma_wait3A_148 = arith.constant 0 : i32
    %dma_wait3A_149 = tpu.memref_slice %arg8[%add3A_71, %dma_wait3A_148] : memref<8192x384xf32, #tpu.memory_space<hbm>> -> memref<64x128xf32, #tpu.memory_space<hbm>>
    tpu.wait_dma2 semaphore(%arg35 : memref<!tpu.dma_semaphore, #tpu.memory_space<semaphore_mem>>) src(%arg11 : memref<64x128xf32, #tpu.memory_space<vmem>>) dst(%dma_wait3A_149 : memref<64x128xf32, #tpu.memory_space<hbm>>)
    %dma_wait3A_150 = arith.constant 128 : i32
    %dma_wait3A_151 = tpu.memref_slice %arg8[%add3A_71, %dma_wait3A_150] : memref<8192x384xf32, #tpu.memory_space<hbm>> -> memref<64x128xf32, #tpu.memory_space<hbm>>
    %dma_wait3A_152 = arith.constant 128 : i32
    %dma_wait3A_153 = tpu.memref_slice %arg8[%add3A_71, %dma_wait3A_152] : memref<8192x384xf32, #tpu.memory_space<hbm>> -> memref<64x128xf32, #tpu.memory_space<hbm>>
    tpu.wait_dma2 semaphore(%arg35 : memref<!tpu.dma_semaphore, #tpu.memory_space<semaphore_mem>>) src(%arg14 : memref<64x128xf32, #tpu.memory_space<vmem>>) dst(%dma_wait3A_153 : memref<64x128xf32, #tpu.memory_space<hbm>>)
    %dma_wait3A_154 = arith.constant 256 : i32
    %dma_wait3A_155 = tpu.memref_slice %arg8[%add3A_71, %dma_wait3A_154] : memref<8192x384xf32, #tpu.memory_space<hbm>> -> memref<64x128xf32, #tpu.memory_space<hbm>>
    %dma_wait3A_156 = arith.constant 256 : i32
    %dma_wait3A_157 = tpu.memref_slice %arg8[%add3A_71, %dma_wait3A_156] : memref<8192x384xf32, #tpu.memory_space<hbm>> -> memref<64x128xf32, #tpu.memory_space<hbm>>
    tpu.wait_dma2 semaphore(%arg35 : memref<!tpu.dma_semaphore, #tpu.memory_space<semaphore_mem>>) src(%arg17 : memref<64x128xf32, #tpu.memory_space<vmem>>) dst(%dma_wait3A_157 : memref<64x128xf32, #tpu.memory_space<hbm>>)
    %dma_start3A_158 = arith.constant 192 : i32
    %dma_start3A_159 = tpu.memref_slice %arg9[%dma_start3A_158] : memref<256xi32, #tpu.memory_space<vmem>> -> memref<64xi32, #tpu.memory_space<vmem>>
    %dma_start3A_160 = arith.constant 0 : i32
    %dma_start3A_161 = arith.constant 0 : i32
    %dma_start3A_162 = tpu.memref_slice %arg4[%dma_start3A_160, %dma_start3A_161] : memref<100000x128xf32, #tpu.memory_space<hbm>> -> memref<100000x128xf32, #tpu.memory_space<hbm>>
    tpu.enqueue_indirect_dma source(%dma_start3A_162 : memref<100000x128xf32, #tpu.memory_space<hbm>>) target(%arg11 : memref<64x128xf32, #tpu.memory_space<vmem>>) offsets(%dma_start3A_159 : memref<64xi32, #tpu.memory_space<vmem>>) semaphore(%arg23 : memref<!tpu.dma_semaphore, #tpu.memory_space<semaphore_mem>>)
    %dma_start3A_163 = arith.constant 192 : i32
    %dma_start3A_164 = tpu.memref_slice %arg10[%dma_start3A_163] : memref<256xi32, #tpu.memory_space<vmem>> -> memref<64xi32, #tpu.memory_space<vmem>>
    %dma_start3A_165 = arith.constant 0 : i32
    %dma_start3A_166 = arith.constant 0 : i32
    %dma_start3A_167 = tpu.memref_slice %arg5[%dma_start3A_165, %dma_start3A_166] : memref<100000x128xf32, #tpu.memory_space<hbm>> -> memref<100000x128xf32, #tpu.memory_space<hbm>>
    tpu.enqueue_indirect_dma source(%dma_start3A_167 : memref<100000x128xf32, #tpu.memory_space<hbm>>) target(%arg14 : memref<64x128xf32, #tpu.memory_space<vmem>>) offsets(%dma_start3A_164 : memref<64xi32, #tpu.memory_space<vmem>>) semaphore(%arg26 : memref<!tpu.dma_semaphore, #tpu.memory_space<semaphore_mem>>)
    %dma_start3A_168 = arith.constant 192 : i32
    %dma_start3A_169 = tpu.memref_slice %arg9[%dma_start3A_168] : memref<256xi32, #tpu.memory_space<vmem>> -> memref<64xi32, #tpu.memory_space<vmem>>
    %dma_start3A_170 = arith.constant 0 : i32
    %dma_start3A_171 = arith.constant 0 : i32
    %dma_start3A_172 = tpu.memref_slice %arg6[%dma_start3A_170, %dma_start3A_171] : memref<100000x128xf32, #tpu.memory_space<hbm>> -> memref<100000x128xf32, #tpu.memory_space<hbm>>
    tpu.enqueue_indirect_dma source(%dma_start3A_172 : memref<100000x128xf32, #tpu.memory_space<hbm>>) target(%arg17 : memref<64x128xf32, #tpu.memory_space<vmem>>) offsets(%dma_start3A_169 : memref<64xi32, #tpu.memory_space<vmem>>) semaphore(%arg29 : memref<!tpu.dma_semaphore, #tpu.memory_space<semaphore_mem>>)
    %dma_start3A_173 = arith.constant 192 : i32
    %dma_start3A_174 = tpu.memref_slice %arg10[%dma_start3A_173] : memref<256xi32, #tpu.memory_space<vmem>> -> memref<64xi32, #tpu.memory_space<vmem>>
    %dma_start3A_175 = arith.constant 0 : i32
    %dma_start3A_176 = arith.constant 0 : i32
    %dma_start3A_177 = tpu.memref_slice %arg7[%dma_start3A_175, %dma_start3A_176] : memref<100000x128xf32, #tpu.memory_space<hbm>> -> memref<100000x128xf32, #tpu.memory_space<hbm>>
    tpu.enqueue_indirect_dma source(%dma_start3A_177 : memref<100000x128xf32, #tpu.memory_space<hbm>>) target(%arg20 : memref<64x128xf32, #tpu.memory_space<vmem>>) offsets(%dma_start3A_174 : memref<64xi32, #tpu.memory_space<vmem>>) semaphore(%arg32 : memref<!tpu.dma_semaphore, #tpu.memory_space<semaphore_mem>>)
    %dma_wait3A_178 = arith.constant 128 : i32
    %dma_wait3A_179 = tpu.memref_slice %arg9[%dma_wait3A_178] : memref<256xi32, #tpu.memory_space<vmem>> -> memref<64xi32, #tpu.memory_space<vmem>>
    %dma_wait3A_180 = arith.constant 0 : i32
    %dma_wait3A_181 = arith.constant 0 : i32
    %dma_wait3A_182 = tpu.memref_slice %arg4[%dma_wait3A_180, %dma_wait3A_181] : memref<100000x128xf32, #tpu.memory_space<hbm>> -> memref<100000x128xf32, #tpu.memory_space<hbm>>
    tpu.wait_indirect_dma semaphore(%arg25 : memref<!tpu.dma_semaphore, #tpu.memory_space<semaphore_mem>>) src(%dma_wait3A_182 : memref<100000x128xf32, #tpu.memory_space<hbm>>) dst(%arg13 : memref<64x128xf32, #tpu.memory_space<vmem>>)
    %dma_wait3A_183 = arith.constant 128 : i32
    %dma_wait3A_184 = tpu.memref_slice %arg10[%dma_wait3A_183] : memref<256xi32, #tpu.memory_space<vmem>> -> memref<64xi32, #tpu.memory_space<vmem>>
    %dma_wait3A_185 = arith.constant 0 : i32
    %dma_wait3A_186 = arith.constant 0 : i32
    %dma_wait3A_187 = tpu.memref_slice %arg5[%dma_wait3A_185, %dma_wait3A_186] : memref<100000x128xf32, #tpu.memory_space<hbm>> -> memref<100000x128xf32, #tpu.memory_space<hbm>>
    tpu.wait_indirect_dma semaphore(%arg28 : memref<!tpu.dma_semaphore, #tpu.memory_space<semaphore_mem>>) src(%dma_wait3A_187 : memref<100000x128xf32, #tpu.memory_space<hbm>>) dst(%arg16 : memref<64x128xf32, #tpu.memory_space<vmem>>)
    %dma_wait3A_188 = arith.constant 128 : i32
    %dma_wait3A_189 = tpu.memref_slice %arg9[%dma_wait3A_188] : memref<256xi32, #tpu.memory_space<vmem>> -> memref<64xi32, #tpu.memory_space<vmem>>
    %dma_wait3A_190 = arith.constant 0 : i32
    %dma_wait3A_191 = arith.constant 0 : i32
    %dma_wait3A_192 = tpu.memref_slice %arg6[%dma_wait3A_190, %dma_wait3A_191] : memref<100000x128xf32, #tpu.memory_space<hbm>> -> memref<100000x128xf32, #tpu.memory_space<hbm>>
    tpu.wait_indirect_dma semaphore(%arg31 : memref<!tpu.dma_semaphore, #tpu.memory_space<semaphore_mem>>) src(%dma_wait3A_192 : memref<100000x128xf32, #tpu.memory_space<hbm>>) dst(%arg19 : memref<64x128xf32, #tpu.memory_space<vmem>>)
    %dma_wait3A_193 = arith.constant 128 : i32
    %dma_wait3A_194 = tpu.memref_slice %arg10[%dma_wait3A_193] : memref<256xi32, #tpu.memory_space<vmem>> -> memref<64xi32, #tpu.memory_space<vmem>>
    %dma_wait3A_195 = arith.constant 0 : i32
    %dma_wait3A_196 = arith.constant 0 : i32
    %dma_wait3A_197 = tpu.memref_slice %arg7[%dma_wait3A_195, %dma_wait3A_196] : memref<100000x128xf32, #tpu.memory_space<hbm>> -> memref<100000x128xf32, #tpu.memory_space<hbm>>
    tpu.wait_indirect_dma semaphore(%arg34 : memref<!tpu.dma_semaphore, #tpu.memory_space<semaphore_mem>>) src(%dma_wait3A_197 : memref<100000x128xf32, #tpu.memory_space<hbm>>) dst(%arg22 : memref<64x128xf32, #tpu.memory_space<vmem>>)
    %scan3A_198 = arith.constant 0 : i32
    %scan3A_199 = arith.constant 0 : i32
    %scan3A_200 = arith.constant 64 : i32
    %scan3A_201 = arith.addi %scan3A_199, %scan3A_200 : i32
    %scan3A_202 = arith.constant 1 : i32
    scf.for %scan3A_298 = %scan3A_199 to %scan3A_201 step %scan3A_202  : i32 {
      %get3A = arith.index_cast %scan3A_298 : i32 to index
      %get3A_299 = arith.constant 0 : index
      %get3A_300 = tpu.vector_load %arg19[%get3A, %get3A_299] {strides = array<i32>} : memref<64x128xf32, #tpu.memory_space<vmem>>, vector<1x16xf32>,
      %get3A_301 = vector.shape_cast %get3A_300 : vector<1x16xf32> to vector<16xf32>
      %get3A_302 = arith.index_cast %scan3A_298 : i32 to index
      %get3A_303 = arith.constant 0 : index
      %get3A_304 = tpu.vector_load %arg22[%get3A_302, %get3A_303] {strides = array<i32>} : memref<64x128xf32, #tpu.memory_space<vmem>>, vector<1x16xf32>,
      %get3A_305 = vector.shape_cast %get3A_304 : vector<1x16xf32> to vector<16xf32>
      %mul3A_306 = arith.mulf %get3A_301, %get3A_305 : vector<16xf32>
      %swap3A = arith.index_cast %scan3A_298 : i32 to index
      %swap3A_307 = arith.constant 0 : index
      %swap3A_308 = tpu.vector_load %arg19[%swap3A, %swap3A_307] {strides = array<i32>} : memref<64x128xf32, #tpu.memory_space<vmem>>, vector<1x16xf32>,
      %swap3A_309 = vector.shape_cast %swap3A_308 : vector<1x16xf32> to vector<16xf32>
      %swap3A_310 = vector.shape_cast %mul3A_306 : vector<16xf32> to vector<1x16xf32>
      tpu.vector_store %arg19[%swap3A, %swap3A_307], %swap3A_310 {strides = array<i32>} : memref<64x128xf32, #tpu.memory_space<vmem>>, vector<1x16xf32>,
      %get3A_311 = arith.index_cast %scan3A_298 : i32 to index
      %get3A_312 = arith.constant 16 : index
      %get3A_313 = tpu.vector_load %arg19[%get3A_311, %get3A_312] {strides = array<i32>} : memref<64x128xf32, #tpu.memory_space<vmem>>, vector<1x16xf32>,
      %get3A_314 = vector.shape_cast %get3A_313 : vector<1x16xf32> to vector<16xf32>
      %get3A_315 = arith.index_cast %scan3A_298 : i32 to index
      %get3A_316 = arith.constant 16 : index
      %get3A_317 = tpu.vector_load %arg22[%get3A_315, %get3A_316] {strides = array<i32>} : memref<64x128xf32, #tpu.memory_space<vmem>>, vector<1x16xf32>,
      %get3A_318 = vector.shape_cast %get3A_317 : vector<1x16xf32> to vector<16xf32>
      %mul3A_319 = arith.mulf %get3A_314, %get3A_318 : vector<16xf32>
      %swap3A_320 = arith.index_cast %scan3A_298 : i32 to index
      %swap3A_321 = arith.constant 16 : index
      %swap3A_322 = tpu.vector_load %arg19[%swap3A_320, %swap3A_321] {strides = array<i32>} : memref<64x128xf32, #tpu.memory_space<vmem>>, vector<1x16xf32>,
      %swap3A_323 = vector.shape_cast %swap3A_322 : vector<1x16xf32> to vector<16xf32>
      %swap3A_324 = vector.shape_cast %mul3A_319 : vector<16xf32> to vector<1x16xf32>
      tpu.vector_store %arg19[%swap3A_320, %swap3A_321], %swap3A_324 {strides = array<i32>} : memref<64x128xf32, #tpu.memory_space<vmem>>, vector<1x16xf32>,
      %get3A_325 = arith.index_cast %scan3A_298 : i32 to index
      %get3A_326 = arith.constant 32 : index
      %get3A_327 = tpu.vector_load %arg19[%get3A_325, %get3A_326] {strides = array<i32>} : memref<64x128xf32, #tpu.memory_space<vmem>>, vector<1x16xf32>,
      %get3A_328 = vector.shape_cast %get3A_327 : vector<1x16xf32> to vector<16xf32>
      %get3A_329 = arith.index_cast %scan3A_298 : i32 to index
      %get3A_330 = arith.constant 32 : index
      %get3A_331 = tpu.vector_load %arg22[%get3A_329, %get3A_330] {strides = array<i32>} : memref<64x128xf32, #tpu.memory_space<vmem>>, vector<1x16xf32>,
      %get3A_332 = vector.shape_cast %get3A_331 : vector<1x16xf32> to vector<16xf32>
      %mul3A_333 = arith.mulf %get3A_328, %get3A_332 : vector<16xf32>
      %swap3A_334 = arith.index_cast %scan3A_298 : i32 to index
      %swap3A_335 = arith.constant 32 : index
      %swap3A_336 = tpu.vector_load %arg19[%swap3A_334, %swap3A_335] {strides = array<i32>} : memref<64x128xf32, #tpu.memory_space<vmem>>, vector<1x16xf32>,
      %swap3A_337 = vector.shape_cast %swap3A_336 : vector<1x16xf32> to vector<16xf32>
      %swap3A_338 = vector.shape_cast %mul3A_333 : vector<16xf32> to vector<1x16xf32>
      tpu.vector_store %arg19[%swap3A_334, %swap3A_335], %swap3A_338 {strides = array<i32>} : memref<64x128xf32, #tpu.memory_space<vmem>>, vector<1x16xf32>,
      %get3A_339 = arith.index_cast %scan3A_298 : i32 to index
      %get3A_340 = arith.constant 48 : index
      %get3A_341 = tpu.vector_load %arg19[%get3A_339, %get3A_340] {strides = array<i32>} : memref<64x128xf32, #tpu.memory_space<vmem>>, vector<1x16xf32>,
      %get3A_342 = vector.shape_cast %get3A_341 : vector<1x16xf32> to vector<16xf32>
      %get3A_343 = arith.index_cast %scan3A_298 : i32 to index
      %get3A_344 = arith.constant 48 : index
      %get3A_345 = tpu.vector_load %arg22[%get3A_343, %get3A_344] {strides = array<i32>} : memref<64x128xf32, #tpu.memory_space<vmem>>, vector<1x16xf32>,
      %get3A_346 = vector.shape_cast %get3A_345 : vector<1x16xf32> to vector<16xf32>
      %mul3A_347 = arith.mulf %get3A_342, %get3A_346 : vector<16xf32>
      %swap3A_348 = arith.index_cast %scan3A_298 : i32 to index
      %swap3A_349 = arith.constant 48 : index
      %swap3A_350 = tpu.vector_load %arg19[%swap3A_348, %swap3A_349] {strides = array<i32>} : memref<64x128xf32, #tpu.memory_space<vmem>>, vector<1x16xf32>,
      %swap3A_351 = vector.shape_cast %swap3A_350 : vector<1x16xf32> to vector<16xf32>
      %swap3A_352 = vector.shape_cast %mul3A_347 : vector<16xf32> to vector<1x16xf32>
      tpu.vector_store %arg19[%swap3A_348, %swap3A_349], %swap3A_352 {strides = array<i32>} : memref<64x128xf32, #tpu.memory_space<vmem>>, vector<1x16xf32>,
      %get3A_353 = arith.index_cast %scan3A_298 : i32 to index
      %get3A_354 = arith.constant 64 : index
      %get3A_355 = tpu.vector_load %arg19[%get3A_353, %get3A_354] {strides = array<i32>} : memref<64x128xf32, #tpu.memory_space<vmem>>, vector<1x16xf32>,
      %get3A_356 = vector.shape_cast %get3A_355 : vector<1x16xf32> to vector<16xf32>
      %get3A_357 = arith.index_cast %scan3A_298 : i32 to index
      %get3A_358 = arith.constant 64 : index
      %get3A_359 = tpu.vector_load %arg22[%get3A_357, %get3A_358] {strides = array<i32>} : memref<64x128xf32, #tpu.memory_space<vmem>>, vector<1x16xf32>,
      %get3A_360 = vector.shape_cast %get3A_359 : vector<1x16xf32> to vector<16xf32>
      %mul3A_361 = arith.mulf %get3A_356, %get3A_360 : vector<16xf32>
      %swap3A_362 = arith.index_cast %scan3A_298 : i32 to index
      %swap3A_363 = arith.constant 64 : index
      %swap3A_364 = tpu.vector_load %arg19[%swap3A_362, %swap3A_363] {strides = array<i32>} : memref<64x128xf32, #tpu.memory_space<vmem>>, vector<1x16xf32>,
      %swap3A_365 = vector.shape_cast %swap3A_364 : vector<1x16xf32> to vector<16xf32>
      %swap3A_366 = vector.shape_cast %mul3A_361 : vector<16xf32> to vector<1x16xf32>
      tpu.vector_store %arg19[%swap3A_362, %swap3A_363], %swap3A_366 {strides = array<i32>} : memref<64x128xf32, #tpu.memory_space<vmem>>, vector<1x16xf32>,
      %get3A_367 = arith.index_cast %scan3A_298 : i32 to index
      %get3A_368 = arith.constant 80 : index
      %get3A_369 = tpu.vector_load %arg19[%get3A_367, %get3A_368] {strides = array<i32>} : memref<64x128xf32, #tpu.memory_space<vmem>>, vector<1x16xf32>,
      %get3A_370 = vector.shape_cast %get3A_369 : vector<1x16xf32> to vector<16xf32>
      %get3A_371 = arith.index_cast %scan3A_298 : i32 to index
      %get3A_372 = arith.constant 80 : index
      %get3A_373 = tpu.vector_load %arg22[%get3A_371, %get3A_372] {strides = array<i32>} : memref<64x128xf32, #tpu.memory_space<vmem>>, vector<1x16xf32>,
      %get3A_374 = vector.shape_cast %get3A_373 : vector<1x16xf32> to vector<16xf32>
      %mul3A_375 = arith.mulf %get3A_370, %get3A_374 : vector<16xf32>
      %swap3A_376 = arith.index_cast %scan3A_298 : i32 to index
      %swap3A_377 = arith.constant 80 : index
      %swap3A_378 = tpu.vector_load %arg19[%swap3A_376, %swap3A_377] {strides = array<i32>} : memref<64x128xf32, #tpu.memory_space<vmem>>, vector<1x16xf32>,
      %swap3A_379 = vector.shape_cast %swap3A_378 : vector<1x16xf32> to vector<16xf32>
      %swap3A_380 = vector.shape_cast %mul3A_375 : vector<16xf32> to vector<1x16xf32>
      tpu.vector_store %arg19[%swap3A_376, %swap3A_377], %swap3A_380 {strides = array<i32>} : memref<64x128xf32, #tpu.memory_space<vmem>>, vector<1x16xf32>,
      %get3A_381 = arith.index_cast %scan3A_298 : i32 to index
      %get3A_382 = arith.constant 96 : index
      %get3A_383 = tpu.vector_load %arg19[%get3A_381, %get3A_382] {strides = array<i32>} : memref<64x128xf32, #tpu.memory_space<vmem>>, vector<1x16xf32>,
      %get3A_384 = vector.shape_cast %get3A_383 : vector<1x16xf32> to vector<16xf32>
      %get3A_385 = arith.index_cast %scan3A_298 : i32 to index
      %get3A_386 = arith.constant 96 : index
      %get3A_387 = tpu.vector_load %arg22[%get3A_385, %get3A_386] {strides = array<i32>} : memref<64x128xf32, #tpu.memory_space<vmem>>, vector<1x16xf32>,
      %get3A_388 = vector.shape_cast %get3A_387 : vector<1x16xf32> to vector<16xf32>
      %mul3A_389 = arith.mulf %get3A_384, %get3A_388 : vector<16xf32>
      %swap3A_390 = arith.index_cast %scan3A_298 : i32 to index
      %swap3A_391 = arith.constant 96 : index
      %swap3A_392 = tpu.vector_load %arg19[%swap3A_390, %swap3A_391] {strides = array<i32>} : memref<64x128xf32, #tpu.memory_space<vmem>>, vector<1x16xf32>,
      %swap3A_393 = vector.shape_cast %swap3A_392 : vector<1x16xf32> to vector<16xf32>
      %swap3A_394 = vector.shape_cast %mul3A_389 : vector<16xf32> to vector<1x16xf32>
      tpu.vector_store %arg19[%swap3A_390, %swap3A_391], %swap3A_394 {strides = array<i32>} : memref<64x128xf32, #tpu.memory_space<vmem>>, vector<1x16xf32>,
      %get3A_395 = arith.index_cast %scan3A_298 : i32 to index
      %get3A_396 = arith.constant 112 : index
      %get3A_397 = tpu.vector_load %arg19[%get3A_395, %get3A_396] {strides = array<i32>} : memref<64x128xf32, #tpu.memory_space<vmem>>, vector<1x16xf32>,
      %get3A_398 = vector.shape_cast %get3A_397 : vector<1x16xf32> to vector<16xf32>
      %get3A_399 = arith.index_cast %scan3A_298 : i32 to index
      %get3A_400 = arith.constant 112 : index
      %get3A_401 = tpu.vector_load %arg22[%get3A_399, %get3A_400] {strides = array<i32>} : memref<64x128xf32, #tpu.memory_space<vmem>>, vector<1x16xf32>,
      %get3A_402 = vector.shape_cast %get3A_401 : vector<1x16xf32> to vector<16xf32>
      %mul3A_403 = arith.mulf %get3A_398, %get3A_402 : vector<16xf32>
      %swap3A_404 = arith.index_cast %scan3A_298 : i32 to index
      %swap3A_405 = arith.constant 112 : index
      %swap3A_406 = tpu.vector_load %arg19[%swap3A_404, %swap3A_405] {strides = array<i32>} : memref<64x128xf32, #tpu.memory_space<vmem>>, vector<1x16xf32>,
      %swap3A_407 = vector.shape_cast %swap3A_406 : vector<1x16xf32> to vector<16xf32>
      %swap3A_408 = vector.shape_cast %mul3A_403 : vector<16xf32> to vector<1x16xf32>
      tpu.vector_store %arg19[%swap3A_404, %swap3A_405], %swap3A_408 {strides = array<i32>} : memref<64x128xf32, #tpu.memory_space<vmem>>, vector<1x16xf32>,
    }
    %scan3A_203 = arith.constant 64 : i32
    %mul3A_204 = arith.constant 256 : i32
    %mul3A_205 = arith.muli %add3A, %mul3A_204 : i32
    %add3A_206 = arith.constant 128 : i32
    %add3A_207 = arith.addi %mul3A_205, %add3A_206 : i32
    %dma_start3A_208 = arith.constant 0 : i32
    %dma_start3A_209 = tpu.memref_slice %arg8[%add3A_207, %dma_start3A_208] : memref<8192x384xf32, #tpu.memory_space<hbm>> -> memref<64x128xf32, #tpu.memory_space<hbm>>
    %dma_start3A_210 = arith.constant 0 : i32
    %dma_start3A_211 = tpu.memref_slice %arg8[%add3A_207, %dma_start3A_210] : memref<8192x384xf32, #tpu.memory_space<hbm>> -> memref<64x128xf32, #tpu.memory_space<hbm>>
    tpu.enqueue_dma source(%arg13 : memref<64x128xf32, #tpu.memory_space<vmem>>) target(%dma_start3A_211 : memref<64x128xf32, #tpu.memory_space<hbm>>) target_semaphore(%arg37 : memref<!tpu.dma_semaphore, #tpu.memory_space<semaphore_mem>>)
    %dma_start3A_212 = arith.constant 128 : i32
    %dma_start3A_213 = tpu.memref_slice %arg8[%add3A_207, %dma_start3A_212] : memref<8192x384xf32, #tpu.memory_space<hbm>> -> memref<64x128xf32, #tpu.memory_space<hbm>>
    %dma_start3A_214 = arith.constant 128 : i32
    %dma_start3A_215 = tpu.memref_slice %arg8[%add3A_207, %dma_start3A_214] : memref<8192x384xf32, #tpu.memory_space<hbm>> -> memref<64x128xf32, #tpu.memory_space<hbm>>
    tpu.enqueue_dma source(%arg16 : memref<64x128xf32, #tpu.memory_space<vmem>>) target(%dma_start3A_215 : memref<64x128xf32, #tpu.memory_space<hbm>>) target_semaphore(%arg37 : memref<!tpu.dma_semaphore, #tpu.memory_space<semaphore_mem>>)
    %dma_start3A_216 = arith.constant 256 : i32
    %dma_start3A_217 = tpu.memref_slice %arg8[%add3A_207, %dma_start3A_216] : memref<8192x384xf32, #tpu.memory_space<hbm>> -> memref<64x128xf32, #tpu.memory_space<hbm>>
    %dma_start3A_218 = arith.constant 256 : i32
    %dma_start3A_219 = tpu.memref_slice %arg8[%add3A_207, %dma_start3A_218] : memref<8192x384xf32, #tpu.memory_space<hbm>> -> memref<64x128xf32, #tpu.memory_space<hbm>>
    tpu.enqueue_dma source(%arg19 : memref<64x128xf32, #tpu.memory_space<vmem>>) target(%dma_start3A_219 : memref<64x128xf32, #tpu.memory_space<hbm>>) target_semaphore(%arg37 : memref<!tpu.dma_semaphore, #tpu.memory_space<semaphore_mem>>)
    %dma_wait3A_220 = arith.constant 192 : i32
    %dma_wait3A_221 = tpu.memref_slice %arg9[%dma_wait3A_220] : memref<256xi32, #tpu.memory_space<vmem>> -> memref<64xi32, #tpu.memory_space<vmem>>
    %dma_wait3A_222 = arith.constant 0 : i32
    %dma_wait3A_223 = arith.constant 0 : i32
    %dma_wait3A_224 = tpu.memref_slice %arg4[%dma_wait3A_222, %dma_wait3A_223] : memref<100000x128xf32, #tpu.memory_space<hbm>> -> memref<100000x128xf32, #tpu.memory_space<hbm>>
    tpu.wait_indirect_dma semaphore(%arg23 : memref<!tpu.dma_semaphore, #tpu.memory_space<semaphore_mem>>) src(%dma_wait3A_224 : memref<100000x128xf32, #tpu.memory_space<hbm>>) dst(%arg11 : memref<64x128xf32, #tpu.memory_space<vmem>>)
    %dma_wait3A_225 = arith.constant 192 : i32
    %dma_wait3A_226 = tpu.memref_slice %arg10[%dma_wait3A_225] : memref<256xi32, #tpu.memory_space<vmem>> -> memref<64xi32, #tpu.memory_space<vmem>>
    %dma_wait3A_227 = arith.constant 0 : i32
    %dma_wait3A_228 = arith.constant 0 : i32
    %dma_wait3A_229 = tpu.memref_slice %arg5[%dma_wait3A_227, %dma_wait3A_228] : memref<100000x128xf32, #tpu.memory_space<hbm>> -> memref<100000x128xf32, #tpu.memory_space<hbm>>
    tpu.wait_indirect_dma semaphore(%arg26 : memref<!tpu.dma_semaphore, #tpu.memory_space<semaphore_mem>>) src(%dma_wait3A_229 : memref<100000x128xf32, #tpu.memory_space<hbm>>) dst(%arg14 : memref<64x128xf32, #tpu.memory_space<vmem>>)
    %dma_wait3A_230 = arith.constant 192 : i32
    %dma_wait3A_231 = tpu.memref_slice %arg9[%dma_wait3A_230] : memref<256xi32, #tpu.memory_space<vmem>> -> memref<64xi32, #tpu.memory_space<vmem>>
    %dma_wait3A_232 = arith.constant 0 : i32
    %dma_wait3A_233 = arith.constant 0 : i32
    %dma_wait3A_234 = tpu.memref_slice %arg6[%dma_wait3A_232, %dma_wait3A_233] : memref<100000x128xf32, #tpu.memory_space<hbm>> -> memref<100000x128xf32, #tpu.memory_space<hbm>>
    tpu.wait_indirect_dma semaphore(%arg29 : memref<!tpu.dma_semaphore, #tpu.memory_space<semaphore_mem>>) src(%dma_wait3A_234 : memref<100000x128xf32, #tpu.memory_space<hbm>>) dst(%arg17 : memref<64x128xf32, #tpu.memory_space<vmem>>)
    %dma_wait3A_235 = arith.constant 192 : i32
    %dma_wait3A_236 = tpu.memref_slice %arg10[%dma_wait3A_235] : memref<256xi32, #tpu.memory_space<vmem>> -> memref<64xi32, #tpu.memory_space<vmem>>
    %dma_wait3A_237 = arith.constant 0 : i32
    %dma_wait3A_238 = arith.constant 0 : i32
    %dma_wait3A_239 = tpu.memref_slice %arg7[%dma_wait3A_237, %dma_wait3A_238] : memref<100000x128xf32, #tpu.memory_space<hbm>> -> memref<100000x128xf32, #tpu.memory_space<hbm>>
    tpu.wait_indirect_dma semaphore(%arg32 : memref<!tpu.dma_semaphore, #tpu.memory_space<semaphore_mem>>) src(%dma_wait3A_239 : memref<100000x128xf32, #tpu.memory_space<hbm>>) dst(%arg20 : memref<64x128xf32, #tpu.memory_space<vmem>>)
    %scan3A_240 = arith.constant 0 : i32
    %scan3A_241 = arith.constant 0 : i32
    %scan3A_242 = arith.constant 64 : i32
    %scan3A_243 = arith.addi %scan3A_241, %scan3A_242 : i32
    %scan3A_244 = arith.constant 1 : i32
    scf.for %scan3A_298 = %scan3A_241 to %scan3A_243 step %scan3A_244  : i32 {
      %get3A = arith.index_cast %scan3A_298 : i32 to index
      %get3A_299 = arith.constant 0 : index
      %get3A_300 = tpu.vector_load %arg17[%get3A, %get3A_299] {strides = array<i32>} : memref<64x128xf32, #tpu.memory_space<vmem>>, vector<1x16xf32>,
      %get3A_301 = vector.shape_cast %get3A_300 : vector<1x16xf32> to vector<16xf32>
      %get3A_302 = arith.index_cast %scan3A_298 : i32 to index
      %get3A_303 = arith.constant 0 : index
      %get3A_304 = tpu.vector_load %arg20[%get3A_302, %get3A_303] {strides = array<i32>} : memref<64x128xf32, #tpu.memory_space<vmem>>, vector<1x16xf32>,
      %get3A_305 = vector.shape_cast %get3A_304 : vector<1x16xf32> to vector<16xf32>
      %mul3A_306 = arith.mulf %get3A_301, %get3A_305 : vector<16xf32>
      %swap3A = arith.index_cast %scan3A_298 : i32 to index
      %swap3A_307 = arith.constant 0 : index
      %swap3A_308 = tpu.vector_load %arg17[%swap3A, %swap3A_307] {strides = array<i32>} : memref<64x128xf32, #tpu.memory_space<vmem>>, vector<1x16xf32>,
      %swap3A_309 = vector.shape_cast %swap3A_308 : vector<1x16xf32> to vector<16xf32>
      %swap3A_310 = vector.shape_cast %mul3A_306 : vector<16xf32> to vector<1x16xf32>
      tpu.vector_store %arg17[%swap3A, %swap3A_307], %swap3A_310 {strides = array<i32>} : memref<64x128xf32, #tpu.memory_space<vmem>>, vector<1x16xf32>,
      %get3A_311 = arith.index_cast %scan3A_298 : i32 to index
      %get3A_312 = arith.constant 16 : index
      %get3A_313 = tpu.vector_load %arg17[%get3A_311, %get3A_312] {strides = array<i32>} : memref<64x128xf32, #tpu.memory_space<vmem>>, vector<1x16xf32>,
      %get3A_314 = vector.shape_cast %get3A_313 : vector<1x16xf32> to vector<16xf32>
      %get3A_315 = arith.index_cast %scan3A_298 : i32 to index
      %get3A_316 = arith.constant 16 : index
      %get3A_317 = tpu.vector_load %arg20[%get3A_315, %get3A_316] {strides = array<i32>} : memref<64x128xf32, #tpu.memory_space<vmem>>, vector<1x16xf32>,
      %get3A_318 = vector.shape_cast %get3A_317 : vector<1x16xf32> to vector<16xf32>
      %mul3A_319 = arith.mulf %get3A_314, %get3A_318 : vector<16xf32>
      %swap3A_320 = arith.index_cast %scan3A_298 : i32 to index
      %swap3A_321 = arith.constant 16 : index
      %swap3A_322 = tpu.vector_load %arg17[%swap3A_320, %swap3A_321] {strides = array<i32>} : memref<64x128xf32, #tpu.memory_space<vmem>>, vector<1x16xf32>,
      %swap3A_323 = vector.shape_cast %swap3A_322 : vector<1x16xf32> to vector<16xf32>
      %swap3A_324 = vector.shape_cast %mul3A_319 : vector<16xf32> to vector<1x16xf32>
      tpu.vector_store %arg17[%swap3A_320, %swap3A_321], %swap3A_324 {strides = array<i32>} : memref<64x128xf32, #tpu.memory_space<vmem>>, vector<1x16xf32>,
      %get3A_325 = arith.index_cast %scan3A_298 : i32 to index
      %get3A_326 = arith.constant 32 : index
      %get3A_327 = tpu.vector_load %arg17[%get3A_325, %get3A_326] {strides = array<i32>} : memref<64x128xf32, #tpu.memory_space<vmem>>, vector<1x16xf32>,
      %get3A_328 = vector.shape_cast %get3A_327 : vector<1x16xf32> to vector<16xf32>
      %get3A_329 = arith.index_cast %scan3A_298 : i32 to index
      %get3A_330 = arith.constant 32 : index
      %get3A_331 = tpu.vector_load %arg20[%get3A_329, %get3A_330] {strides = array<i32>} : memref<64x128xf32, #tpu.memory_space<vmem>>, vector<1x16xf32>,
      %get3A_332 = vector.shape_cast %get3A_331 : vector<1x16xf32> to vector<16xf32>
      %mul3A_333 = arith.mulf %get3A_328, %get3A_332 : vector<16xf32>
      %swap3A_334 = arith.index_cast %scan3A_298 : i32 to index
      %swap3A_335 = arith.constant 32 : index
      %swap3A_336 = tpu.vector_load %arg17[%swap3A_334, %swap3A_335] {strides = array<i32>} : memref<64x128xf32, #tpu.memory_space<vmem>>, vector<1x16xf32>,
      %swap3A_337 = vector.shape_cast %swap3A_336 : vector<1x16xf32> to vector<16xf32>
      %swap3A_338 = vector.shape_cast %mul3A_333 : vector<16xf32> to vector<1x16xf32>
      tpu.vector_store %arg17[%swap3A_334, %swap3A_335], %swap3A_338 {strides = array<i32>} : memref<64x128xf32, #tpu.memory_space<vmem>>, vector<1x16xf32>,
      %get3A_339 = arith.index_cast %scan3A_298 : i32 to index
      %get3A_340 = arith.constant 48 : index
      %get3A_341 = tpu.vector_load %arg17[%get3A_339, %get3A_340] {strides = array<i32>} : memref<64x128xf32, #tpu.memory_space<vmem>>, vector<1x16xf32>,
      %get3A_342 = vector.shape_cast %get3A_341 : vector<1x16xf32> to vector<16xf32>
      %get3A_343 = arith.index_cast %scan3A_298 : i32 to index
      %get3A_344 = arith.constant 48 : index
      %get3A_345 = tpu.vector_load %arg20[%get3A_343, %get3A_344] {strides = array<i32>} : memref<64x128xf32, #tpu.memory_space<vmem>>, vector<1x16xf32>,
      %get3A_346 = vector.shape_cast %get3A_345 : vector<1x16xf32> to vector<16xf32>
      %mul3A_347 = arith.mulf %get3A_342, %get3A_346 : vector<16xf32>
      %swap3A_348 = arith.index_cast %scan3A_298 : i32 to index
      %swap3A_349 = arith.constant 48 : index
      %swap3A_350 = tpu.vector_load %arg17[%swap3A_348, %swap3A_349] {strides = array<i32>} : memref<64x128xf32, #tpu.memory_space<vmem>>, vector<1x16xf32>,
      %swap3A_351 = vector.shape_cast %swap3A_350 : vector<1x16xf32> to vector<16xf32>
      %swap3A_352 = vector.shape_cast %mul3A_347 : vector<16xf32> to vector<1x16xf32>
      tpu.vector_store %arg17[%swap3A_348, %swap3A_349], %swap3A_352 {strides = array<i32>} : memref<64x128xf32, #tpu.memory_space<vmem>>, vector<1x16xf32>,
      %get3A_353 = arith.index_cast %scan3A_298 : i32 to index
      %get3A_354 = arith.constant 64 : index
      %get3A_355 = tpu.vector_load %arg17[%get3A_353, %get3A_354] {strides = array<i32>} : memref<64x128xf32, #tpu.memory_space<vmem>>, vector<1x16xf32>,
      %get3A_356 = vector.shape_cast %get3A_355 : vector<1x16xf32> to vector<16xf32>
      %get3A_357 = arith.index_cast %scan3A_298 : i32 to index
      %get3A_358 = arith.constant 64 : index
      %get3A_359 = tpu.vector_load %arg20[%get3A_357, %get3A_358] {strides = array<i32>} : memref<64x128xf32, #tpu.memory_space<vmem>>, vector<1x16xf32>,
      %get3A_360 = vector.shape_cast %get3A_359 : vector<1x16xf32> to vector<16xf32>
      %mul3A_361 = arith.mulf %get3A_356, %get3A_360 : vector<16xf32>
      %swap3A_362 = arith.index_cast %scan3A_298 : i32 to index
      %swap3A_363 = arith.constant 64 : index
      %swap3A_364 = tpu.vector_load %arg17[%swap3A_362, %swap3A_363] {strides = array<i32>} : memref<64x128xf32, #tpu.memory_space<vmem>>, vector<1x16xf32>,
      %swap3A_365 = vector.shape_cast %swap3A_364 : vector<1x16xf32> to vector<16xf32>
      %swap3A_366 = vector.shape_cast %mul3A_361 : vector<16xf32> to vector<1x16xf32>
      tpu.vector_store %arg17[%swap3A_362, %swap3A_363], %swap3A_366 {strides = array<i32>} : memref<64x128xf32, #tpu.memory_space<vmem>>, vector<1x16xf32>,
      %get3A_367 = arith.index_cast %scan3A_298 : i32 to index
      %get3A_368 = arith.constant 80 : index
      %get3A_369 = tpu.vector_load %arg17[%get3A_367, %get3A_368] {strides = array<i32>} : memref<64x128xf32, #tpu.memory_space<vmem>>, vector<1x16xf32>,
      %get3A_370 = vector.shape_cast %get3A_369 : vector<1x16xf32> to vector<16xf32>
      %get3A_371 = arith.index_cast %scan3A_298 : i32 to index
      %get3A_372 = arith.constant 80 : index
      %get3A_373 = tpu.vector_load %arg20[%get3A_371, %get3A_372] {strides = array<i32>} : memref<64x128xf32, #tpu.memory_space<vmem>>, vector<1x16xf32>,
      %get3A_374 = vector.shape_cast %get3A_373 : vector<1x16xf32> to vector<16xf32>
      %mul3A_375 = arith.mulf %get3A_370, %get3A_374 : vector<16xf32>
      %swap3A_376 = arith.index_cast %scan3A_298 : i32 to index
      %swap3A_377 = arith.constant 80 : index
      %swap3A_378 = tpu.vector_load %arg17[%swap3A_376, %swap3A_377] {strides = array<i32>} : memref<64x128xf32, #tpu.memory_space<vmem>>, vector<1x16xf32>,
      %swap3A_379 = vector.shape_cast %swap3A_378 : vector<1x16xf32> to vector<16xf32>
      %swap3A_380 = vector.shape_cast %mul3A_375 : vector<16xf32> to vector<1x16xf32>
      tpu.vector_store %arg17[%swap3A_376, %swap3A_377], %swap3A_380 {strides = array<i32>} : memref<64x128xf32, #tpu.memory_space<vmem>>, vector<1x16xf32>,
      %get3A_381 = arith.index_cast %scan3A_298 : i32 to index
      %get3A_382 = arith.constant 96 : index
      %get3A_383 = tpu.vector_load %arg17[%get3A_381, %get3A_382] {strides = array<i32>} : memref<64x128xf32, #tpu.memory_space<vmem>>, vector<1x16xf32>,
      %get3A_384 = vector.shape_cast %get3A_383 : vector<1x16xf32> to vector<16xf32>
      %get3A_385 = arith.index_cast %scan3A_298 : i32 to index
      %get3A_386 = arith.constant 96 : index
      %get3A_387 = tpu.vector_load %arg20[%get3A_385, %get3A_386] {strides = array<i32>} : memref<64x128xf32, #tpu.memory_space<vmem>>, vector<1x16xf32>,
      %get3A_388 = vector.shape_cast %get3A_387 : vector<1x16xf32> to vector<16xf32>
      %mul3A_389 = arith.mulf %get3A_384, %get3A_388 : vector<16xf32>
      %swap3A_390 = arith.index_cast %scan3A_298 : i32 to index
      %swap3A_391 = arith.constant 96 : index
      %swap3A_392 = tpu.vector_load %arg17[%swap3A_390, %swap3A_391] {strides = array<i32>} : memref<64x128xf32, #tpu.memory_space<vmem>>, vector<1x16xf32>,
      %swap3A_393 = vector.shape_cast %swap3A_392 : vector<1x16xf32> to vector<16xf32>
      %swap3A_394 = vector.shape_cast %mul3A_389 : vector<16xf32> to vector<1x16xf32>
      tpu.vector_store %arg17[%swap3A_390, %swap3A_391], %swap3A_394 {strides = array<i32>} : memref<64x128xf32, #tpu.memory_space<vmem>>, vector<1x16xf32>,
      %get3A_395 = arith.index_cast %scan3A_298 : i32 to index
      %get3A_396 = arith.constant 112 : index
      %get3A_397 = tpu.vector_load %arg17[%get3A_395, %get3A_396] {strides = array<i32>} : memref<64x128xf32, #tpu.memory_space<vmem>>, vector<1x16xf32>,
      %get3A_398 = vector.shape_cast %get3A_397 : vector<1x16xf32> to vector<16xf32>
      %get3A_399 = arith.index_cast %scan3A_298 : i32 to index
      %get3A_400 = arith.constant 112 : index
      %get3A_401 = tpu.vector_load %arg20[%get3A_399, %get3A_400] {strides = array<i32>} : memref<64x128xf32, #tpu.memory_space<vmem>>, vector<1x16xf32>,
      %get3A_402 = vector.shape_cast %get3A_401 : vector<1x16xf32> to vector<16xf32>
      %mul3A_403 = arith.mulf %get3A_398, %get3A_402 : vector<16xf32>
      %swap3A_404 = arith.index_cast %scan3A_298 : i32 to index
      %swap3A_405 = arith.constant 112 : index
      %swap3A_406 = tpu.vector_load %arg17[%swap3A_404, %swap3A_405] {strides = array<i32>} : memref<64x128xf32, #tpu.memory_space<vmem>>, vector<1x16xf32>,
      %swap3A_407 = vector.shape_cast %swap3A_406 : vector<1x16xf32> to vector<16xf32>
      %swap3A_408 = vector.shape_cast %mul3A_403 : vector<16xf32> to vector<1x16xf32>
      tpu.vector_store %arg17[%swap3A_404, %swap3A_405], %swap3A_408 {strides = array<i32>} : memref<64x128xf32, #tpu.memory_space<vmem>>, vector<1x16xf32>,
    }
    %scan3A_245 = arith.constant 64 : i32
    %mul3A_246 = arith.constant 256 : i32
    %mul3A_247 = arith.muli %add3A, %mul3A_246 : i32
    %add3A_248 = arith.constant 192 : i32
    %add3A_249 = arith.addi %mul3A_247, %add3A_248 : i32
    %dma_start3A_250 = arith.constant 0 : i32
    %dma_start3A_251 = tpu.memref_slice %arg8[%add3A_249, %dma_start3A_250] : memref<8192x384xf32, #tpu.memory_space<hbm>> -> memref<64x128xf32, #tpu.memory_space<hbm>>
    %dma_start3A_252 = arith.constant 0 : i32
    %dma_start3A_253 = tpu.memref_slice %arg8[%add3A_249, %dma_start3A_252] : memref<8192x384xf32, #tpu.memory_space<hbm>> -> memref<64x128xf32, #tpu.memory_space<hbm>>
    tpu.enqueue_dma source(%arg11 : memref<64x128xf32, #tpu.memory_space<vmem>>) target(%dma_start3A_253 : memref<64x128xf32, #tpu.memory_space<hbm>>) target_semaphore(%arg35 : memref<!tpu.dma_semaphore, #tpu.memory_space<semaphore_mem>>)
    %dma_start3A_254 = arith.constant 128 : i32
    %dma_start3A_255 = tpu.memref_slice %arg8[%add3A_249, %dma_start3A_254] : memref<8192x384xf32, #tpu.memory_space<hbm>> -> memref<64x128xf32, #tpu.memory_space<hbm>>
    %dma_start3A_256 = arith.constant 128 : i32
    %dma_start3A_257 = tpu.memref_slice %arg8[%add3A_249, %dma_start3A_256] : memref<8192x384xf32, #tpu.memory_space<hbm>> -> memref<64x128xf32, #tpu.memory_space<hbm>>
    tpu.enqueue_dma source(%arg14 : memref<64x128xf32, #tpu.memory_space<vmem>>) target(%dma_start3A_257 : memref<64x128xf32, #tpu.memory_space<hbm>>) target_semaphore(%arg35 : memref<!tpu.dma_semaphore, #tpu.memory_space<semaphore_mem>>)
    %dma_start3A_258 = arith.constant 256 : i32
    %dma_start3A_259 = tpu.memref_slice %arg8[%add3A_249, %dma_start3A_258] : memref<8192x384xf32, #tpu.memory_space<hbm>> -> memref<64x128xf32, #tpu.memory_space<hbm>>
    %dma_start3A_260 = arith.constant 256 : i32
    %dma_start3A_261 = tpu.memref_slice %arg8[%add3A_249, %dma_start3A_260] : memref<8192x384xf32, #tpu.memory_space<hbm>> -> memref<64x128xf32, #tpu.memory_space<hbm>>
    tpu.enqueue_dma source(%arg17 : memref<64x128xf32, #tpu.memory_space<vmem>>) target(%dma_start3A_261 : memref<64x128xf32, #tpu.memory_space<hbm>>) target_semaphore(%arg35 : memref<!tpu.dma_semaphore, #tpu.memory_space<semaphore_mem>>)
    %dma_wait3A_262 = arith.constant 0 : i32
    %dma_wait3A_263 = tpu.memref_slice %arg8[%add3A_133, %dma_wait3A_262] : memref<8192x384xf32, #tpu.memory_space<hbm>> -> memref<64x128xf32, #tpu.memory_space<hbm>>
    %dma_wait3A_264 = arith.constant 0 : i32
    %dma_wait3A_265 = tpu.memref_slice %arg8[%add3A_133, %dma_wait3A_264] : memref<8192x384xf32, #tpu.memory_space<hbm>> -> memref<64x128xf32, #tpu.memory_space<hbm>>
    tpu.wait_dma2 semaphore(%arg36 : memref<!tpu.dma_semaphore, #tpu.memory_space<semaphore_mem>>) src(%arg12 : memref<64x128xf32, #tpu.memory_space<vmem>>) dst(%dma_wait3A_265 : memref<64x128xf32, #tpu.memory_space<hbm>>)
    %dma_wait3A_266 = arith.constant 128 : i32
    %dma_wait3A_267 = tpu.memref_slice %arg8[%add3A_133, %dma_wait3A_266] : memref<8192x384xf32, #tpu.memory_space<hbm>> -> memref<64x128xf32, #tpu.memory_space<hbm>>
    %dma_wait3A_268 = arith.constant 128 : i32
    %dma_wait3A_269 = tpu.memref_slice %arg8[%add3A_133, %dma_wait3A_268] : memref<8192x384xf32, #tpu.memory_space<hbm>> -> memref<64x128xf32, #tpu.memory_space<hbm>>
    tpu.wait_dma2 semaphore(%arg36 : memref<!tpu.dma_semaphore, #tpu.memory_space<semaphore_mem>>) src(%arg15 : memref<64x128xf32, #tpu.memory_space<vmem>>) dst(%dma_wait3A_269 : memref<64x128xf32, #tpu.memory_space<hbm>>)
    %dma_wait3A_270 = arith.constant 256 : i32
    %dma_wait3A_271 = tpu.memref_slice %arg8[%add3A_133, %dma_wait3A_270] : memref<8192x384xf32, #tpu.memory_space<hbm>> -> memref<64x128xf32, #tpu.memory_space<hbm>>
    %dma_wait3A_272 = arith.constant 256 : i32
    %dma_wait3A_273 = tpu.memref_slice %arg8[%add3A_133, %dma_wait3A_272] : memref<8192x384xf32, #tpu.memory_space<hbm>> -> memref<64x128xf32, #tpu.memory_space<hbm>>
    tpu.wait_dma2 semaphore(%arg36 : memref<!tpu.dma_semaphore, #tpu.memory_space<semaphore_mem>>) src(%arg18 : memref<64x128xf32, #tpu.memory_space<vmem>>) dst(%dma_wait3A_273 : memref<64x128xf32, #tpu.memory_space<hbm>>)
    %dma_wait3A_274 = arith.constant 0 : i32
    %dma_wait3A_275 = tpu.memref_slice %arg8[%add3A_207, %dma_wait3A_274] : memref<8192x384xf32, #tpu.memory_space<hbm>> -> memref<64x128xf32, #tpu.memory_space<hbm>>
    %dma_wait3A_276 = arith.constant 0 : i32
    %dma_wait3A_277 = tpu.memref_slice %arg8[%add3A_207, %dma_wait3A_276] : memref<8192x384xf32, #tpu.memory_space<hbm>> -> memref<64x128xf32, #tpu.memory_space<hbm>>
    tpu.wait_dma2 semaphore(%arg37 : memref<!tpu.dma_semaphore, #tpu.memory_space<semaphore_mem>>) src(%arg13 : memref<64x128xf32, #tpu.memory_space<vmem>>) dst(%dma_wait3A_277 : memref<64x128xf32, #tpu.memory_space<hbm>>)
    %dma_wait3A_278 = arith.constant 128 : i32
    %dma_wait3A_279 = tpu.memref_slice %arg8[%add3A_207, %dma_wait3A_278] : memref<8192x384xf32, #tpu.memory_space<hbm>> -> memref<64x128xf32, #tpu.memory_space<hbm>>
    %dma_wait3A_280 = arith.constant 128 : i32
    %dma_wait3A_281 = tpu.memref_slice %arg8[%add3A_207, %dma_wait3A_280] : memref<8192x384xf32, #tpu.memory_space<hbm>> -> memref<64x128xf32, #tpu.memory_space<hbm>>
    tpu.wait_dma2 semaphore(%arg37 : memref<!tpu.dma_semaphore, #tpu.memory_space<semaphore_mem>>) src(%arg16 : memref<64x128xf32, #tpu.memory_space<vmem>>) dst(%dma_wait3A_281 : memref<64x128xf32, #tpu.memory_space<hbm>>)
    %dma_wait3A_282 = arith.constant 256 : i32
    %dma_wait3A_283 = tpu.memref_slice %arg8[%add3A_207, %dma_wait3A_282] : memref<8192x384xf32, #tpu.memory_space<hbm>> -> memref<64x128xf32, #tpu.memory_space<hbm>>
    %dma_wait3A_284 = arith.constant 256 : i32
    %dma_wait3A_285 = tpu.memref_slice %arg8[%add3A_207, %dma_wait3A_284] : memref<8192x384xf32, #tpu.memory_space<hbm>> -> memref<64x128xf32, #tpu.memory_space<hbm>>
    tpu.wait_dma2 semaphore(%arg37 : memref<!tpu.dma_semaphore, #tpu.memory_space<semaphore_mem>>) src(%arg19 : memref<64x128xf32, #tpu.memory_space<vmem>>) dst(%dma_wait3A_285 : memref<64x128xf32, #tpu.memory_space<hbm>>)
    %dma_wait3A_286 = arith.constant 0 : i32
    %dma_wait3A_287 = tpu.memref_slice %arg8[%add3A_249, %dma_wait3A_286] : memref<8192x384xf32, #tpu.memory_space<hbm>> -> memref<64x128xf32, #tpu.memory_space<hbm>>
    %dma_wait3A_288 = arith.constant 0 : i32
    %dma_wait3A_289 = tpu.memref_slice %arg8[%add3A_249, %dma_wait3A_288] : memref<8192x384xf32, #tpu.memory_space<hbm>> -> memref<64x128xf32, #tpu.memory_space<hbm>>
    tpu.wait_dma2 semaphore(%arg35 : memref<!tpu.dma_semaphore, #tpu.memory_space<semaphore_mem>>) src(%arg11 : memref<64x128xf32, #tpu.memory_space<vmem>>) dst(%dma_wait3A_289 : memref<64x128xf32, #tpu.memory_space<hbm>>)
    %dma_wait3A_290 = arith.constant 128 : i32
    %dma_wait3A_291 = tpu.memref_slice %arg8[%add3A_249, %dma_wait3A_290] : memref<8192x384xf32, #tpu.memory_space<hbm>> -> memref<64x128xf32, #tpu.memory_space<hbm>>
    %dma_wait3A_292 = arith.constant 128 : i32
    %dma_wait3A_293 = tpu.memref_slice %arg8[%add3A_249, %dma_wait3A_292] : memref<8192x384xf32, #tpu.memory_space<hbm>> -> memref<64x128xf32, #tpu.memory_space<hbm>>
    tpu.wait_dma2 semaphore(%arg35 : memref<!tpu.dma_semaphore, #tpu.memory_space<semaphore_mem>>) src(%arg14 : memref<64x128xf32, #tpu.memory_space<vmem>>) dst(%dma_wait3A_293 : memref<64x128xf32, #tpu.memory_space<hbm>>)
    %dma_wait3A_294 = arith.constant 256 : i32
    %dma_wait3A_295 = tpu.memref_slice %arg8[%add3A_249, %dma_wait3A_294] : memref<8192x384xf32, #tpu.memory_space<hbm>> -> memref<64x128xf32, #tpu.memory_space<hbm>>
    %dma_wait3A_296 = arith.constant 256 : i32
    %dma_wait3A_297 = tpu.memref_slice %arg8[%add3A_249, %dma_wait3A_296] : memref<8192x384xf32, #tpu.memory_space<hbm>> -> memref<64x128xf32, #tpu.memory_space<hbm>>
    tpu.wait_dma2 semaphore(%arg35 : memref<!tpu.dma_semaphore, #tpu.memory_space<semaphore_mem>>) src(%arg17 : memref<64x128xf32, #tpu.memory_space<vmem>>) dst(%dma_wait3A_297 : memref<64x128xf32, #tpu.memory_space<hbm>>)
    return
  }
}

#map = affine_map<(d0, d1) -> (0)>
#map1 = affine_map<(d0, d1) -> (0, 0)>
module attributes {stable_mosaic.version = 14 : i64} {
  func.func @_sc_gather_body(%arg0: i32, %arg1: i32, %arg2: memref<16384xi32, #tpu.memory_space<hbm>>, %arg3: memref<16384xi32, #tpu.memory_space<hbm>>, %arg4: memref<100000x128xf32, #tpu.memory_space<hbm>>, %arg5: memref<100000x128xf32, #tpu.memory_space<hbm>>, %arg6: memref<100000x128xf32, #tpu.memory_space<hbm>>, %arg7: memref<100000x128xf32, #tpu.memory_space<hbm>>, %arg8: memref<8192x384xf32, #tpu.memory_space<hbm>>, %arg9: memref<256xi32, #tpu.memory_space<vmem>>, %arg10: memref<256xi32, #tpu.memory_space<vmem>>, %arg11: memref<64x128xf32, #tpu.memory_space<vmem>>, %arg12: memref<64x128xf32, #tpu.memory_space<vmem>>, %arg13: memref<64x128xf32, #tpu.memory_space<vmem>>, %arg14: memref<64x128xf32, #tpu.memory_space<vmem>>, %arg15: memref<64x128xf32, #tpu.memory_space<vmem>>, %arg16: memref<64x128xf32, #tpu.memory_space<vmem>>, %arg17: memref<64x128xf32, #tpu.memory_space<vmem>>, %arg18: memref<64x128xf32, #tpu.memory_space<vmem>>, %arg19: memref<64x128xf32, #tpu.memory_space<vmem>>, %arg20: memref<64x128xf32, #tpu.memory_space<vmem>>, %arg21: memref<64x128xf32, #tpu.memory_space<vmem>>, %arg22: memref<64x128xf32, #tpu.memory_space<vmem>>, %arg23: memref<!tpu.dma_semaphore, #tpu.memory_space<semaphore_mem>>, %arg24: memref<!tpu.dma_semaphore, #tpu.memory_space<semaphore_mem>>, %arg25: memref<!tpu.dma_semaphore, #tpu.memory_space<semaphore_mem>>, %arg26: memref<!tpu.dma_semaphore, #tpu.memory_space<semaphore_mem>>, %arg27: memref<!tpu.dma_semaphore, #tpu.memory_space<semaphore_mem>>, %arg28: memref<!tpu.dma_semaphore, #tpu.memory_space<semaphore_mem>>, %arg29: memref<!tpu.dma_semaphore, #tpu.memory_space<semaphore_mem>>, %arg30: memref<!tpu.dma_semaphore, #tpu.memory_space<semaphore_mem>>, %arg31: memref<!tpu.dma_semaphore, #tpu.memory_space<semaphore_mem>>, %arg32: memref<!tpu.dma_semaphore, #tpu.memory_space<semaphore_mem>>, %arg33: memref<!tpu.dma_semaphore, #tpu.memory_space<semaphore_mem>>, %arg34: memref<!tpu.dma_semaphore, #tpu.memory_space<semaphore_mem>>, %arg35: memref<!tpu.dma_semaphore, #tpu.memory_space<semaphore_mem>>, %arg36: memref<!tpu.dma_semaphore, #tpu.memory_space<semaphore_mem>>, %arg37: memref<!tpu.dma_semaphore, #tpu.memory_space<semaphore_mem>>) attributes {dimension_semantics = [#tpu.dimension_semantics<core_parallel>, #tpu.dimension_semantics<subcore_parallel>], iteration_bounds = array<i64: 2, 16>, scalar_prefetch = 0 : i64, scratch_operands = 29 : i64, tpu.core_type = #tpu.core_type<sc_vector_subcore>, window_params = [{transform_indices = #map}, {transform_indices = #map}, {transform_indices = #map1}, {transform_indices = #map1}, {transform_indices = #map1}, {transform_indices = #map1}, {transform_indices = #map1}]} {
    %mul3A = arith.constant 2 : i32
    %mul3A_0 = arith.muli %arg1, %mul3A : i32
    %add3A = arith.addi %mul3A_0, %arg0 : i32
    %add3A_1 = arith.constant 32 : i32
    %add3A_2 = arith.addi %add3A_1, %add3A : i32
    %mul3A_3 = arith.constant 256 : i32
    %mul3A_4 = arith.muli %add3A_2, %mul3A_3 : i32
    "tpu.region"() ({
      %run_scoped3A = tpu.sem_alloc : memref<!tpu.dma_semaphore, #tpu.memory_space<semaphore_mem>>
      %dma_start3A_298 = tpu.memref_slice %arg2[%mul3A_4] : memref<16384xi32, #tpu.memory_space<hbm>> -> memref<256xi32, #tpu.memory_space<hbm>>
      %dma_start3A_299 = tpu.memref_slice %arg2[%mul3A_4] : memref<16384xi32, #tpu.memory_space<hbm>> -> memref<256xi32, #tpu.memory_space<hbm>>
      tpu.enqueue_dma source(%dma_start3A_299 : memref<256xi32, #tpu.memory_space<hbm>>) target(%arg9 : memref<256xi32, #tpu.memory_space<vmem>>) target_semaphore(%run_scoped3A : memref<!tpu.dma_semaphore, #tpu.memory_space<semaphore_mem>>)
      %dma_wait3A_300 = tpu.memref_slice %arg2[%mul3A_4] : memref<16384xi32, #tpu.memory_space<hbm>> -> memref<256xi32, #tpu.memory_space<hbm>>
      %dma_wait3A_301 = tpu.memref_slice %arg2[%mul3A_4] : memref<16384xi32, #tpu.memory_space<hbm>> -> memref<256xi32, #tpu.memory_space<hbm>>
      tpu.wait_dma2 semaphore(%run_scoped3A : memref<!tpu.dma_semaphore, #tpu.memory_space<semaphore_mem>>) src(%dma_wait3A_301 : memref<256xi32, #tpu.memory_space<hbm>>) dst(%arg9 : memref<256xi32, #tpu.memory_space<vmem>>)
      tpu.yield
    }) : () -> ()
    "tpu.region"() ({
      %run_scoped3A = tpu.sem_alloc : memref<!tpu.dma_semaphore, #tpu.memory_space<semaphore_mem>>
      %dma_start3A_298 = tpu.memref_slice %arg3[%mul3A_4] : memref<16384xi32, #tpu.memory_space<hbm>> -> memref<256xi32, #tpu.memory_space<hbm>>
      %dma_start3A_299 = tpu.memref_slice %arg3[%mul3A_4] : memref<16384xi32, #tpu.memory_space<hbm>> -> memref<256xi32, #tpu.memory_space<hbm>>
      tpu.enqueue_dma source(%dma_start3A_299 : memref<256xi32, #tpu.memory_space<hbm>>) target(%arg10 : memref<256xi32, #tpu.memory_space<vmem>>) target_semaphore(%run_scoped3A : memref<!tpu.dma_semaphore, #tpu.memory_space<semaphore_mem>>)
      %dma_wait3A_300 = tpu.memref_slice %arg3[%mul3A_4] : memref<16384xi32, #tpu.memory_space<hbm>> -> memref<256xi32, #tpu.memory_space<hbm>>
      %dma_wait3A_301 = tpu.memref_slice %arg3[%mul3A_4] : memref<16384xi32, #tpu.memory_space<hbm>> -> memref<256xi32, #tpu.memory_space<hbm>>
      tpu.wait_dma2 semaphore(%run_scoped3A : memref<!tpu.dma_semaphore, #tpu.memory_space<semaphore_mem>>) src(%dma_wait3A_301 : memref<256xi32, #tpu.memory_space<hbm>>) dst(%arg10 : memref<256xi32, #tpu.memory_space<vmem>>)
      tpu.yield
    }) : () -> ()
    %dma_start3A = arith.constant 0 : i32
    %dma_start3A_5 = tpu.memref_slice %arg9[%dma_start3A] : memref<256xi32, #tpu.memory_space<vmem>> -> memref<64xi32, #tpu.memory_space<vmem>>
    %dma_start3A_6 = arith.constant 0 : i32
    %dma_start3A_7 = arith.constant 0 : i32
    %dma_start3A_8 = tpu.memref_slice %arg4[%dma_start3A_6, %dma_start3A_7] : memref<100000x128xf32, #tpu.memory_space<hbm>> -> memref<100000x128xf32, #tpu.memory_space<hbm>>
    tpu.enqueue_indirect_dma source(%dma_start3A_8 : memref<100000x128xf32, #tpu.memory_space<hbm>>) target(%arg11 : memref<64x128xf32, #tpu.memory_space<vmem>>) offsets(%dma_start3A_5 : memref<64xi32, #tpu.memory_space<vmem>>) semaphore(%arg23 : memref<!tpu.dma_semaphore, #tpu.memory_space<semaphore_mem>>)
    %dma_start3A_9 = arith.constant 0 : i32
    %dma_start3A_10 = tpu.memref_slice %arg10[%dma_start3A_9] : memref<256xi32, #tpu.memory_space<vmem>> -> memref<64xi32, #tpu.memory_space<vmem>>
    %dma_start3A_11 = arith.constant 0 : i32
    %dma_start3A_12 = arith.constant 0 : i32
    %dma_start3A_13 = tpu.memref_slice %arg5[%dma_start3A_11, %dma_start3A_12] : memref<100000x128xf32, #tpu.memory_space<hbm>> -> memref<100000x128xf32, #tpu.memory_space<hbm>>
    tpu.enqueue_indirect_dma source(%dma_start3A_13 : memref<100000x128xf32, #tpu.memory_space<hbm>>) target(%arg14 : memref<64x128xf32, #tpu.memory_space<vmem>>) offsets(%dma_start3A_10 : memref<64xi32, #tpu.memory_space<vmem>>) semaphore(%arg26 : memref<!tpu.dma_semaphore, #tpu.memory_space<semaphore_mem>>)
    %dma_start3A_14 = arith.constant 0 : i32
    %dma_start3A_15 = tpu.memref_slice %arg9[%dma_start3A_14] : memref<256xi32, #tpu.memory_space<vmem>> -> memref<64xi32, #tpu.memory_space<vmem>>
    %dma_start3A_16 = arith.constant 0 : i32
    %dma_start3A_17 = arith.constant 0 : i32
    %dma_start3A_18 = tpu.memref_slice %arg6[%dma_start3A_16, %dma_start3A_17] : memref<100000x128xf32, #tpu.memory_space<hbm>> -> memref<100000x128xf32, #tpu.memory_space<hbm>>
    tpu.enqueue_indirect_dma source(%dma_start3A_18 : memref<100000x128xf32, #tpu.memory_space<hbm>>) target(%arg17 : memref<64x128xf32, #tpu.memory_space<vmem>>) offsets(%dma_start3A_15 : memref<64xi32, #tpu.memory_space<vmem>>) semaphore(%arg29 : memref<!tpu.dma_semaphore, #tpu.memory_space<semaphore_mem>>)
    %dma_start3A_19 = arith.constant 0 : i32
    %dma_start3A_20 = tpu.memref_slice %arg10[%dma_start3A_19] : memref<256xi32, #tpu.memory_space<vmem>> -> memref<64xi32, #tpu.memory_space<vmem>>
    %dma_start3A_21 = arith.constant 0 : i32
    %dma_start3A_22 = arith.constant 0 : i32
    %dma_start3A_23 = tpu.memref_slice %arg7[%dma_start3A_21, %dma_start3A_22] : memref<100000x128xf32, #tpu.memory_space<hbm>> -> memref<100000x128xf32, #tpu.memory_space<hbm>>
    tpu.enqueue_indirect_dma source(%dma_start3A_23 : memref<100000x128xf32, #tpu.memory_space<hbm>>) target(%arg20 : memref<64x128xf32, #tpu.memory_space<vmem>>) offsets(%dma_start3A_20 : memref<64xi32, #tpu.memory_space<vmem>>) semaphore(%arg32 : memref<!tpu.dma_semaphore, #tpu.memory_space<semaphore_mem>>)
    %dma_start3A_24 = arith.constant 64 : i32
    %dma_start3A_25 = tpu.memref_slice %arg9[%dma_start3A_24] : memref<256xi32, #tpu.memory_space<vmem>> -> memref<64xi32, #tpu.memory_space<vmem>>
    %dma_start3A_26 = arith.constant 0 : i32
    %dma_start3A_27 = arith.constant 0 : i32
    %dma_start3A_28 = tpu.memref_slice %arg4[%dma_start3A_26, %dma_start3A_27] : memref<100000x128xf32, #tpu.memory_space<hbm>> -> memref<100000x128xf32, #tpu.memory_space<hbm>>
    tpu.enqueue_indirect_dma source(%dma_start3A_28 : memref<100000x128xf32, #tpu.memory_space<hbm>>) target(%arg12 : memref<64x128xf32, #tpu.memory_space<vmem>>) offsets(%dma_start3A_25 : memref<64xi32, #tpu.memory_space<vmem>>) semaphore(%arg24 : memref<!tpu.dma_semaphore, #tpu.memory_space<semaphore_mem>>)
    %dma_start3A_29 = arith.constant 64 : i32
    %dma_start3A_30 = tpu.memref_slice %arg10[%dma_start3A_29] : memref<256xi32, #tpu.memory_space<vmem>> -> memref<64xi32, #tpu.memory_space<vmem>>
    %dma_start3A_31 = arith.constant 0 : i32
    %dma_start3A_32 = arith.constant 0 : i32
    %dma_start3A_33 = tpu.memref_slice %arg5[%dma_start3A_31, %dma_start3A_32] : memref<100000x128xf32, #tpu.memory_space<hbm>> -> memref<100000x128xf32, #tpu.memory_space<hbm>>
    tpu.enqueue_indirect_dma source(%dma_start3A_33 : memref<100000x128xf32, #tpu.memory_space<hbm>>) target(%arg15 : memref<64x128xf32, #tpu.memory_space<vmem>>) offsets(%dma_start3A_30 : memref<64xi32, #tpu.memory_space<vmem>>) semaphore(%arg27 : memref<!tpu.dma_semaphore, #tpu.memory_space<semaphore_mem>>)
    %dma_start3A_34 = arith.constant 64 : i32
    %dma_start3A_35 = tpu.memref_slice %arg9[%dma_start3A_34] : memref<256xi32, #tpu.memory_space<vmem>> -> memref<64xi32, #tpu.memory_space<vmem>>
    %dma_start3A_36 = arith.constant 0 : i32
    %dma_start3A_37 = arith.constant 0 : i32
    %dma_start3A_38 = tpu.memref_slice %arg6[%dma_start3A_36, %dma_start3A_37] : memref<100000x128xf32, #tpu.memory_space<hbm>> -> memref<100000x128xf32, #tpu.memory_space<hbm>>
    tpu.enqueue_indirect_dma source(%dma_start3A_38 : memref<100000x128xf32, #tpu.memory_space<hbm>>) target(%arg18 : memref<64x128xf32, #tpu.memory_space<vmem>>) offsets(%dma_start3A_35 : memref<64xi32, #tpu.memory_space<vmem>>) semaphore(%arg30 : memref<!tpu.dma_semaphore, #tpu.memory_space<semaphore_mem>>)
    %dma_start3A_39 = arith.constant 64 : i32
    %dma_start3A_40 = tpu.memref_slice %arg10[%dma_start3A_39] : memref<256xi32, #tpu.memory_space<vmem>> -> memref<64xi32, #tpu.memory_space<vmem>>
    %dma_start3A_41 = arith.constant 0 : i32
    %dma_start3A_42 = arith.constant 0 : i32
    %dma_start3A_43 = tpu.memref_slice %arg7[%dma_start3A_41, %dma_start3A_42] : memref<100000x128xf32, #tpu.memory_space<hbm>> -> memref<100000x128xf32, #tpu.memory_space<hbm>>
    tpu.enqueue_indirect_dma source(%dma_start3A_43 : memref<100000x128xf32, #tpu.memory_space<hbm>>) target(%arg21 : memref<64x128xf32, #tpu.memory_space<vmem>>) offsets(%dma_start3A_40 : memref<64xi32, #tpu.memory_space<vmem>>) semaphore(%arg33 : memref<!tpu.dma_semaphore, #tpu.memory_space<semaphore_mem>>)
    %dma_wait3A = arith.constant 0 : i32
    %dma_wait3A_44 = tpu.memref_slice %arg9[%dma_wait3A] : memref<256xi32, #tpu.memory_space<vmem>> -> memref<64xi32, #tpu.memory_space<vmem>>
    %dma_wait3A_45 = arith.constant 0 : i32
    %dma_wait3A_46 = arith.constant 0 : i32
    %dma_wait3A_47 = tpu.memref_slice %arg4[%dma_wait3A_45, %dma_wait3A_46] : memref<100000x128xf32, #tpu.memory_space<hbm>> -> memref<100000x128xf32, #tpu.memory_space<hbm>>
    tpu.wait_indirect_dma semaphore(%arg23 : memref<!tpu.dma_semaphore, #tpu.memory_space<semaphore_mem>>) src(%dma_wait3A_47 : memref<100000x128xf32, #tpu.memory_space<hbm>>) dst(%arg11 : memref<64x128xf32, #tpu.memory_space<vmem>>)
    %dma_wait3A_48 = arith.constant 0 : i32
    %dma_wait3A_49 = tpu.memref_slice %arg10[%dma_wait3A_48] : memref<256xi32, #tpu.memory_space<vmem>> -> memref<64xi32, #tpu.memory_space<vmem>>
    %dma_wait3A_50 = arith.constant 0 : i32
    %dma_wait3A_51 = arith.constant 0 : i32
    %dma_wait3A_52 = tpu.memref_slice %arg5[%dma_wait3A_50, %dma_wait3A_51] : memref<100000x128xf32, #tpu.memory_space<hbm>> -> memref<100000x128xf32, #tpu.memory_space<hbm>>
    tpu.wait_indirect_dma semaphore(%arg26 : memref<!tpu.dma_semaphore, #tpu.memory_space<semaphore_mem>>) src(%dma_wait3A_52 : memref<100000x128xf32, #tpu.memory_space<hbm>>) dst(%arg14 : memref<64x128xf32, #tpu.memory_space<vmem>>)
    %dma_wait3A_53 = arith.constant 0 : i32
    %dma_wait3A_54 = tpu.memref_slice %arg9[%dma_wait3A_53] : memref<256xi32, #tpu.memory_space<vmem>> -> memref<64xi32, #tpu.memory_space<vmem>>
    %dma_wait3A_55 = arith.constant 0 : i32
    %dma_wait3A_56 = arith.constant 0 : i32
    %dma_wait3A_57 = tpu.memref_slice %arg6[%dma_wait3A_55, %dma_wait3A_56] : memref<100000x128xf32, #tpu.memory_space<hbm>> -> memref<100000x128xf32, #tpu.memory_space<hbm>>
    tpu.wait_indirect_dma semaphore(%arg29 : memref<!tpu.dma_semaphore, #tpu.memory_space<semaphore_mem>>) src(%dma_wait3A_57 : memref<100000x128xf32, #tpu.memory_space<hbm>>) dst(%arg17 : memref<64x128xf32, #tpu.memory_space<vmem>>)
    %dma_wait3A_58 = arith.constant 0 : i32
    %dma_wait3A_59 = tpu.memref_slice %arg10[%dma_wait3A_58] : memref<256xi32, #tpu.memory_space<vmem>> -> memref<64xi32, #tpu.memory_space<vmem>>
    %dma_wait3A_60 = arith.constant 0 : i32
    %dma_wait3A_61 = arith.constant 0 : i32
    %dma_wait3A_62 = tpu.memref_slice %arg7[%dma_wait3A_60, %dma_wait3A_61] : memref<100000x128xf32, #tpu.memory_space<hbm>> -> memref<100000x128xf32, #tpu.memory_space<hbm>>
    tpu.wait_indirect_dma semaphore(%arg32 : memref<!tpu.dma_semaphore, #tpu.memory_space<semaphore_mem>>) src(%dma_wait3A_62 : memref<100000x128xf32, #tpu.memory_space<hbm>>) dst(%arg20 : memref<64x128xf32, #tpu.memory_space<vmem>>)
    %scan3A = arith.constant 0 : i32
    %scan3A_63 = arith.constant 0 : i32
    %scan3A_64 = arith.constant 64 : i32
    %scan3A_65 = arith.addi %scan3A_63, %scan3A_64 : i32
    %scan3A_66 = arith.constant 1 : i32
    scf.for %scan3A_298 = %scan3A_63 to %scan3A_65 step %scan3A_66  : i32 {
      %get3A = arith.index_cast %scan3A_298 : i32 to index
      %get3A_299 = arith.constant 0 : index
      %get3A_300 = tpu.vector_load %arg17[%get3A, %get3A_299] {strides = array<i32>} : memref<64x128xf32, #tpu.memory_space<vmem>>, vector<1x16xf32>,
      %get3A_301 = vector.shape_cast %get3A_300 : vector<1x16xf32> to vector<16xf32>
      %get3A_302 = arith.index_cast %scan3A_298 : i32 to index
      %get3A_303 = arith.constant 0 : index
      %get3A_304 = tpu.vector_load %arg20[%get3A_302, %get3A_303] {strides = array<i32>} : memref<64x128xf32, #tpu.memory_space<vmem>>, vector<1x16xf32>,
      %get3A_305 = vector.shape_cast %get3A_304 : vector<1x16xf32> to vector<16xf32>
      %mul3A_306 = arith.mulf %get3A_301, %get3A_305 : vector<16xf32>
      %swap3A = arith.index_cast %scan3A_298 : i32 to index
      %swap3A_307 = arith.constant 0 : index
      %swap3A_308 = tpu.vector_load %arg17[%swap3A, %swap3A_307] {strides = array<i32>} : memref<64x128xf32, #tpu.memory_space<vmem>>, vector<1x16xf32>,
      %swap3A_309 = vector.shape_cast %swap3A_308 : vector<1x16xf32> to vector<16xf32>
      %swap3A_310 = vector.shape_cast %mul3A_306 : vector<16xf32> to vector<1x16xf32>
      tpu.vector_store %arg17[%swap3A, %swap3A_307], %swap3A_310 {strides = array<i32>} : memref<64x128xf32, #tpu.memory_space<vmem>>, vector<1x16xf32>,
      %get3A_311 = arith.index_cast %scan3A_298 : i32 to index
      %get3A_312 = arith.constant 16 : index
      %get3A_313 = tpu.vector_load %arg17[%get3A_311, %get3A_312] {strides = array<i32>} : memref<64x128xf32, #tpu.memory_space<vmem>>, vector<1x16xf32>,
      %get3A_314 = vector.shape_cast %get3A_313 : vector<1x16xf32> to vector<16xf32>
      %get3A_315 = arith.index_cast %scan3A_298 : i32 to index
      %get3A_316 = arith.constant 16 : index
      %get3A_317 = tpu.vector_load %arg20[%get3A_315, %get3A_316] {strides = array<i32>} : memref<64x128xf32, #tpu.memory_space<vmem>>, vector<1x16xf32>,
      %get3A_318 = vector.shape_cast %get3A_317 : vector<1x16xf32> to vector<16xf32>
      %mul3A_319 = arith.mulf %get3A_314, %get3A_318 : vector<16xf32>
      %swap3A_320 = arith.index_cast %scan3A_298 : i32 to index
      %swap3A_321 = arith.constant 16 : index
      %swap3A_322 = tpu.vector_load %arg17[%swap3A_320, %swap3A_321] {strides = array<i32>} : memref<64x128xf32, #tpu.memory_space<vmem>>, vector<1x16xf32>,
      %swap3A_323 = vector.shape_cast %swap3A_322 : vector<1x16xf32> to vector<16xf32>
      %swap3A_324 = vector.shape_cast %mul3A_319 : vector<16xf32> to vector<1x16xf32>
      tpu.vector_store %arg17[%swap3A_320, %swap3A_321], %swap3A_324 {strides = array<i32>} : memref<64x128xf32, #tpu.memory_space<vmem>>, vector<1x16xf32>,
      %get3A_325 = arith.index_cast %scan3A_298 : i32 to index
      %get3A_326 = arith.constant 32 : index
      %get3A_327 = tpu.vector_load %arg17[%get3A_325, %get3A_326] {strides = array<i32>} : memref<64x128xf32, #tpu.memory_space<vmem>>, vector<1x16xf32>,
      %get3A_328 = vector.shape_cast %get3A_327 : vector<1x16xf32> to vector<16xf32>
      %get3A_329 = arith.index_cast %scan3A_298 : i32 to index
      %get3A_330 = arith.constant 32 : index
      %get3A_331 = tpu.vector_load %arg20[%get3A_329, %get3A_330] {strides = array<i32>} : memref<64x128xf32, #tpu.memory_space<vmem>>, vector<1x16xf32>,
      %get3A_332 = vector.shape_cast %get3A_331 : vector<1x16xf32> to vector<16xf32>
      %mul3A_333 = arith.mulf %get3A_328, %get3A_332 : vector<16xf32>
      %swap3A_334 = arith.index_cast %scan3A_298 : i32 to index
      %swap3A_335 = arith.constant 32 : index
      %swap3A_336 = tpu.vector_load %arg17[%swap3A_334, %swap3A_335] {strides = array<i32>} : memref<64x128xf32, #tpu.memory_space<vmem>>, vector<1x16xf32>,
      %swap3A_337 = vector.shape_cast %swap3A_336 : vector<1x16xf32> to vector<16xf32>
      %swap3A_338 = vector.shape_cast %mul3A_333 : vector<16xf32> to vector<1x16xf32>
      tpu.vector_store %arg17[%swap3A_334, %swap3A_335], %swap3A_338 {strides = array<i32>} : memref<64x128xf32, #tpu.memory_space<vmem>>, vector<1x16xf32>,
      %get3A_339 = arith.index_cast %scan3A_298 : i32 to index
      %get3A_340 = arith.constant 48 : index
      %get3A_341 = tpu.vector_load %arg17[%get3A_339, %get3A_340] {strides = array<i32>} : memref<64x128xf32, #tpu.memory_space<vmem>>, vector<1x16xf32>,
      %get3A_342 = vector.shape_cast %get3A_341 : vector<1x16xf32> to vector<16xf32>
      %get3A_343 = arith.index_cast %scan3A_298 : i32 to index
      %get3A_344 = arith.constant 48 : index
      %get3A_345 = tpu.vector_load %arg20[%get3A_343, %get3A_344] {strides = array<i32>} : memref<64x128xf32, #tpu.memory_space<vmem>>, vector<1x16xf32>,
      %get3A_346 = vector.shape_cast %get3A_345 : vector<1x16xf32> to vector<16xf32>
      %mul3A_347 = arith.mulf %get3A_342, %get3A_346 : vector<16xf32>
      %swap3A_348 = arith.index_cast %scan3A_298 : i32 to index
      %swap3A_349 = arith.constant 48 : index
      %swap3A_350 = tpu.vector_load %arg17[%swap3A_348, %swap3A_349] {strides = array<i32>} : memref<64x128xf32, #tpu.memory_space<vmem>>, vector<1x16xf32>,
      %swap3A_351 = vector.shape_cast %swap3A_350 : vector<1x16xf32> to vector<16xf32>
      %swap3A_352 = vector.shape_cast %mul3A_347 : vector<16xf32> to vector<1x16xf32>
      tpu.vector_store %arg17[%swap3A_348, %swap3A_349], %swap3A_352 {strides = array<i32>} : memref<64x128xf32, #tpu.memory_space<vmem>>, vector<1x16xf32>,
      %get3A_353 = arith.index_cast %scan3A_298 : i32 to index
      %get3A_354 = arith.constant 64 : index
      %get3A_355 = tpu.vector_load %arg17[%get3A_353, %get3A_354] {strides = array<i32>} : memref<64x128xf32, #tpu.memory_space<vmem>>, vector<1x16xf32>,
      %get3A_356 = vector.shape_cast %get3A_355 : vector<1x16xf32> to vector<16xf32>
      %get3A_357 = arith.index_cast %scan3A_298 : i32 to index
      %get3A_358 = arith.constant 64 : index
      %get3A_359 = tpu.vector_load %arg20[%get3A_357, %get3A_358] {strides = array<i32>} : memref<64x128xf32, #tpu.memory_space<vmem>>, vector<1x16xf32>,
      %get3A_360 = vector.shape_cast %get3A_359 : vector<1x16xf32> to vector<16xf32>
      %mul3A_361 = arith.mulf %get3A_356, %get3A_360 : vector<16xf32>
      %swap3A_362 = arith.index_cast %scan3A_298 : i32 to index
      %swap3A_363 = arith.constant 64 : index
      %swap3A_364 = tpu.vector_load %arg17[%swap3A_362, %swap3A_363] {strides = array<i32>} : memref<64x128xf32, #tpu.memory_space<vmem>>, vector<1x16xf32>,
      %swap3A_365 = vector.shape_cast %swap3A_364 : vector<1x16xf32> to vector<16xf32>
      %swap3A_366 = vector.shape_cast %mul3A_361 : vector<16xf32> to vector<1x16xf32>
      tpu.vector_store %arg17[%swap3A_362, %swap3A_363], %swap3A_366 {strides = array<i32>} : memref<64x128xf32, #tpu.memory_space<vmem>>, vector<1x16xf32>,
      %get3A_367 = arith.index_cast %scan3A_298 : i32 to index
      %get3A_368 = arith.constant 80 : index
      %get3A_369 = tpu.vector_load %arg17[%get3A_367, %get3A_368] {strides = array<i32>} : memref<64x128xf32, #tpu.memory_space<vmem>>, vector<1x16xf32>,
      %get3A_370 = vector.shape_cast %get3A_369 : vector<1x16xf32> to vector<16xf32>
      %get3A_371 = arith.index_cast %scan3A_298 : i32 to index
      %get3A_372 = arith.constant 80 : index
      %get3A_373 = tpu.vector_load %arg20[%get3A_371, %get3A_372] {strides = array<i32>} : memref<64x128xf32, #tpu.memory_space<vmem>>, vector<1x16xf32>,
      %get3A_374 = vector.shape_cast %get3A_373 : vector<1x16xf32> to vector<16xf32>
      %mul3A_375 = arith.mulf %get3A_370, %get3A_374 : vector<16xf32>
      %swap3A_376 = arith.index_cast %scan3A_298 : i32 to index
      %swap3A_377 = arith.constant 80 : index
      %swap3A_378 = tpu.vector_load %arg17[%swap3A_376, %swap3A_377] {strides = array<i32>} : memref<64x128xf32, #tpu.memory_space<vmem>>, vector<1x16xf32>,
      %swap3A_379 = vector.shape_cast %swap3A_378 : vector<1x16xf32> to vector<16xf32>
      %swap3A_380 = vector.shape_cast %mul3A_375 : vector<16xf32> to vector<1x16xf32>
      tpu.vector_store %arg17[%swap3A_376, %swap3A_377], %swap3A_380 {strides = array<i32>} : memref<64x128xf32, #tpu.memory_space<vmem>>, vector<1x16xf32>,
      %get3A_381 = arith.index_cast %scan3A_298 : i32 to index
      %get3A_382 = arith.constant 96 : index
      %get3A_383 = tpu.vector_load %arg17[%get3A_381, %get3A_382] {strides = array<i32>} : memref<64x128xf32, #tpu.memory_space<vmem>>, vector<1x16xf32>,
      %get3A_384 = vector.shape_cast %get3A_383 : vector<1x16xf32> to vector<16xf32>
      %get3A_385 = arith.index_cast %scan3A_298 : i32 to index
      %get3A_386 = arith.constant 96 : index
      %get3A_387 = tpu.vector_load %arg20[%get3A_385, %get3A_386] {strides = array<i32>} : memref<64x128xf32, #tpu.memory_space<vmem>>, vector<1x16xf32>,
      %get3A_388 = vector.shape_cast %get3A_387 : vector<1x16xf32> to vector<16xf32>
      %mul3A_389 = arith.mulf %get3A_384, %get3A_388 : vector<16xf32>
      %swap3A_390 = arith.index_cast %scan3A_298 : i32 to index
      %swap3A_391 = arith.constant 96 : index
      %swap3A_392 = tpu.vector_load %arg17[%swap3A_390, %swap3A_391] {strides = array<i32>} : memref<64x128xf32, #tpu.memory_space<vmem>>, vector<1x16xf32>,
      %swap3A_393 = vector.shape_cast %swap3A_392 : vector<1x16xf32> to vector<16xf32>
      %swap3A_394 = vector.shape_cast %mul3A_389 : vector<16xf32> to vector<1x16xf32>
      tpu.vector_store %arg17[%swap3A_390, %swap3A_391], %swap3A_394 {strides = array<i32>} : memref<64x128xf32, #tpu.memory_space<vmem>>, vector<1x16xf32>,
      %get3A_395 = arith.index_cast %scan3A_298 : i32 to index
      %get3A_396 = arith.constant 112 : index
      %get3A_397 = tpu.vector_load %arg17[%get3A_395, %get3A_396] {strides = array<i32>} : memref<64x128xf32, #tpu.memory_space<vmem>>, vector<1x16xf32>,
      %get3A_398 = vector.shape_cast %get3A_397 : vector<1x16xf32> to vector<16xf32>
      %get3A_399 = arith.index_cast %scan3A_298 : i32 to index
      %get3A_400 = arith.constant 112 : index
      %get3A_401 = tpu.vector_load %arg20[%get3A_399, %get3A_400] {strides = array<i32>} : memref<64x128xf32, #tpu.memory_space<vmem>>, vector<1x16xf32>,
      %get3A_402 = vector.shape_cast %get3A_401 : vector<1x16xf32> to vector<16xf32>
      %mul3A_403 = arith.mulf %get3A_398, %get3A_402 : vector<16xf32>
      %swap3A_404 = arith.index_cast %scan3A_298 : i32 to index
      %swap3A_405 = arith.constant 112 : index
      %swap3A_406 = tpu.vector_load %arg17[%swap3A_404, %swap3A_405] {strides = array<i32>} : memref<64x128xf32, #tpu.memory_space<vmem>>, vector<1x16xf32>,
      %swap3A_407 = vector.shape_cast %swap3A_406 : vector<1x16xf32> to vector<16xf32>
      %swap3A_408 = vector.shape_cast %mul3A_403 : vector<16xf32> to vector<1x16xf32>
      tpu.vector_store %arg17[%swap3A_404, %swap3A_405], %swap3A_408 {strides = array<i32>} : memref<64x128xf32, #tpu.memory_space<vmem>>, vector<1x16xf32>,
    }
    %scan3A_67 = arith.constant 64 : i32
    %mul3A_68 = arith.constant 256 : i32
    %mul3A_69 = arith.muli %add3A, %mul3A_68 : i32
    %add3A_70 = arith.constant 0 : i32
    %add3A_71 = arith.addi %mul3A_69, %add3A_70 : i32
    %dma_start3A_72 = arith.constant 0 : i32
    %dma_start3A_73 = tpu.memref_slice %arg8[%add3A_71, %dma_start3A_72] : memref<8192x384xf32, #tpu.memory_space<hbm>> -> memref<64x128xf32, #tpu.memory_space<hbm>>
    %dma_start3A_74 = arith.constant 0 : i32
    %dma_start3A_75 = tpu.memref_slice %arg8[%add3A_71, %dma_start3A_74] : memref<8192x384xf32, #tpu.memory_space<hbm>> -> memref<64x128xf32, #tpu.memory_space<hbm>>
    tpu.enqueue_dma source(%arg11 : memref<64x128xf32, #tpu.memory_space<vmem>>) target(%dma_start3A_75 : memref<64x128xf32, #tpu.memory_space<hbm>>) target_semaphore(%arg35 : memref<!tpu.dma_semaphore, #tpu.memory_space<semaphore_mem>>)
    %dma_start3A_76 = arith.constant 128 : i32
    %dma_start3A_77 = tpu.memref_slice %arg8[%add3A_71, %dma_start3A_76] : memref<8192x384xf32, #tpu.memory_space<hbm>> -> memref<64x128xf32, #tpu.memory_space<hbm>>
    %dma_start3A_78 = arith.constant 128 : i32
    %dma_start3A_79 = tpu.memref_slice %arg8[%add3A_71, %dma_start3A_78] : memref<8192x384xf32, #tpu.memory_space<hbm>> -> memref<64x128xf32, #tpu.memory_space<hbm>>
    tpu.enqueue_dma source(%arg14 : memref<64x128xf32, #tpu.memory_space<vmem>>) target(%dma_start3A_79 : memref<64x128xf32, #tpu.memory_space<hbm>>) target_semaphore(%arg35 : memref<!tpu.dma_semaphore, #tpu.memory_space<semaphore_mem>>)
    %dma_start3A_80 = arith.constant 256 : i32
    %dma_start3A_81 = tpu.memref_slice %arg8[%add3A_71, %dma_start3A_80] : memref<8192x384xf32, #tpu.memory_space<hbm>> -> memref<64x128xf32, #tpu.memory_space<hbm>>
    %dma_start3A_82 = arith.constant 256 : i32
    %dma_start3A_83 = tpu.memref_slice %arg8[%add3A_71, %dma_start3A_82] : memref<8192x384xf32, #tpu.memory_space<hbm>> -> memref<64x128xf32, #tpu.memory_space<hbm>>
    tpu.enqueue_dma source(%arg17 : memref<64x128xf32, #tpu.memory_space<vmem>>) target(%dma_start3A_83 : memref<64x128xf32, #tpu.memory_space<hbm>>) target_semaphore(%arg35 : memref<!tpu.dma_semaphore, #tpu.memory_space<semaphore_mem>>)
    %dma_start3A_84 = arith.constant 128 : i32
    %dma_start3A_85 = tpu.memref_slice %arg9[%dma_start3A_84] : memref<256xi32, #tpu.memory_space<vmem>> -> memref<64xi32, #tpu.memory_space<vmem>>
    %dma_start3A_86 = arith.constant 0 : i32
    %dma_start3A_87 = arith.constant 0 : i32
    %dma_start3A_88 = tpu.memref_slice %arg4[%dma_start3A_86, %dma_start3A_87] : memref<100000x128xf32, #tpu.memory_space<hbm>> -> memref<100000x128xf32, #tpu.memory_space<hbm>>
    tpu.enqueue_indirect_dma source(%dma_start3A_88 : memref<100000x128xf32, #tpu.memory_space<hbm>>) target(%arg13 : memref<64x128xf32, #tpu.memory_space<vmem>>) offsets(%dma_start3A_85 : memref<64xi32, #tpu.memory_space<vmem>>) semaphore(%arg25 : memref<!tpu.dma_semaphore, #tpu.memory_space<semaphore_mem>>)
    %dma_start3A_89 = arith.constant 128 : i32
    %dma_start3A_90 = tpu.memref_slice %arg10[%dma_start3A_89] : memref<256xi32, #tpu.memory_space<vmem>> -> memref<64xi32, #tpu.memory_space<vmem>>
    %dma_start3A_91 = arith.constant 0 : i32
    %dma_start3A_92 = arith.constant 0 : i32
    %dma_start3A_93 = tpu.memref_slice %arg5[%dma_start3A_91, %dma_start3A_92] : memref<100000x128xf32, #tpu.memory_space<hbm>> -> memref<100000x128xf32, #tpu.memory_space<hbm>>
    tpu.enqueue_indirect_dma source(%dma_start3A_93 : memref<100000x128xf32, #tpu.memory_space<hbm>>) target(%arg16 : memref<64x128xf32, #tpu.memory_space<vmem>>) offsets(%dma_start3A_90 : memref<64xi32, #tpu.memory_space<vmem>>) semaphore(%arg28 : memref<!tpu.dma_semaphore, #tpu.memory_space<semaphore_mem>>)
    %dma_start3A_94 = arith.constant 128 : i32
    %dma_start3A_95 = tpu.memref_slice %arg9[%dma_start3A_94] : memref<256xi32, #tpu.memory_space<vmem>> -> memref<64xi32, #tpu.memory_space<vmem>>
    %dma_start3A_96 = arith.constant 0 : i32
    %dma_start3A_97 = arith.constant 0 : i32
    %dma_start3A_98 = tpu.memref_slice %arg6[%dma_start3A_96, %dma_start3A_97] : memref<100000x128xf32, #tpu.memory_space<hbm>> -> memref<100000x128xf32, #tpu.memory_space<hbm>>
    tpu.enqueue_indirect_dma source(%dma_start3A_98 : memref<100000x128xf32, #tpu.memory_space<hbm>>) target(%arg19 : memref<64x128xf32, #tpu.memory_space<vmem>>) offsets(%dma_start3A_95 : memref<64xi32, #tpu.memory_space<vmem>>) semaphore(%arg31 : memref<!tpu.dma_semaphore, #tpu.memory_space<semaphore_mem>>)
    %dma_start3A_99 = arith.constant 128 : i32
    %dma_start3A_100 = tpu.memref_slice %arg10[%dma_start3A_99] : memref<256xi32, #tpu.memory_space<vmem>> -> memref<64xi32, #tpu.memory_space<vmem>>
    %dma_start3A_101 = arith.constant 0 : i32
    %dma_start3A_102 = arith.constant 0 : i32
    %dma_start3A_103 = tpu.memref_slice %arg7[%dma_start3A_101, %dma_start3A_102] : memref<100000x128xf32, #tpu.memory_space<hbm>> -> memref<100000x128xf32, #tpu.memory_space<hbm>>
    tpu.enqueue_indirect_dma source(%dma_start3A_103 : memref<100000x128xf32, #tpu.memory_space<hbm>>) target(%arg22 : memref<64x128xf32, #tpu.memory_space<vmem>>) offsets(%dma_start3A_100 : memref<64xi32, #tpu.memory_space<vmem>>) semaphore(%arg34 : memref<!tpu.dma_semaphore, #tpu.memory_space<semaphore_mem>>)
    %dma_wait3A_104 = arith.constant 64 : i32
    %dma_wait3A_105 = tpu.memref_slice %arg9[%dma_wait3A_104] : memref<256xi32, #tpu.memory_space<vmem>> -> memref<64xi32, #tpu.memory_space<vmem>>
    %dma_wait3A_106 = arith.constant 0 : i32
    %dma_wait3A_107 = arith.constant 0 : i32
    %dma_wait3A_108 = tpu.memref_slice %arg4[%dma_wait3A_106, %dma_wait3A_107] : memref<100000x128xf32, #tpu.memory_space<hbm>> -> memref<100000x128xf32, #tpu.memory_space<hbm>>
    tpu.wait_indirect_dma semaphore(%arg24 : memref<!tpu.dma_semaphore, #tpu.memory_space<semaphore_mem>>) src(%dma_wait3A_108 : memref<100000x128xf32, #tpu.memory_space<hbm>>) dst(%arg12 : memref<64x128xf32, #tpu.memory_space<vmem>>)
    %dma_wait3A_109 = arith.constant 64 : i32
    %dma_wait3A_110 = tpu.memref_slice %arg10[%dma_wait3A_109] : memref<256xi32, #tpu.memory_space<vmem>> -> memref<64xi32, #tpu.memory_space<vmem>>
    %dma_wait3A_111 = arith.constant 0 : i32
    %dma_wait3A_112 = arith.constant 0 : i32
    %dma_wait3A_113 = tpu.memref_slice %arg5[%dma_wait3A_111, %dma_wait3A_112] : memref<100000x128xf32, #tpu.memory_space<hbm>> -> memref<100000x128xf32, #tpu.memory_space<hbm>>
    tpu.wait_indirect_dma semaphore(%arg27 : memref<!tpu.dma_semaphore, #tpu.memory_space<semaphore_mem>>) src(%dma_wait3A_113 : memref<100000x128xf32, #tpu.memory_space<hbm>>) dst(%arg15 : memref<64x128xf32, #tpu.memory_space<vmem>>)
    %dma_wait3A_114 = arith.constant 64 : i32
    %dma_wait3A_115 = tpu.memref_slice %arg9[%dma_wait3A_114] : memref<256xi32, #tpu.memory_space<vmem>> -> memref<64xi32, #tpu.memory_space<vmem>>
    %dma_wait3A_116 = arith.constant 0 : i32
    %dma_wait3A_117 = arith.constant 0 : i32
    %dma_wait3A_118 = tpu.memref_slice %arg6[%dma_wait3A_116, %dma_wait3A_117] : memref<100000x128xf32, #tpu.memory_space<hbm>> -> memref<100000x128xf32, #tpu.memory_space<hbm>>
    tpu.wait_indirect_dma semaphore(%arg30 : memref<!tpu.dma_semaphore, #tpu.memory_space<semaphore_mem>>) src(%dma_wait3A_118 : memref<100000x128xf32, #tpu.memory_space<hbm>>) dst(%arg18 : memref<64x128xf32, #tpu.memory_space<vmem>>)
    %dma_wait3A_119 = arith.constant 64 : i32
    %dma_wait3A_120 = tpu.memref_slice %arg10[%dma_wait3A_119] : memref<256xi32, #tpu.memory_space<vmem>> -> memref<64xi32, #tpu.memory_space<vmem>>
    %dma_wait3A_121 = arith.constant 0 : i32
    %dma_wait3A_122 = arith.constant 0 : i32
    %dma_wait3A_123 = tpu.memref_slice %arg7[%dma_wait3A_121, %dma_wait3A_122] : memref<100000x128xf32, #tpu.memory_space<hbm>> -> memref<100000x128xf32, #tpu.memory_space<hbm>>
    tpu.wait_indirect_dma semaphore(%arg33 : memref<!tpu.dma_semaphore, #tpu.memory_space<semaphore_mem>>) src(%dma_wait3A_123 : memref<100000x128xf32, #tpu.memory_space<hbm>>) dst(%arg21 : memref<64x128xf32, #tpu.memory_space<vmem>>)
    %scan3A_124 = arith.constant 0 : i32
    %scan3A_125 = arith.constant 0 : i32
    %scan3A_126 = arith.constant 64 : i32
    %scan3A_127 = arith.addi %scan3A_125, %scan3A_126 : i32
    %scan3A_128 = arith.constant 1 : i32
    scf.for %scan3A_298 = %scan3A_125 to %scan3A_127 step %scan3A_128  : i32 {
      %get3A = arith.index_cast %scan3A_298 : i32 to index
      %get3A_299 = arith.constant 0 : index
      %get3A_300 = tpu.vector_load %arg18[%get3A, %get3A_299] {strides = array<i32>} : memref<64x128xf32, #tpu.memory_space<vmem>>, vector<1x16xf32>,
      %get3A_301 = vector.shape_cast %get3A_300 : vector<1x16xf32> to vector<16xf32>
      %get3A_302 = arith.index_cast %scan3A_298 : i32 to index
      %get3A_303 = arith.constant 0 : index
      %get3A_304 = tpu.vector_load %arg21[%get3A_302, %get3A_303] {strides = array<i32>} : memref<64x128xf32, #tpu.memory_space<vmem>>, vector<1x16xf32>,
      %get3A_305 = vector.shape_cast %get3A_304 : vector<1x16xf32> to vector<16xf32>
      %mul3A_306 = arith.mulf %get3A_301, %get3A_305 : vector<16xf32>
      %swap3A = arith.index_cast %scan3A_298 : i32 to index
      %swap3A_307 = arith.constant 0 : index
      %swap3A_308 = tpu.vector_load %arg18[%swap3A, %swap3A_307] {strides = array<i32>} : memref<64x128xf32, #tpu.memory_space<vmem>>, vector<1x16xf32>,
      %swap3A_309 = vector.shape_cast %swap3A_308 : vector<1x16xf32> to vector<16xf32>
      %swap3A_310 = vector.shape_cast %mul3A_306 : vector<16xf32> to vector<1x16xf32>
      tpu.vector_store %arg18[%swap3A, %swap3A_307], %swap3A_310 {strides = array<i32>} : memref<64x128xf32, #tpu.memory_space<vmem>>, vector<1x16xf32>,
      %get3A_311 = arith.index_cast %scan3A_298 : i32 to index
      %get3A_312 = arith.constant 16 : index
      %get3A_313 = tpu.vector_load %arg18[%get3A_311, %get3A_312] {strides = array<i32>} : memref<64x128xf32, #tpu.memory_space<vmem>>, vector<1x16xf32>,
      %get3A_314 = vector.shape_cast %get3A_313 : vector<1x16xf32> to vector<16xf32>
      %get3A_315 = arith.index_cast %scan3A_298 : i32 to index
      %get3A_316 = arith.constant 16 : index
      %get3A_317 = tpu.vector_load %arg21[%get3A_315, %get3A_316] {strides = array<i32>} : memref<64x128xf32, #tpu.memory_space<vmem>>, vector<1x16xf32>,
      %get3A_318 = vector.shape_cast %get3A_317 : vector<1x16xf32> to vector<16xf32>
      %mul3A_319 = arith.mulf %get3A_314, %get3A_318 : vector<16xf32>
      %swap3A_320 = arith.index_cast %scan3A_298 : i32 to index
      %swap3A_321 = arith.constant 16 : index
      %swap3A_322 = tpu.vector_load %arg18[%swap3A_320, %swap3A_321] {strides = array<i32>} : memref<64x128xf32, #tpu.memory_space<vmem>>, vector<1x16xf32>,
      %swap3A_323 = vector.shape_cast %swap3A_322 : vector<1x16xf32> to vector<16xf32>
      %swap3A_324 = vector.shape_cast %mul3A_319 : vector<16xf32> to vector<1x16xf32>
      tpu.vector_store %arg18[%swap3A_320, %swap3A_321], %swap3A_324 {strides = array<i32>} : memref<64x128xf32, #tpu.memory_space<vmem>>, vector<1x16xf32>,
      %get3A_325 = arith.index_cast %scan3A_298 : i32 to index
      %get3A_326 = arith.constant 32 : index
      %get3A_327 = tpu.vector_load %arg18[%get3A_325, %get3A_326] {strides = array<i32>} : memref<64x128xf32, #tpu.memory_space<vmem>>, vector<1x16xf32>,
      %get3A_328 = vector.shape_cast %get3A_327 : vector<1x16xf32> to vector<16xf32>
      %get3A_329 = arith.index_cast %scan3A_298 : i32 to index
      %get3A_330 = arith.constant 32 : index
      %get3A_331 = tpu.vector_load %arg21[%get3A_329, %get3A_330] {strides = array<i32>} : memref<64x128xf32, #tpu.memory_space<vmem>>, vector<1x16xf32>,
      %get3A_332 = vector.shape_cast %get3A_331 : vector<1x16xf32> to vector<16xf32>
      %mul3A_333 = arith.mulf %get3A_328, %get3A_332 : vector<16xf32>
      %swap3A_334 = arith.index_cast %scan3A_298 : i32 to index
      %swap3A_335 = arith.constant 32 : index
      %swap3A_336 = tpu.vector_load %arg18[%swap3A_334, %swap3A_335] {strides = array<i32>} : memref<64x128xf32, #tpu.memory_space<vmem>>, vector<1x16xf32>,
      %swap3A_337 = vector.shape_cast %swap3A_336 : vector<1x16xf32> to vector<16xf32>
      %swap3A_338 = vector.shape_cast %mul3A_333 : vector<16xf32> to vector<1x16xf32>
      tpu.vector_store %arg18[%swap3A_334, %swap3A_335], %swap3A_338 {strides = array<i32>} : memref<64x128xf32, #tpu.memory_space<vmem>>, vector<1x16xf32>,
      %get3A_339 = arith.index_cast %scan3A_298 : i32 to index
      %get3A_340 = arith.constant 48 : index
      %get3A_341 = tpu.vector_load %arg18[%get3A_339, %get3A_340] {strides = array<i32>} : memref<64x128xf32, #tpu.memory_space<vmem>>, vector<1x16xf32>,
      %get3A_342 = vector.shape_cast %get3A_341 : vector<1x16xf32> to vector<16xf32>
      %get3A_343 = arith.index_cast %scan3A_298 : i32 to index
      %get3A_344 = arith.constant 48 : index
      %get3A_345 = tpu.vector_load %arg21[%get3A_343, %get3A_344] {strides = array<i32>} : memref<64x128xf32, #tpu.memory_space<vmem>>, vector<1x16xf32>,
      %get3A_346 = vector.shape_cast %get3A_345 : vector<1x16xf32> to vector<16xf32>
      %mul3A_347 = arith.mulf %get3A_342, %get3A_346 : vector<16xf32>
      %swap3A_348 = arith.index_cast %scan3A_298 : i32 to index
      %swap3A_349 = arith.constant 48 : index
      %swap3A_350 = tpu.vector_load %arg18[%swap3A_348, %swap3A_349] {strides = array<i32>} : memref<64x128xf32, #tpu.memory_space<vmem>>, vector<1x16xf32>,
      %swap3A_351 = vector.shape_cast %swap3A_350 : vector<1x16xf32> to vector<16xf32>
      %swap3A_352 = vector.shape_cast %mul3A_347 : vector<16xf32> to vector<1x16xf32>
      tpu.vector_store %arg18[%swap3A_348, %swap3A_349], %swap3A_352 {strides = array<i32>} : memref<64x128xf32, #tpu.memory_space<vmem>>, vector<1x16xf32>,
      %get3A_353 = arith.index_cast %scan3A_298 : i32 to index
      %get3A_354 = arith.constant 64 : index
      %get3A_355 = tpu.vector_load %arg18[%get3A_353, %get3A_354] {strides = array<i32>} : memref<64x128xf32, #tpu.memory_space<vmem>>, vector<1x16xf32>,
      %get3A_356 = vector.shape_cast %get3A_355 : vector<1x16xf32> to vector<16xf32>
      %get3A_357 = arith.index_cast %scan3A_298 : i32 to index
      %get3A_358 = arith.constant 64 : index
      %get3A_359 = tpu.vector_load %arg21[%get3A_357, %get3A_358] {strides = array<i32>} : memref<64x128xf32, #tpu.memory_space<vmem>>, vector<1x16xf32>,
      %get3A_360 = vector.shape_cast %get3A_359 : vector<1x16xf32> to vector<16xf32>
      %mul3A_361 = arith.mulf %get3A_356, %get3A_360 : vector<16xf32>
      %swap3A_362 = arith.index_cast %scan3A_298 : i32 to index
      %swap3A_363 = arith.constant 64 : index
      %swap3A_364 = tpu.vector_load %arg18[%swap3A_362, %swap3A_363] {strides = array<i32>} : memref<64x128xf32, #tpu.memory_space<vmem>>, vector<1x16xf32>,
      %swap3A_365 = vector.shape_cast %swap3A_364 : vector<1x16xf32> to vector<16xf32>
      %swap3A_366 = vector.shape_cast %mul3A_361 : vector<16xf32> to vector<1x16xf32>
      tpu.vector_store %arg18[%swap3A_362, %swap3A_363], %swap3A_366 {strides = array<i32>} : memref<64x128xf32, #tpu.memory_space<vmem>>, vector<1x16xf32>,
      %get3A_367 = arith.index_cast %scan3A_298 : i32 to index
      %get3A_368 = arith.constant 80 : index
      %get3A_369 = tpu.vector_load %arg18[%get3A_367, %get3A_368] {strides = array<i32>} : memref<64x128xf32, #tpu.memory_space<vmem>>, vector<1x16xf32>,
      %get3A_370 = vector.shape_cast %get3A_369 : vector<1x16xf32> to vector<16xf32>
      %get3A_371 = arith.index_cast %scan3A_298 : i32 to index
      %get3A_372 = arith.constant 80 : index
      %get3A_373 = tpu.vector_load %arg21[%get3A_371, %get3A_372] {strides = array<i32>} : memref<64x128xf32, #tpu.memory_space<vmem>>, vector<1x16xf32>,
      %get3A_374 = vector.shape_cast %get3A_373 : vector<1x16xf32> to vector<16xf32>
      %mul3A_375 = arith.mulf %get3A_370, %get3A_374 : vector<16xf32>
      %swap3A_376 = arith.index_cast %scan3A_298 : i32 to index
      %swap3A_377 = arith.constant 80 : index
      %swap3A_378 = tpu.vector_load %arg18[%swap3A_376, %swap3A_377] {strides = array<i32>} : memref<64x128xf32, #tpu.memory_space<vmem>>, vector<1x16xf32>,
      %swap3A_379 = vector.shape_cast %swap3A_378 : vector<1x16xf32> to vector<16xf32>
      %swap3A_380 = vector.shape_cast %mul3A_375 : vector<16xf32> to vector<1x16xf32>
      tpu.vector_store %arg18[%swap3A_376, %swap3A_377], %swap3A_380 {strides = array<i32>} : memref<64x128xf32, #tpu.memory_space<vmem>>, vector<1x16xf32>,
      %get3A_381 = arith.index_cast %scan3A_298 : i32 to index
      %get3A_382 = arith.constant 96 : index
      %get3A_383 = tpu.vector_load %arg18[%get3A_381, %get3A_382] {strides = array<i32>} : memref<64x128xf32, #tpu.memory_space<vmem>>, vector<1x16xf32>,
      %get3A_384 = vector.shape_cast %get3A_383 : vector<1x16xf32> to vector<16xf32>
      %get3A_385 = arith.index_cast %scan3A_298 : i32 to index
      %get3A_386 = arith.constant 96 : index
      %get3A_387 = tpu.vector_load %arg21[%get3A_385, %get3A_386] {strides = array<i32>} : memref<64x128xf32, #tpu.memory_space<vmem>>, vector<1x16xf32>,
      %get3A_388 = vector.shape_cast %get3A_387 : vector<1x16xf32> to vector<16xf32>
      %mul3A_389 = arith.mulf %get3A_384, %get3A_388 : vector<16xf32>
      %swap3A_390 = arith.index_cast %scan3A_298 : i32 to index
      %swap3A_391 = arith.constant 96 : index
      %swap3A_392 = tpu.vector_load %arg18[%swap3A_390, %swap3A_391] {strides = array<i32>} : memref<64x128xf32, #tpu.memory_space<vmem>>, vector<1x16xf32>,
      %swap3A_393 = vector.shape_cast %swap3A_392 : vector<1x16xf32> to vector<16xf32>
      %swap3A_394 = vector.shape_cast %mul3A_389 : vector<16xf32> to vector<1x16xf32>
      tpu.vector_store %arg18[%swap3A_390, %swap3A_391], %swap3A_394 {strides = array<i32>} : memref<64x128xf32, #tpu.memory_space<vmem>>, vector<1x16xf32>,
      %get3A_395 = arith.index_cast %scan3A_298 : i32 to index
      %get3A_396 = arith.constant 112 : index
      %get3A_397 = tpu.vector_load %arg18[%get3A_395, %get3A_396] {strides = array<i32>} : memref<64x128xf32, #tpu.memory_space<vmem>>, vector<1x16xf32>,
      %get3A_398 = vector.shape_cast %get3A_397 : vector<1x16xf32> to vector<16xf32>
      %get3A_399 = arith.index_cast %scan3A_298 : i32 to index
      %get3A_400 = arith.constant 112 : index
      %get3A_401 = tpu.vector_load %arg21[%get3A_399, %get3A_400] {strides = array<i32>} : memref<64x128xf32, #tpu.memory_space<vmem>>, vector<1x16xf32>,
      %get3A_402 = vector.shape_cast %get3A_401 : vector<1x16xf32> to vector<16xf32>
      %mul3A_403 = arith.mulf %get3A_398, %get3A_402 : vector<16xf32>
      %swap3A_404 = arith.index_cast %scan3A_298 : i32 to index
      %swap3A_405 = arith.constant 112 : index
      %swap3A_406 = tpu.vector_load %arg18[%swap3A_404, %swap3A_405] {strides = array<i32>} : memref<64x128xf32, #tpu.memory_space<vmem>>, vector<1x16xf32>,
      %swap3A_407 = vector.shape_cast %swap3A_406 : vector<1x16xf32> to vector<16xf32>
      %swap3A_408 = vector.shape_cast %mul3A_403 : vector<16xf32> to vector<1x16xf32>
      tpu.vector_store %arg18[%swap3A_404, %swap3A_405], %swap3A_408 {strides = array<i32>} : memref<64x128xf32, #tpu.memory_space<vmem>>, vector<1x16xf32>,
    }
    %scan3A_129 = arith.constant 64 : i32
    %mul3A_130 = arith.constant 256 : i32
    %mul3A_131 = arith.muli %add3A, %mul3A_130 : i32
    %add3A_132 = arith.constant 64 : i32
    %add3A_133 = arith.addi %mul3A_131, %add3A_132 : i32
    %dma_start3A_134 = arith.constant 0 : i32
    %dma_start3A_135 = tpu.memref_slice %arg8[%add3A_133, %dma_start3A_134] : memref<8192x384xf32, #tpu.memory_space<hbm>> -> memref<64x128xf32, #tpu.memory_space<hbm>>
    %dma_start3A_136 = arith.constant 0 : i32
    %dma_start3A_137 = tpu.memref_slice %arg8[%add3A_133, %dma_start3A_136] : memref<8192x384xf32, #tpu.memory_space<hbm>> -> memref<64x128xf32, #tpu.memory_space<hbm>>
    tpu.enqueue_dma source(%arg12 : memref<64x128xf32, #tpu.memory_space<vmem>>) target(%dma_start3A_137 : memref<64x128xf32, #tpu.memory_space<hbm>>) target_semaphore(%arg36 : memref<!tpu.dma_semaphore, #tpu.memory_space<semaphore_mem>>)
    %dma_start3A_138 = arith.constant 128 : i32
    %dma_start3A_139 = tpu.memref_slice %arg8[%add3A_133, %dma_start3A_138] : memref<8192x384xf32, #tpu.memory_space<hbm>> -> memref<64x128xf32, #tpu.memory_space<hbm>>
    %dma_start3A_140 = arith.constant 128 : i32
    %dma_start3A_141 = tpu.memref_slice %arg8[%add3A_133, %dma_start3A_140] : memref<8192x384xf32, #tpu.memory_space<hbm>> -> memref<64x128xf32, #tpu.memory_space<hbm>>
    tpu.enqueue_dma source(%arg15 : memref<64x128xf32, #tpu.memory_space<vmem>>) target(%dma_start3A_141 : memref<64x128xf32, #tpu.memory_space<hbm>>) target_semaphore(%arg36 : memref<!tpu.dma_semaphore, #tpu.memory_space<semaphore_mem>>)
    %dma_start3A_142 = arith.constant 256 : i32
    %dma_start3A_143 = tpu.memref_slice %arg8[%add3A_133, %dma_start3A_142] : memref<8192x384xf32, #tpu.memory_space<hbm>> -> memref<64x128xf32, #tpu.memory_space<hbm>>
    %dma_start3A_144 = arith.constant 256 : i32
    %dma_start3A_145 = tpu.memref_slice %arg8[%add3A_133, %dma_start3A_144] : memref<8192x384xf32, #tpu.memory_space<hbm>> -> memref<64x128xf32, #tpu.memory_space<hbm>>
    tpu.enqueue_dma source(%arg18 : memref<64x128xf32, #tpu.memory_space<vmem>>) target(%dma_start3A_145 : memref<64x128xf32, #tpu.memory_space<hbm>>) target_semaphore(%arg36 : memref<!tpu.dma_semaphore, #tpu.memory_space<semaphore_mem>>)
    %dma_wait3A_146 = arith.constant 0 : i32
    %dma_wait3A_147 = tpu.memref_slice %arg8[%add3A_71, %dma_wait3A_146] : memref<8192x384xf32, #tpu.memory_space<hbm>> -> memref<64x128xf32, #tpu.memory_space<hbm>>
    %dma_wait3A_148 = arith.constant 0 : i32
    %dma_wait3A_149 = tpu.memref_slice %arg8[%add3A_71, %dma_wait3A_148] : memref<8192x384xf32, #tpu.memory_space<hbm>> -> memref<64x128xf32, #tpu.memory_space<hbm>>
    tpu.wait_dma2 semaphore(%arg35 : memref<!tpu.dma_semaphore, #tpu.memory_space<semaphore_mem>>) src(%arg11 : memref<64x128xf32, #tpu.memory_space<vmem>>) dst(%dma_wait3A_149 : memref<64x128xf32, #tpu.memory_space<hbm>>)
    %dma_wait3A_150 = arith.constant 128 : i32
    %dma_wait3A_151 = tpu.memref_slice %arg8[%add3A_71, %dma_wait3A_150] : memref<8192x384xf32, #tpu.memory_space<hbm>> -> memref<64x128xf32, #tpu.memory_space<hbm>>
    %dma_wait3A_152 = arith.constant 128 : i32
    %dma_wait3A_153 = tpu.memref_slice %arg8[%add3A_71, %dma_wait3A_152] : memref<8192x384xf32, #tpu.memory_space<hbm>> -> memref<64x128xf32, #tpu.memory_space<hbm>>
    tpu.wait_dma2 semaphore(%arg35 : memref<!tpu.dma_semaphore, #tpu.memory_space<semaphore_mem>>) src(%arg14 : memref<64x128xf32, #tpu.memory_space<vmem>>) dst(%dma_wait3A_153 : memref<64x128xf32, #tpu.memory_space<hbm>>)
    %dma_wait3A_154 = arith.constant 256 : i32
    %dma_wait3A_155 = tpu.memref_slice %arg8[%add3A_71, %dma_wait3A_154] : memref<8192x384xf32, #tpu.memory_space<hbm>> -> memref<64x128xf32, #tpu.memory_space<hbm>>
    %dma_wait3A_156 = arith.constant 256 : i32
    %dma_wait3A_157 = tpu.memref_slice %arg8[%add3A_71, %dma_wait3A_156] : memref<8192x384xf32, #tpu.memory_space<hbm>> -> memref<64x128xf32, #tpu.memory_space<hbm>>
    tpu.wait_dma2 semaphore(%arg35 : memref<!tpu.dma_semaphore, #tpu.memory_space<semaphore_mem>>) src(%arg17 : memref<64x128xf32, #tpu.memory_space<vmem>>) dst(%dma_wait3A_157 : memref<64x128xf32, #tpu.memory_space<hbm>>)
    %dma_start3A_158 = arith.constant 192 : i32
    %dma_start3A_159 = tpu.memref_slice %arg9[%dma_start3A_158] : memref<256xi32, #tpu.memory_space<vmem>> -> memref<64xi32, #tpu.memory_space<vmem>>
    %dma_start3A_160 = arith.constant 0 : i32
    %dma_start3A_161 = arith.constant 0 : i32
    %dma_start3A_162 = tpu.memref_slice %arg4[%dma_start3A_160, %dma_start3A_161] : memref<100000x128xf32, #tpu.memory_space<hbm>> -> memref<100000x128xf32, #tpu.memory_space<hbm>>
    tpu.enqueue_indirect_dma source(%dma_start3A_162 : memref<100000x128xf32, #tpu.memory_space<hbm>>) target(%arg11 : memref<64x128xf32, #tpu.memory_space<vmem>>) offsets(%dma_start3A_159 : memref<64xi32, #tpu.memory_space<vmem>>) semaphore(%arg23 : memref<!tpu.dma_semaphore, #tpu.memory_space<semaphore_mem>>)
    %dma_start3A_163 = arith.constant 192 : i32
    %dma_start3A_164 = tpu.memref_slice %arg10[%dma_start3A_163] : memref<256xi32, #tpu.memory_space<vmem>> -> memref<64xi32, #tpu.memory_space<vmem>>
    %dma_start3A_165 = arith.constant 0 : i32
    %dma_start3A_166 = arith.constant 0 : i32
    %dma_start3A_167 = tpu.memref_slice %arg5[%dma_start3A_165, %dma_start3A_166] : memref<100000x128xf32, #tpu.memory_space<hbm>> -> memref<100000x128xf32, #tpu.memory_space<hbm>>
    tpu.enqueue_indirect_dma source(%dma_start3A_167 : memref<100000x128xf32, #tpu.memory_space<hbm>>) target(%arg14 : memref<64x128xf32, #tpu.memory_space<vmem>>) offsets(%dma_start3A_164 : memref<64xi32, #tpu.memory_space<vmem>>) semaphore(%arg26 : memref<!tpu.dma_semaphore, #tpu.memory_space<semaphore_mem>>)
    %dma_start3A_168 = arith.constant 192 : i32
    %dma_start3A_169 = tpu.memref_slice %arg9[%dma_start3A_168] : memref<256xi32, #tpu.memory_space<vmem>> -> memref<64xi32, #tpu.memory_space<vmem>>
    %dma_start3A_170 = arith.constant 0 : i32
    %dma_start3A_171 = arith.constant 0 : i32
    %dma_start3A_172 = tpu.memref_slice %arg6[%dma_start3A_170, %dma_start3A_171] : memref<100000x128xf32, #tpu.memory_space<hbm>> -> memref<100000x128xf32, #tpu.memory_space<hbm>>
    tpu.enqueue_indirect_dma source(%dma_start3A_172 : memref<100000x128xf32, #tpu.memory_space<hbm>>) target(%arg17 : memref<64x128xf32, #tpu.memory_space<vmem>>) offsets(%dma_start3A_169 : memref<64xi32, #tpu.memory_space<vmem>>) semaphore(%arg29 : memref<!tpu.dma_semaphore, #tpu.memory_space<semaphore_mem>>)
    %dma_start3A_173 = arith.constant 192 : i32
    %dma_start3A_174 = tpu.memref_slice %arg10[%dma_start3A_173] : memref<256xi32, #tpu.memory_space<vmem>> -> memref<64xi32, #tpu.memory_space<vmem>>
    %dma_start3A_175 = arith.constant 0 : i32
    %dma_start3A_176 = arith.constant 0 : i32
    %dma_start3A_177 = tpu.memref_slice %arg7[%dma_start3A_175, %dma_start3A_176] : memref<100000x128xf32, #tpu.memory_space<hbm>> -> memref<100000x128xf32, #tpu.memory_space<hbm>>
    tpu.enqueue_indirect_dma source(%dma_start3A_177 : memref<100000x128xf32, #tpu.memory_space<hbm>>) target(%arg20 : memref<64x128xf32, #tpu.memory_space<vmem>>) offsets(%dma_start3A_174 : memref<64xi32, #tpu.memory_space<vmem>>) semaphore(%arg32 : memref<!tpu.dma_semaphore, #tpu.memory_space<semaphore_mem>>)
    %dma_wait3A_178 = arith.constant 128 : i32
    %dma_wait3A_179 = tpu.memref_slice %arg9[%dma_wait3A_178] : memref<256xi32, #tpu.memory_space<vmem>> -> memref<64xi32, #tpu.memory_space<vmem>>
    %dma_wait3A_180 = arith.constant 0 : i32
    %dma_wait3A_181 = arith.constant 0 : i32
    %dma_wait3A_182 = tpu.memref_slice %arg4[%dma_wait3A_180, %dma_wait3A_181] : memref<100000x128xf32, #tpu.memory_space<hbm>> -> memref<100000x128xf32, #tpu.memory_space<hbm>>
    tpu.wait_indirect_dma semaphore(%arg25 : memref<!tpu.dma_semaphore, #tpu.memory_space<semaphore_mem>>) src(%dma_wait3A_182 : memref<100000x128xf32, #tpu.memory_space<hbm>>) dst(%arg13 : memref<64x128xf32, #tpu.memory_space<vmem>>)
    %dma_wait3A_183 = arith.constant 128 : i32
    %dma_wait3A_184 = tpu.memref_slice %arg10[%dma_wait3A_183] : memref<256xi32, #tpu.memory_space<vmem>> -> memref<64xi32, #tpu.memory_space<vmem>>
    %dma_wait3A_185 = arith.constant 0 : i32
    %dma_wait3A_186 = arith.constant 0 : i32
    %dma_wait3A_187 = tpu.memref_slice %arg5[%dma_wait3A_185, %dma_wait3A_186] : memref<100000x128xf32, #tpu.memory_space<hbm>> -> memref<100000x128xf32, #tpu.memory_space<hbm>>
    tpu.wait_indirect_dma semaphore(%arg28 : memref<!tpu.dma_semaphore, #tpu.memory_space<semaphore_mem>>) src(%dma_wait3A_187 : memref<100000x128xf32, #tpu.memory_space<hbm>>) dst(%arg16 : memref<64x128xf32, #tpu.memory_space<vmem>>)
    %dma_wait3A_188 = arith.constant 128 : i32
    %dma_wait3A_189 = tpu.memref_slice %arg9[%dma_wait3A_188] : memref<256xi32, #tpu.memory_space<vmem>> -> memref<64xi32, #tpu.memory_space<vmem>>
    %dma_wait3A_190 = arith.constant 0 : i32
    %dma_wait3A_191 = arith.constant 0 : i32
    %dma_wait3A_192 = tpu.memref_slice %arg6[%dma_wait3A_190, %dma_wait3A_191] : memref<100000x128xf32, #tpu.memory_space<hbm>> -> memref<100000x128xf32, #tpu.memory_space<hbm>>
    tpu.wait_indirect_dma semaphore(%arg31 : memref<!tpu.dma_semaphore, #tpu.memory_space<semaphore_mem>>) src(%dma_wait3A_192 : memref<100000x128xf32, #tpu.memory_space<hbm>>) dst(%arg19 : memref<64x128xf32, #tpu.memory_space<vmem>>)
    %dma_wait3A_193 = arith.constant 128 : i32
    %dma_wait3A_194 = tpu.memref_slice %arg10[%dma_wait3A_193] : memref<256xi32, #tpu.memory_space<vmem>> -> memref<64xi32, #tpu.memory_space<vmem>>
    %dma_wait3A_195 = arith.constant 0 : i32
    %dma_wait3A_196 = arith.constant 0 : i32
    %dma_wait3A_197 = tpu.memref_slice %arg7[%dma_wait3A_195, %dma_wait3A_196] : memref<100000x128xf32, #tpu.memory_space<hbm>> -> memref<100000x128xf32, #tpu.memory_space<hbm>>
    tpu.wait_indirect_dma semaphore(%arg34 : memref<!tpu.dma_semaphore, #tpu.memory_space<semaphore_mem>>) src(%dma_wait3A_197 : memref<100000x128xf32, #tpu.memory_space<hbm>>) dst(%arg22 : memref<64x128xf32, #tpu.memory_space<vmem>>)
    %scan3A_198 = arith.constant 0 : i32
    %scan3A_199 = arith.constant 0 : i32
    %scan3A_200 = arith.constant 64 : i32
    %scan3A_201 = arith.addi %scan3A_199, %scan3A_200 : i32
    %scan3A_202 = arith.constant 1 : i32
    scf.for %scan3A_298 = %scan3A_199 to %scan3A_201 step %scan3A_202  : i32 {
      %get3A = arith.index_cast %scan3A_298 : i32 to index
      %get3A_299 = arith.constant 0 : index
      %get3A_300 = tpu.vector_load %arg19[%get3A, %get3A_299] {strides = array<i32>} : memref<64x128xf32, #tpu.memory_space<vmem>>, vector<1x16xf32>,
      %get3A_301 = vector.shape_cast %get3A_300 : vector<1x16xf32> to vector<16xf32>
      %get3A_302 = arith.index_cast %scan3A_298 : i32 to index
      %get3A_303 = arith.constant 0 : index
      %get3A_304 = tpu.vector_load %arg22[%get3A_302, %get3A_303] {strides = array<i32>} : memref<64x128xf32, #tpu.memory_space<vmem>>, vector<1x16xf32>,
      %get3A_305 = vector.shape_cast %get3A_304 : vector<1x16xf32> to vector<16xf32>
      %mul3A_306 = arith.mulf %get3A_301, %get3A_305 : vector<16xf32>
      %swap3A = arith.index_cast %scan3A_298 : i32 to index
      %swap3A_307 = arith.constant 0 : index
      %swap3A_308 = tpu.vector_load %arg19[%swap3A, %swap3A_307] {strides = array<i32>} : memref<64x128xf32, #tpu.memory_space<vmem>>, vector<1x16xf32>,
      %swap3A_309 = vector.shape_cast %swap3A_308 : vector<1x16xf32> to vector<16xf32>
      %swap3A_310 = vector.shape_cast %mul3A_306 : vector<16xf32> to vector<1x16xf32>
      tpu.vector_store %arg19[%swap3A, %swap3A_307], %swap3A_310 {strides = array<i32>} : memref<64x128xf32, #tpu.memory_space<vmem>>, vector<1x16xf32>,
      %get3A_311 = arith.index_cast %scan3A_298 : i32 to index
      %get3A_312 = arith.constant 16 : index
      %get3A_313 = tpu.vector_load %arg19[%get3A_311, %get3A_312] {strides = array<i32>} : memref<64x128xf32, #tpu.memory_space<vmem>>, vector<1x16xf32>,
      %get3A_314 = vector.shape_cast %get3A_313 : vector<1x16xf32> to vector<16xf32>
      %get3A_315 = arith.index_cast %scan3A_298 : i32 to index
      %get3A_316 = arith.constant 16 : index
      %get3A_317 = tpu.vector_load %arg22[%get3A_315, %get3A_316] {strides = array<i32>} : memref<64x128xf32, #tpu.memory_space<vmem>>, vector<1x16xf32>,
      %get3A_318 = vector.shape_cast %get3A_317 : vector<1x16xf32> to vector<16xf32>
      %mul3A_319 = arith.mulf %get3A_314, %get3A_318 : vector<16xf32>
      %swap3A_320 = arith.index_cast %scan3A_298 : i32 to index
      %swap3A_321 = arith.constant 16 : index
      %swap3A_322 = tpu.vector_load %arg19[%swap3A_320, %swap3A_321] {strides = array<i32>} : memref<64x128xf32, #tpu.memory_space<vmem>>, vector<1x16xf32>,
      %swap3A_323 = vector.shape_cast %swap3A_322 : vector<1x16xf32> to vector<16xf32>
      %swap3A_324 = vector.shape_cast %mul3A_319 : vector<16xf32> to vector<1x16xf32>
      tpu.vector_store %arg19[%swap3A_320, %swap3A_321], %swap3A_324 {strides = array<i32>} : memref<64x128xf32, #tpu.memory_space<vmem>>, vector<1x16xf32>,
      %get3A_325 = arith.index_cast %scan3A_298 : i32 to index
      %get3A_326 = arith.constant 32 : index
      %get3A_327 = tpu.vector_load %arg19[%get3A_325, %get3A_326] {strides = array<i32>} : memref<64x128xf32, #tpu.memory_space<vmem>>, vector<1x16xf32>,
      %get3A_328 = vector.shape_cast %get3A_327 : vector<1x16xf32> to vector<16xf32>
      %get3A_329 = arith.index_cast %scan3A_298 : i32 to index
      %get3A_330 = arith.constant 32 : index
      %get3A_331 = tpu.vector_load %arg22[%get3A_329, %get3A_330] {strides = array<i32>} : memref<64x128xf32, #tpu.memory_space<vmem>>, vector<1x16xf32>,
      %get3A_332 = vector.shape_cast %get3A_331 : vector<1x16xf32> to vector<16xf32>
      %mul3A_333 = arith.mulf %get3A_328, %get3A_332 : vector<16xf32>
      %swap3A_334 = arith.index_cast %scan3A_298 : i32 to index
      %swap3A_335 = arith.constant 32 : index
      %swap3A_336 = tpu.vector_load %arg19[%swap3A_334, %swap3A_335] {strides = array<i32>} : memref<64x128xf32, #tpu.memory_space<vmem>>, vector<1x16xf32>,
      %swap3A_337 = vector.shape_cast %swap3A_336 : vector<1x16xf32> to vector<16xf32>
      %swap3A_338 = vector.shape_cast %mul3A_333 : vector<16xf32> to vector<1x16xf32>
      tpu.vector_store %arg19[%swap3A_334, %swap3A_335], %swap3A_338 {strides = array<i32>} : memref<64x128xf32, #tpu.memory_space<vmem>>, vector<1x16xf32>,
      %get3A_339 = arith.index_cast %scan3A_298 : i32 to index
      %get3A_340 = arith.constant 48 : index
      %get3A_341 = tpu.vector_load %arg19[%get3A_339, %get3A_340] {strides = array<i32>} : memref<64x128xf32, #tpu.memory_space<vmem>>, vector<1x16xf32>,
      %get3A_342 = vector.shape_cast %get3A_341 : vector<1x16xf32> to vector<16xf32>
      %get3A_343 = arith.index_cast %scan3A_298 : i32 to index
      %get3A_344 = arith.constant 48 : index
      %get3A_345 = tpu.vector_load %arg22[%get3A_343, %get3A_344] {strides = array<i32>} : memref<64x128xf32, #tpu.memory_space<vmem>>, vector<1x16xf32>,
      %get3A_346 = vector.shape_cast %get3A_345 : vector<1x16xf32> to vector<16xf32>
      %mul3A_347 = arith.mulf %get3A_342, %get3A_346 : vector<16xf32>
      %swap3A_348 = arith.index_cast %scan3A_298 : i32 to index
      %swap3A_349 = arith.constant 48 : index
      %swap3A_350 = tpu.vector_load %arg19[%swap3A_348, %swap3A_349] {strides = array<i32>} : memref<64x128xf32, #tpu.memory_space<vmem>>, vector<1x16xf32>,
      %swap3A_351 = vector.shape_cast %swap3A_350 : vector<1x16xf32> to vector<16xf32>
      %swap3A_352 = vector.shape_cast %mul3A_347 : vector<16xf32> to vector<1x16xf32>
      tpu.vector_store %arg19[%swap3A_348, %swap3A_349], %swap3A_352 {strides = array<i32>} : memref<64x128xf32, #tpu.memory_space<vmem>>, vector<1x16xf32>,
      %get3A_353 = arith.index_cast %scan3A_298 : i32 to index
      %get3A_354 = arith.constant 64 : index
      %get3A_355 = tpu.vector_load %arg19[%get3A_353, %get3A_354] {strides = array<i32>} : memref<64x128xf32, #tpu.memory_space<vmem>>, vector<1x16xf32>,
      %get3A_356 = vector.shape_cast %get3A_355 : vector<1x16xf32> to vector<16xf32>
      %get3A_357 = arith.index_cast %scan3A_298 : i32 to index
      %get3A_358 = arith.constant 64 : index
      %get3A_359 = tpu.vector_load %arg22[%get3A_357, %get3A_358] {strides = array<i32>} : memref<64x128xf32, #tpu.memory_space<vmem>>, vector<1x16xf32>,
      %get3A_360 = vector.shape_cast %get3A_359 : vector<1x16xf32> to vector<16xf32>
      %mul3A_361 = arith.mulf %get3A_356, %get3A_360 : vector<16xf32>
      %swap3A_362 = arith.index_cast %scan3A_298 : i32 to index
      %swap3A_363 = arith.constant 64 : index
      %swap3A_364 = tpu.vector_load %arg19[%swap3A_362, %swap3A_363] {strides = array<i32>} : memref<64x128xf32, #tpu.memory_space<vmem>>, vector<1x16xf32>,
      %swap3A_365 = vector.shape_cast %swap3A_364 : vector<1x16xf32> to vector<16xf32>
      %swap3A_366 = vector.shape_cast %mul3A_361 : vector<16xf32> to vector<1x16xf32>
      tpu.vector_store %arg19[%swap3A_362, %swap3A_363], %swap3A_366 {strides = array<i32>} : memref<64x128xf32, #tpu.memory_space<vmem>>, vector<1x16xf32>,
      %get3A_367 = arith.index_cast %scan3A_298 : i32 to index
      %get3A_368 = arith.constant 80 : index
      %get3A_369 = tpu.vector_load %arg19[%get3A_367, %get3A_368] {strides = array<i32>} : memref<64x128xf32, #tpu.memory_space<vmem>>, vector<1x16xf32>,
      %get3A_370 = vector.shape_cast %get3A_369 : vector<1x16xf32> to vector<16xf32>
      %get3A_371 = arith.index_cast %scan3A_298 : i32 to index
      %get3A_372 = arith.constant 80 : index
      %get3A_373 = tpu.vector_load %arg22[%get3A_371, %get3A_372] {strides = array<i32>} : memref<64x128xf32, #tpu.memory_space<vmem>>, vector<1x16xf32>,
      %get3A_374 = vector.shape_cast %get3A_373 : vector<1x16xf32> to vector<16xf32>
      %mul3A_375 = arith.mulf %get3A_370, %get3A_374 : vector<16xf32>
      %swap3A_376 = arith.index_cast %scan3A_298 : i32 to index
      %swap3A_377 = arith.constant 80 : index
      %swap3A_378 = tpu.vector_load %arg19[%swap3A_376, %swap3A_377] {strides = array<i32>} : memref<64x128xf32, #tpu.memory_space<vmem>>, vector<1x16xf32>,
      %swap3A_379 = vector.shape_cast %swap3A_378 : vector<1x16xf32> to vector<16xf32>
      %swap3A_380 = vector.shape_cast %mul3A_375 : vector<16xf32> to vector<1x16xf32>
      tpu.vector_store %arg19[%swap3A_376, %swap3A_377], %swap3A_380 {strides = array<i32>} : memref<64x128xf32, #tpu.memory_space<vmem>>, vector<1x16xf32>,
      %get3A_381 = arith.index_cast %scan3A_298 : i32 to index
      %get3A_382 = arith.constant 96 : index
      %get3A_383 = tpu.vector_load %arg19[%get3A_381, %get3A_382] {strides = array<i32>} : memref<64x128xf32, #tpu.memory_space<vmem>>, vector<1x16xf32>,
      %get3A_384 = vector.shape_cast %get3A_383 : vector<1x16xf32> to vector<16xf32>
      %get3A_385 = arith.index_cast %scan3A_298 : i32 to index
      %get3A_386 = arith.constant 96 : index
      %get3A_387 = tpu.vector_load %arg22[%get3A_385, %get3A_386] {strides = array<i32>} : memref<64x128xf32, #tpu.memory_space<vmem>>, vector<1x16xf32>,
      %get3A_388 = vector.shape_cast %get3A_387 : vector<1x16xf32> to vector<16xf32>
      %mul3A_389 = arith.mulf %get3A_384, %get3A_388 : vector<16xf32>
      %swap3A_390 = arith.index_cast %scan3A_298 : i32 to index
      %swap3A_391 = arith.constant 96 : index
      %swap3A_392 = tpu.vector_load %arg19[%swap3A_390, %swap3A_391] {strides = array<i32>} : memref<64x128xf32, #tpu.memory_space<vmem>>, vector<1x16xf32>,
      %swap3A_393 = vector.shape_cast %swap3A_392 : vector<1x16xf32> to vector<16xf32>
      %swap3A_394 = vector.shape_cast %mul3A_389 : vector<16xf32> to vector<1x16xf32>
      tpu.vector_store %arg19[%swap3A_390, %swap3A_391], %swap3A_394 {strides = array<i32>} : memref<64x128xf32, #tpu.memory_space<vmem>>, vector<1x16xf32>,
      %get3A_395 = arith.index_cast %scan3A_298 : i32 to index
      %get3A_396 = arith.constant 112 : index
      %get3A_397 = tpu.vector_load %arg19[%get3A_395, %get3A_396] {strides = array<i32>} : memref<64x128xf32, #tpu.memory_space<vmem>>, vector<1x16xf32>,
      %get3A_398 = vector.shape_cast %get3A_397 : vector<1x16xf32> to vector<16xf32>
      %get3A_399 = arith.index_cast %scan3A_298 : i32 to index
      %get3A_400 = arith.constant 112 : index
      %get3A_401 = tpu.vector_load %arg22[%get3A_399, %get3A_400] {strides = array<i32>} : memref<64x128xf32, #tpu.memory_space<vmem>>, vector<1x16xf32>,
      %get3A_402 = vector.shape_cast %get3A_401 : vector<1x16xf32> to vector<16xf32>
      %mul3A_403 = arith.mulf %get3A_398, %get3A_402 : vector<16xf32>
      %swap3A_404 = arith.index_cast %scan3A_298 : i32 to index
      %swap3A_405 = arith.constant 112 : index
      %swap3A_406 = tpu.vector_load %arg19[%swap3A_404, %swap3A_405] {strides = array<i32>} : memref<64x128xf32, #tpu.memory_space<vmem>>, vector<1x16xf32>,
      %swap3A_407 = vector.shape_cast %swap3A_406 : vector<1x16xf32> to vector<16xf32>
      %swap3A_408 = vector.shape_cast %mul3A_403 : vector<16xf32> to vector<1x16xf32>
      tpu.vector_store %arg19[%swap3A_404, %swap3A_405], %swap3A_408 {strides = array<i32>} : memref<64x128xf32, #tpu.memory_space<vmem>>, vector<1x16xf32>,
    }
    %scan3A_203 = arith.constant 64 : i32
    %mul3A_204 = arith.constant 256 : i32
    %mul3A_205 = arith.muli %add3A, %mul3A_204 : i32
    %add3A_206 = arith.constant 128 : i32
    %add3A_207 = arith.addi %mul3A_205, %add3A_206 : i32
    %dma_start3A_208 = arith.constant 0 : i32
    %dma_start3A_209 = tpu.memref_slice %arg8[%add3A_207, %dma_start3A_208] : memref<8192x384xf32, #tpu.memory_space<hbm>> -> memref<64x128xf32, #tpu.memory_space<hbm>>
    %dma_start3A_210 = arith.constant 0 : i32
    %dma_start3A_211 = tpu.memref_slice %arg8[%add3A_207, %dma_start3A_210] : memref<8192x384xf32, #tpu.memory_space<hbm>> -> memref<64x128xf32, #tpu.memory_space<hbm>>
    tpu.enqueue_dma source(%arg13 : memref<64x128xf32, #tpu.memory_space<vmem>>) target(%dma_start3A_211 : memref<64x128xf32, #tpu.memory_space<hbm>>) target_semaphore(%arg37 : memref<!tpu.dma_semaphore, #tpu.memory_space<semaphore_mem>>)
    %dma_start3A_212 = arith.constant 128 : i32
    %dma_start3A_213 = tpu.memref_slice %arg8[%add3A_207, %dma_start3A_212] : memref<8192x384xf32, #tpu.memory_space<hbm>> -> memref<64x128xf32, #tpu.memory_space<hbm>>
    %dma_start3A_214 = arith.constant 128 : i32
    %dma_start3A_215 = tpu.memref_slice %arg8[%add3A_207, %dma_start3A_214] : memref<8192x384xf32, #tpu.memory_space<hbm>> -> memref<64x128xf32, #tpu.memory_space<hbm>>
    tpu.enqueue_dma source(%arg16 : memref<64x128xf32, #tpu.memory_space<vmem>>) target(%dma_start3A_215 : memref<64x128xf32, #tpu.memory_space<hbm>>) target_semaphore(%arg37 : memref<!tpu.dma_semaphore, #tpu.memory_space<semaphore_mem>>)
    %dma_start3A_216 = arith.constant 256 : i32
    %dma_start3A_217 = tpu.memref_slice %arg8[%add3A_207, %dma_start3A_216] : memref<8192x384xf32, #tpu.memory_space<hbm>> -> memref<64x128xf32, #tpu.memory_space<hbm>>
    %dma_start3A_218 = arith.constant 256 : i32
    %dma_start3A_219 = tpu.memref_slice %arg8[%add3A_207, %dma_start3A_218] : memref<8192x384xf32, #tpu.memory_space<hbm>> -> memref<64x128xf32, #tpu.memory_space<hbm>>
    tpu.enqueue_dma source(%arg19 : memref<64x128xf32, #tpu.memory_space<vmem>>) target(%dma_start3A_219 : memref<64x128xf32, #tpu.memory_space<hbm>>) target_semaphore(%arg37 : memref<!tpu.dma_semaphore, #tpu.memory_space<semaphore_mem>>)
    %dma_wait3A_220 = arith.constant 192 : i32
    %dma_wait3A_221 = tpu.memref_slice %arg9[%dma_wait3A_220] : memref<256xi32, #tpu.memory_space<vmem>> -> memref<64xi32, #tpu.memory_space<vmem>>
    %dma_wait3A_222 = arith.constant 0 : i32
    %dma_wait3A_223 = arith.constant 0 : i32
    %dma_wait3A_224 = tpu.memref_slice %arg4[%dma_wait3A_222, %dma_wait3A_223] : memref<100000x128xf32, #tpu.memory_space<hbm>> -> memref<100000x128xf32, #tpu.memory_space<hbm>>
    tpu.wait_indirect_dma semaphore(%arg23 : memref<!tpu.dma_semaphore, #tpu.memory_space<semaphore_mem>>) src(%dma_wait3A_224 : memref<100000x128xf32, #tpu.memory_space<hbm>>) dst(%arg11 : memref<64x128xf32, #tpu.memory_space<vmem>>)
    %dma_wait3A_225 = arith.constant 192 : i32
    %dma_wait3A_226 = tpu.memref_slice %arg10[%dma_wait3A_225] : memref<256xi32, #tpu.memory_space<vmem>> -> memref<64xi32, #tpu.memory_space<vmem>>
    %dma_wait3A_227 = arith.constant 0 : i32
    %dma_wait3A_228 = arith.constant 0 : i32
    %dma_wait3A_229 = tpu.memref_slice %arg5[%dma_wait3A_227, %dma_wait3A_228] : memref<100000x128xf32, #tpu.memory_space<hbm>> -> memref<100000x128xf32, #tpu.memory_space<hbm>>
    tpu.wait_indirect_dma semaphore(%arg26 : memref<!tpu.dma_semaphore, #tpu.memory_space<semaphore_mem>>) src(%dma_wait3A_229 : memref<100000x128xf32, #tpu.memory_space<hbm>>) dst(%arg14 : memref<64x128xf32, #tpu.memory_space<vmem>>)
    %dma_wait3A_230 = arith.constant 192 : i32
    %dma_wait3A_231 = tpu.memref_slice %arg9[%dma_wait3A_230] : memref<256xi32, #tpu.memory_space<vmem>> -> memref<64xi32, #tpu.memory_space<vmem>>
    %dma_wait3A_232 = arith.constant 0 : i32
    %dma_wait3A_233 = arith.constant 0 : i32
    %dma_wait3A_234 = tpu.memref_slice %arg6[%dma_wait3A_232, %dma_wait3A_233] : memref<100000x128xf32, #tpu.memory_space<hbm>> -> memref<100000x128xf32, #tpu.memory_space<hbm>>
    tpu.wait_indirect_dma semaphore(%arg29 : memref<!tpu.dma_semaphore, #tpu.memory_space<semaphore_mem>>) src(%dma_wait3A_234 : memref<100000x128xf32, #tpu.memory_space<hbm>>) dst(%arg17 : memref<64x128xf32, #tpu.memory_space<vmem>>)
    %dma_wait3A_235 = arith.constant 192 : i32
    %dma_wait3A_236 = tpu.memref_slice %arg10[%dma_wait3A_235] : memref<256xi32, #tpu.memory_space<vmem>> -> memref<64xi32, #tpu.memory_space<vmem>>
    %dma_wait3A_237 = arith.constant 0 : i32
    %dma_wait3A_238 = arith.constant 0 : i32
    %dma_wait3A_239 = tpu.memref_slice %arg7[%dma_wait3A_237, %dma_wait3A_238] : memref<100000x128xf32, #tpu.memory_space<hbm>> -> memref<100000x128xf32, #tpu.memory_space<hbm>>
    tpu.wait_indirect_dma semaphore(%arg32 : memref<!tpu.dma_semaphore, #tpu.memory_space<semaphore_mem>>) src(%dma_wait3A_239 : memref<100000x128xf32, #tpu.memory_space<hbm>>) dst(%arg20 : memref<64x128xf32, #tpu.memory_space<vmem>>)
    %scan3A_240 = arith.constant 0 : i32
    %scan3A_241 = arith.constant 0 : i32
    %scan3A_242 = arith.constant 64 : i32
    %scan3A_243 = arith.addi %scan3A_241, %scan3A_242 : i32
    %scan3A_244 = arith.constant 1 : i32
    scf.for %scan3A_298 = %scan3A_241 to %scan3A_243 step %scan3A_244  : i32 {
      %get3A = arith.index_cast %scan3A_298 : i32 to index
      %get3A_299 = arith.constant 0 : index
      %get3A_300 = tpu.vector_load %arg17[%get3A, %get3A_299] {strides = array<i32>} : memref<64x128xf32, #tpu.memory_space<vmem>>, vector<1x16xf32>,
      %get3A_301 = vector.shape_cast %get3A_300 : vector<1x16xf32> to vector<16xf32>
      %get3A_302 = arith.index_cast %scan3A_298 : i32 to index
      %get3A_303 = arith.constant 0 : index
      %get3A_304 = tpu.vector_load %arg20[%get3A_302, %get3A_303] {strides = array<i32>} : memref<64x128xf32, #tpu.memory_space<vmem>>, vector<1x16xf32>,
      %get3A_305 = vector.shape_cast %get3A_304 : vector<1x16xf32> to vector<16xf32>
      %mul3A_306 = arith.mulf %get3A_301, %get3A_305 : vector<16xf32>
      %swap3A = arith.index_cast %scan3A_298 : i32 to index
      %swap3A_307 = arith.constant 0 : index
      %swap3A_308 = tpu.vector_load %arg17[%swap3A, %swap3A_307] {strides = array<i32>} : memref<64x128xf32, #tpu.memory_space<vmem>>, vector<1x16xf32>,
      %swap3A_309 = vector.shape_cast %swap3A_308 : vector<1x16xf32> to vector<16xf32>
      %swap3A_310 = vector.shape_cast %mul3A_306 : vector<16xf32> to vector<1x16xf32>
      tpu.vector_store %arg17[%swap3A, %swap3A_307], %swap3A_310 {strides = array<i32>} : memref<64x128xf32, #tpu.memory_space<vmem>>, vector<1x16xf32>,
      %get3A_311 = arith.index_cast %scan3A_298 : i32 to index
      %get3A_312 = arith.constant 16 : index
      %get3A_313 = tpu.vector_load %arg17[%get3A_311, %get3A_312] {strides = array<i32>} : memref<64x128xf32, #tpu.memory_space<vmem>>, vector<1x16xf32>,
      %get3A_314 = vector.shape_cast %get3A_313 : vector<1x16xf32> to vector<16xf32>
      %get3A_315 = arith.index_cast %scan3A_298 : i32 to index
      %get3A_316 = arith.constant 16 : index
      %get3A_317 = tpu.vector_load %arg20[%get3A_315, %get3A_316] {strides = array<i32>} : memref<64x128xf32, #tpu.memory_space<vmem>>, vector<1x16xf32>,
      %get3A_318 = vector.shape_cast %get3A_317 : vector<1x16xf32> to vector<16xf32>
      %mul3A_319 = arith.mulf %get3A_314, %get3A_318 : vector<16xf32>
      %swap3A_320 = arith.index_cast %scan3A_298 : i32 to index
      %swap3A_321 = arith.constant 16 : index
      %swap3A_322 = tpu.vector_load %arg17[%swap3A_320, %swap3A_321] {strides = array<i32>} : memref<64x128xf32, #tpu.memory_space<vmem>>, vector<1x16xf32>,
      %swap3A_323 = vector.shape_cast %swap3A_322 : vector<1x16xf32> to vector<16xf32>
      %swap3A_324 = vector.shape_cast %mul3A_319 : vector<16xf32> to vector<1x16xf32>
      tpu.vector_store %arg17[%swap3A_320, %swap3A_321], %swap3A_324 {strides = array<i32>} : memref<64x128xf32, #tpu.memory_space<vmem>>, vector<1x16xf32>,
      %get3A_325 = arith.index_cast %scan3A_298 : i32 to index
      %get3A_326 = arith.constant 32 : index
      %get3A_327 = tpu.vector_load %arg17[%get3A_325, %get3A_326] {strides = array<i32>} : memref<64x128xf32, #tpu.memory_space<vmem>>, vector<1x16xf32>,
      %get3A_328 = vector.shape_cast %get3A_327 : vector<1x16xf32> to vector<16xf32>
      %get3A_329 = arith.index_cast %scan3A_298 : i32 to index
      %get3A_330 = arith.constant 32 : index
      %get3A_331 = tpu.vector_load %arg20[%get3A_329, %get3A_330] {strides = array<i32>} : memref<64x128xf32, #tpu.memory_space<vmem>>, vector<1x16xf32>,
      %get3A_332 = vector.shape_cast %get3A_331 : vector<1x16xf32> to vector<16xf32>
      %mul3A_333 = arith.mulf %get3A_328, %get3A_332 : vector<16xf32>
      %swap3A_334 = arith.index_cast %scan3A_298 : i32 to index
      %swap3A_335 = arith.constant 32 : index
      %swap3A_336 = tpu.vector_load %arg17[%swap3A_334, %swap3A_335] {strides = array<i32>} : memref<64x128xf32, #tpu.memory_space<vmem>>, vector<1x16xf32>,
      %swap3A_337 = vector.shape_cast %swap3A_336 : vector<1x16xf32> to vector<16xf32>
      %swap3A_338 = vector.shape_cast %mul3A_333 : vector<16xf32> to vector<1x16xf32>
      tpu.vector_store %arg17[%swap3A_334, %swap3A_335], %swap3A_338 {strides = array<i32>} : memref<64x128xf32, #tpu.memory_space<vmem>>, vector<1x16xf32>,
      %get3A_339 = arith.index_cast %scan3A_298 : i32 to index
      %get3A_340 = arith.constant 48 : index
      %get3A_341 = tpu.vector_load %arg17[%get3A_339, %get3A_340] {strides = array<i32>} : memref<64x128xf32, #tpu.memory_space<vmem>>, vector<1x16xf32>,
      %get3A_342 = vector.shape_cast %get3A_341 : vector<1x16xf32> to vector<16xf32>
      %get3A_343 = arith.index_cast %scan3A_298 : i32 to index
      %get3A_344 = arith.constant 48 : index
      %get3A_345 = tpu.vector_load %arg20[%get3A_343, %get3A_344] {strides = array<i32>} : memref<64x128xf32, #tpu.memory_space<vmem>>, vector<1x16xf32>,
      %get3A_346 = vector.shape_cast %get3A_345 : vector<1x16xf32> to vector<16xf32>
      %mul3A_347 = arith.mulf %get3A_342, %get3A_346 : vector<16xf32>
      %swap3A_348 = arith.index_cast %scan3A_298 : i32 to index
      %swap3A_349 = arith.constant 48 : index
      %swap3A_350 = tpu.vector_load %arg17[%swap3A_348, %swap3A_349] {strides = array<i32>} : memref<64x128xf32, #tpu.memory_space<vmem>>, vector<1x16xf32>,
      %swap3A_351 = vector.shape_cast %swap3A_350 : vector<1x16xf32> to vector<16xf32>
      %swap3A_352 = vector.shape_cast %mul3A_347 : vector<16xf32> to vector<1x16xf32>
      tpu.vector_store %arg17[%swap3A_348, %swap3A_349], %swap3A_352 {strides = array<i32>} : memref<64x128xf32, #tpu.memory_space<vmem>>, vector<1x16xf32>,
      %get3A_353 = arith.index_cast %scan3A_298 : i32 to index
      %get3A_354 = arith.constant 64 : index
      %get3A_355 = tpu.vector_load %arg17[%get3A_353, %get3A_354] {strides = array<i32>} : memref<64x128xf32, #tpu.memory_space<vmem>>, vector<1x16xf32>,
      %get3A_356 = vector.shape_cast %get3A_355 : vector<1x16xf32> to vector<16xf32>
      %get3A_357 = arith.index_cast %scan3A_298 : i32 to index
      %get3A_358 = arith.constant 64 : index
      %get3A_359 = tpu.vector_load %arg20[%get3A_357, %get3A_358] {strides = array<i32>} : memref<64x128xf32, #tpu.memory_space<vmem>>, vector<1x16xf32>,
      %get3A_360 = vector.shape_cast %get3A_359 : vector<1x16xf32> to vector<16xf32>
      %mul3A_361 = arith.mulf %get3A_356, %get3A_360 : vector<16xf32>
      %swap3A_362 = arith.index_cast %scan3A_298 : i32 to index
      %swap3A_363 = arith.constant 64 : index
      %swap3A_364 = tpu.vector_load %arg17[%swap3A_362, %swap3A_363] {strides = array<i32>} : memref<64x128xf32, #tpu.memory_space<vmem>>, vector<1x16xf32>,
      %swap3A_365 = vector.shape_cast %swap3A_364 : vector<1x16xf32> to vector<16xf32>
      %swap3A_366 = vector.shape_cast %mul3A_361 : vector<16xf32> to vector<1x16xf32>
      tpu.vector_store %arg17[%swap3A_362, %swap3A_363], %swap3A_366 {strides = array<i32>} : memref<64x128xf32, #tpu.memory_space<vmem>>, vector<1x16xf32>,
      %get3A_367 = arith.index_cast %scan3A_298 : i32 to index
      %get3A_368 = arith.constant 80 : index
      %get3A_369 = tpu.vector_load %arg17[%get3A_367, %get3A_368] {strides = array<i32>} : memref<64x128xf32, #tpu.memory_space<vmem>>, vector<1x16xf32>,
      %get3A_370 = vector.shape_cast %get3A_369 : vector<1x16xf32> to vector<16xf32>
      %get3A_371 = arith.index_cast %scan3A_298 : i32 to index
      %get3A_372 = arith.constant 80 : index
      %get3A_373 = tpu.vector_load %arg20[%get3A_371, %get3A_372] {strides = array<i32>} : memref<64x128xf32, #tpu.memory_space<vmem>>, vector<1x16xf32>,
      %get3A_374 = vector.shape_cast %get3A_373 : vector<1x16xf32> to vector<16xf32>
      %mul3A_375 = arith.mulf %get3A_370, %get3A_374 : vector<16xf32>
      %swap3A_376 = arith.index_cast %scan3A_298 : i32 to index
      %swap3A_377 = arith.constant 80 : index
      %swap3A_378 = tpu.vector_load %arg17[%swap3A_376, %swap3A_377] {strides = array<i32>} : memref<64x128xf32, #tpu.memory_space<vmem>>, vector<1x16xf32>,
      %swap3A_379 = vector.shape_cast %swap3A_378 : vector<1x16xf32> to vector<16xf32>
      %swap3A_380 = vector.shape_cast %mul3A_375 : vector<16xf32> to vector<1x16xf32>
      tpu.vector_store %arg17[%swap3A_376, %swap3A_377], %swap3A_380 {strides = array<i32>} : memref<64x128xf32, #tpu.memory_space<vmem>>, vector<1x16xf32>,
      %get3A_381 = arith.index_cast %scan3A_298 : i32 to index
      %get3A_382 = arith.constant 96 : index
      %get3A_383 = tpu.vector_load %arg17[%get3A_381, %get3A_382] {strides = array<i32>} : memref<64x128xf32, #tpu.memory_space<vmem>>, vector<1x16xf32>,
      %get3A_384 = vector.shape_cast %get3A_383 : vector<1x16xf32> to vector<16xf32>
      %get3A_385 = arith.index_cast %scan3A_298 : i32 to index
      %get3A_386 = arith.constant 96 : index
      %get3A_387 = tpu.vector_load %arg20[%get3A_385, %get3A_386] {strides = array<i32>} : memref<64x128xf32, #tpu.memory_space<vmem>>, vector<1x16xf32>,
      %get3A_388 = vector.shape_cast %get3A_387 : vector<1x16xf32> to vector<16xf32>
      %mul3A_389 = arith.mulf %get3A_384, %get3A_388 : vector<16xf32>
      %swap3A_390 = arith.index_cast %scan3A_298 : i32 to index
      %swap3A_391 = arith.constant 96 : index
      %swap3A_392 = tpu.vector_load %arg17[%swap3A_390, %swap3A_391] {strides = array<i32>} : memref<64x128xf32, #tpu.memory_space<vmem>>, vector<1x16xf32>,
      %swap3A_393 = vector.shape_cast %swap3A_392 : vector<1x16xf32> to vector<16xf32>
      %swap3A_394 = vector.shape_cast %mul3A_389 : vector<16xf32> to vector<1x16xf32>
      tpu.vector_store %arg17[%swap3A_390, %swap3A_391], %swap3A_394 {strides = array<i32>} : memref<64x128xf32, #tpu.memory_space<vmem>>, vector<1x16xf32>,
      %get3A_395 = arith.index_cast %scan3A_298 : i32 to index
      %get3A_396 = arith.constant 112 : index
      %get3A_397 = tpu.vector_load %arg17[%get3A_395, %get3A_396] {strides = array<i32>} : memref<64x128xf32, #tpu.memory_space<vmem>>, vector<1x16xf32>,
      %get3A_398 = vector.shape_cast %get3A_397 : vector<1x16xf32> to vector<16xf32>
      %get3A_399 = arith.index_cast %scan3A_298 : i32 to index
      %get3A_400 = arith.constant 112 : index
      %get3A_401 = tpu.vector_load %arg20[%get3A_399, %get3A_400] {strides = array<i32>} : memref<64x128xf32, #tpu.memory_space<vmem>>, vector<1x16xf32>,
      %get3A_402 = vector.shape_cast %get3A_401 : vector<1x16xf32> to vector<16xf32>
      %mul3A_403 = arith.mulf %get3A_398, %get3A_402 : vector<16xf32>
      %swap3A_404 = arith.index_cast %scan3A_298 : i32 to index
      %swap3A_405 = arith.constant 112 : index
      %swap3A_406 = tpu.vector_load %arg17[%swap3A_404, %swap3A_405] {strides = array<i32>} : memref<64x128xf32, #tpu.memory_space<vmem>>, vector<1x16xf32>,
      %swap3A_407 = vector.shape_cast %swap3A_406 : vector<1x16xf32> to vector<16xf32>
      %swap3A_408 = vector.shape_cast %mul3A_403 : vector<16xf32> to vector<1x16xf32>
      tpu.vector_store %arg17[%swap3A_404, %swap3A_405], %swap3A_408 {strides = array<i32>} : memref<64x128xf32, #tpu.memory_space<vmem>>, vector<1x16xf32>,
    }
    %scan3A_245 = arith.constant 64 : i32
    %mul3A_246 = arith.constant 256 : i32
    %mul3A_247 = arith.muli %add3A, %mul3A_246 : i32
    %add3A_248 = arith.constant 192 : i32
    %add3A_249 = arith.addi %mul3A_247, %add3A_248 : i32
    %dma_start3A_250 = arith.constant 0 : i32
    %dma_start3A_251 = tpu.memref_slice %arg8[%add3A_249, %dma_start3A_250] : memref<8192x384xf32, #tpu.memory_space<hbm>> -> memref<64x128xf32, #tpu.memory_space<hbm>>
    %dma_start3A_252 = arith.constant 0 : i32
    %dma_start3A_253 = tpu.memref_slice %arg8[%add3A_249, %dma_start3A_252] : memref<8192x384xf32, #tpu.memory_space<hbm>> -> memref<64x128xf32, #tpu.memory_space<hbm>>
    tpu.enqueue_dma source(%arg11 : memref<64x128xf32, #tpu.memory_space<vmem>>) target(%dma_start3A_253 : memref<64x128xf32, #tpu.memory_space<hbm>>) target_semaphore(%arg35 : memref<!tpu.dma_semaphore, #tpu.memory_space<semaphore_mem>>)
    %dma_start3A_254 = arith.constant 128 : i32
    %dma_start3A_255 = tpu.memref_slice %arg8[%add3A_249, %dma_start3A_254] : memref<8192x384xf32, #tpu.memory_space<hbm>> -> memref<64x128xf32, #tpu.memory_space<hbm>>
    %dma_start3A_256 = arith.constant 128 : i32
    %dma_start3A_257 = tpu.memref_slice %arg8[%add3A_249, %dma_start3A_256] : memref<8192x384xf32, #tpu.memory_space<hbm>> -> memref<64x128xf32, #tpu.memory_space<hbm>>
    tpu.enqueue_dma source(%arg14 : memref<64x128xf32, #tpu.memory_space<vmem>>) target(%dma_start3A_257 : memref<64x128xf32, #tpu.memory_space<hbm>>) target_semaphore(%arg35 : memref<!tpu.dma_semaphore, #tpu.memory_space<semaphore_mem>>)
    %dma_start3A_258 = arith.constant 256 : i32
    %dma_start3A_259 = tpu.memref_slice %arg8[%add3A_249, %dma_start3A_258] : memref<8192x384xf32, #tpu.memory_space<hbm>> -> memref<64x128xf32, #tpu.memory_space<hbm>>
    %dma_start3A_260 = arith.constant 256 : i32
    %dma_start3A_261 = tpu.memref_slice %arg8[%add3A_249, %dma_start3A_260] : memref<8192x384xf32, #tpu.memory_space<hbm>> -> memref<64x128xf32, #tpu.memory_space<hbm>>
    tpu.enqueue_dma source(%arg17 : memref<64x128xf32, #tpu.memory_space<vmem>>) target(%dma_start3A_261 : memref<64x128xf32, #tpu.memory_space<hbm>>) target_semaphore(%arg35 : memref<!tpu.dma_semaphore, #tpu.memory_space<semaphore_mem>>)
    %dma_wait3A_262 = arith.constant 0 : i32
    %dma_wait3A_263 = tpu.memref_slice %arg8[%add3A_133, %dma_wait3A_262] : memref<8192x384xf32, #tpu.memory_space<hbm>> -> memref<64x128xf32, #tpu.memory_space<hbm>>
    %dma_wait3A_264 = arith.constant 0 : i32
    %dma_wait3A_265 = tpu.memref_slice %arg8[%add3A_133, %dma_wait3A_264] : memref<8192x384xf32, #tpu.memory_space<hbm>> -> memref<64x128xf32, #tpu.memory_space<hbm>>
    tpu.wait_dma2 semaphore(%arg36 : memref<!tpu.dma_semaphore, #tpu.memory_space<semaphore_mem>>) src(%arg12 : memref<64x128xf32, #tpu.memory_space<vmem>>) dst(%dma_wait3A_265 : memref<64x128xf32, #tpu.memory_space<hbm>>)
    %dma_wait3A_266 = arith.constant 128 : i32
    %dma_wait3A_267 = tpu.memref_slice %arg8[%add3A_133, %dma_wait3A_266] : memref<8192x384xf32, #tpu.memory_space<hbm>> -> memref<64x128xf32, #tpu.memory_space<hbm>>
    %dma_wait3A_268 = arith.constant 128 : i32
    %dma_wait3A_269 = tpu.memref_slice %arg8[%add3A_133, %dma_wait3A_268] : memref<8192x384xf32, #tpu.memory_space<hbm>> -> memref<64x128xf32, #tpu.memory_space<hbm>>
    tpu.wait_dma2 semaphore(%arg36 : memref<!tpu.dma_semaphore, #tpu.memory_space<semaphore_mem>>) src(%arg15 : memref<64x128xf32, #tpu.memory_space<vmem>>) dst(%dma_wait3A_269 : memref<64x128xf32, #tpu.memory_space<hbm>>)
    %dma_wait3A_270 = arith.constant 256 : i32
    %dma_wait3A_271 = tpu.memref_slice %arg8[%add3A_133, %dma_wait3A_270] : memref<8192x384xf32, #tpu.memory_space<hbm>> -> memref<64x128xf32, #tpu.memory_space<hbm>>
    %dma_wait3A_272 = arith.constant 256 : i32
    %dma_wait3A_273 = tpu.memref_slice %arg8[%add3A_133, %dma_wait3A_272] : memref<8192x384xf32, #tpu.memory_space<hbm>> -> memref<64x128xf32, #tpu.memory_space<hbm>>
    tpu.wait_dma2 semaphore(%arg36 : memref<!tpu.dma_semaphore, #tpu.memory_space<semaphore_mem>>) src(%arg18 : memref<64x128xf32, #tpu.memory_space<vmem>>) dst(%dma_wait3A_273 : memref<64x128xf32, #tpu.memory_space<hbm>>)
    %dma_wait3A_274 = arith.constant 0 : i32
    %dma_wait3A_275 = tpu.memref_slice %arg8[%add3A_207, %dma_wait3A_274] : memref<8192x384xf32, #tpu.memory_space<hbm>> -> memref<64x128xf32, #tpu.memory_space<hbm>>
    %dma_wait3A_276 = arith.constant 0 : i32
    %dma_wait3A_277 = tpu.memref_slice %arg8[%add3A_207, %dma_wait3A_276] : memref<8192x384xf32, #tpu.memory_space<hbm>> -> memref<64x128xf32, #tpu.memory_space<hbm>>
    tpu.wait_dma2 semaphore(%arg37 : memref<!tpu.dma_semaphore, #tpu.memory_space<semaphore_mem>>) src(%arg13 : memref<64x128xf32, #tpu.memory_space<vmem>>) dst(%dma_wait3A_277 : memref<64x128xf32, #tpu.memory_space<hbm>>)
    %dma_wait3A_278 = arith.constant 128 : i32
    %dma_wait3A_279 = tpu.memref_slice %arg8[%add3A_207, %dma_wait3A_278] : memref<8192x384xf32, #tpu.memory_space<hbm>> -> memref<64x128xf32, #tpu.memory_space<hbm>>
    %dma_wait3A_280 = arith.constant 128 : i32
    %dma_wait3A_281 = tpu.memref_slice %arg8[%add3A_207, %dma_wait3A_280] : memref<8192x384xf32, #tpu.memory_space<hbm>> -> memref<64x128xf32, #tpu.memory_space<hbm>>
    tpu.wait_dma2 semaphore(%arg37 : memref<!tpu.dma_semaphore, #tpu.memory_space<semaphore_mem>>) src(%arg16 : memref<64x128xf32, #tpu.memory_space<vmem>>) dst(%dma_wait3A_281 : memref<64x128xf32, #tpu.memory_space<hbm>>)
    %dma_wait3A_282 = arith.constant 256 : i32
    %dma_wait3A_283 = tpu.memref_slice %arg8[%add3A_207, %dma_wait3A_282] : memref<8192x384xf32, #tpu.memory_space<hbm>> -> memref<64x128xf32, #tpu.memory_space<hbm>>
    %dma_wait3A_284 = arith.constant 256 : i32
    %dma_wait3A_285 = tpu.memref_slice %arg8[%add3A_207, %dma_wait3A_284] : memref<8192x384xf32, #tpu.memory_space<hbm>> -> memref<64x128xf32, #tpu.memory_space<hbm>>
    tpu.wait_dma2 semaphore(%arg37 : memref<!tpu.dma_semaphore, #tpu.memory_space<semaphore_mem>>) src(%arg19 : memref<64x128xf32, #tpu.memory_space<vmem>>) dst(%dma_wait3A_285 : memref<64x128xf32, #tpu.memory_space<hbm>>)
    %dma_wait3A_286 = arith.constant 0 : i32
    %dma_wait3A_287 = tpu.memref_slice %arg8[%add3A_249, %dma_wait3A_286] : memref<8192x384xf32, #tpu.memory_space<hbm>> -> memref<64x128xf32, #tpu.memory_space<hbm>>
    %dma_wait3A_288 = arith.constant 0 : i32
    %dma_wait3A_289 = tpu.memref_slice %arg8[%add3A_249, %dma_wait3A_288] : memref<8192x384xf32, #tpu.memory_space<hbm>> -> memref<64x128xf32, #tpu.memory_space<hbm>>
    tpu.wait_dma2 semaphore(%arg35 : memref<!tpu.dma_semaphore, #tpu.memory_space<semaphore_mem>>) src(%arg11 : memref<64x128xf32, #tpu.memory_space<vmem>>) dst(%dma_wait3A_289 : memref<64x128xf32, #tpu.memory_space<hbm>>)
    %dma_wait3A_290 = arith.constant 128 : i32
    %dma_wait3A_291 = tpu.memref_slice %arg8[%add3A_249, %dma_wait3A_290] : memref<8192x384xf32, #tpu.memory_space<hbm>> -> memref<64x128xf32, #tpu.memory_space<hbm>>
    %dma_wait3A_292 = arith.constant 128 : i32
    %dma_wait3A_293 = tpu.memref_slice %arg8[%add3A_249, %dma_wait3A_292] : memref<8192x384xf32, #tpu.memory_space<hbm>> -> memref<64x128xf32, #tpu.memory_space<hbm>>
    tpu.wait_dma2 semaphore(%arg35 : memref<!tpu.dma_semaphore, #tpu.memory_space<semaphore_mem>>) src(%arg14 : memref<64x128xf32, #tpu.memory_space<vmem>>) dst(%dma_wait3A_293 : memref<64x128xf32, #tpu.memory_space<hbm>>)
    %dma_wait3A_294 = arith.constant 256 : i32
    %dma_wait3A_295 = tpu.memref_slice %arg8[%add3A_249, %dma_wait3A_294] : memref<8192x384xf32, #tpu.memory_space<hbm>> -> memref<64x128xf32, #tpu.memory_space<hbm>>
    %dma_wait3A_296 = arith.constant 256 : i32
    %dma_wait3A_297 = tpu.memref_slice %arg8[%add3A_249, %dma_wait3A_296] : memref<8192x384xf32, #tpu.memory_space<hbm>> -> memref<64x128xf32, #tpu.memory_space<hbm>>
    tpu.wait_dma2 semaphore(%arg35 : memref<!tpu.dma_semaphore, #tpu.memory_space<semaphore_mem>>) src(%arg17 : memref<64x128xf32, #tpu.memory_space<vmem>>) dst(%dma_wait3A_297 : memref<64x128xf32, #tpu.memory_space<hbm>>)
    return
  }
}

module attributes {stable_mosaic.version = 14 : i64} {
  func.func @_mlp_body(%arg0: i32, %arg1: memref<4096x384xf32, #tpu.memory_space<vmem>>, %arg2: memref<256x256xbf16, #tpu.memory_space<vmem>>, %arg3: memref<1x256xf32, #tpu.memory_space<vmem>>, %arg4: memref<256x128xbf16, #tpu.memory_space<vmem>>, %arg5: memref<1x128xf32, #tpu.memory_space<vmem>>, %arg6: memref<128x64xbf16, #tpu.memory_space<vmem>>, %arg7: memref<1x64xf32, #tpu.memory_space<vmem>>, %arg8: memref<64x1xbf16, #tpu.memory_space<vmem>>, %arg9: memref<128x1xbf16, #tpu.memory_space<vmem>>, %arg10: memref<1x1xf32, #tpu.memory_space<vmem>>, %arg11: memref<4096xf32, #tpu.memory_space<vmem>>) attributes {dimension_semantics = [#tpu.dimension_semantics<arbitrary>], iteration_bounds = array<i64: 2>, scalar_prefetch = 0 : i64, scratch_operands = 0 : i64, tpu.core_type = #tpu.core_type<tc>, window_params = [{transform_indices = @transform_0, window_bounds = array<i64: 4096, 384>}, {pipeline_mode = #tpu.pipeline_mode<synchronous>, transform_indices = @transform_1, window_bounds = array<i64: 256, 256>}, {pipeline_mode = #tpu.pipeline_mode<synchronous>, transform_indices = @transform_2, window_bounds = array<i64: 1, 256>}, {pipeline_mode = #tpu.pipeline_mode<synchronous>, transform_indices = @transform_3, window_bounds = array<i64: 256, 128>}, {pipeline_mode = #tpu.pipeline_mode<synchronous>, transform_indices = @transform_4, window_bounds = array<i64: 1, 128>}, {pipeline_mode = #tpu.pipeline_mode<synchronous>, transform_indices = @transform_5, window_bounds = array<i64: 128, 64>}, {pipeline_mode = #tpu.pipeline_mode<synchronous>, transform_indices = @transform_6, window_bounds = array<i64: 1, 64>}, {pipeline_mode = #tpu.pipeline_mode<synchronous>, transform_indices = @transform_7, window_bounds = array<i64: 64, 1>}, {pipeline_mode = #tpu.pipeline_mode<synchronous>, transform_indices = @transform_8, window_bounds = array<i64: 128, 1>}, {pipeline_mode = #tpu.pipeline_mode<synchronous>, transform_indices = @transform_9, window_bounds = array<i64: 1, 1>}, {transform_indices = @transform_10, window_bounds = array<i64: 4096>}]} {
    %get3A = arith.constant 0 : index
    %get3A_0 = arith.constant 0 : index
    %get3A_1 = vector.load %arg1[%get3A, %get3A_0] : memref<4096x384xf32, #tpu.memory_space<vmem>>, vector<4096x384xf32>
    %slice3A = vector.extract_strided_slice %get3A_1 {offsets = [0, 0], sizes = [4096, 256], strides = [1, 1]} : vector<4096x384xf32> to vector<4096x256xf32>
    %convert_element_type3A = arith.truncf %slice3A : vector<4096x256xf32> to vector<4096x256xbf16>
    %slice3A_2 = vector.extract_strided_slice %get3A_1 {offsets = [0, 256], sizes = [4096, 128], strides = [1, 1]} : vector<4096x384xf32> to vector<4096x128xf32>
    %convert_element_type3A_3 = arith.truncf %slice3A_2 : vector<4096x128xf32> to vector<4096x128xbf16>
    %get3A_4 = arith.constant 0 : index
    %get3A_5 = arith.constant 0 : index
    %get3A_6 = vector.load %arg2[%get3A_4, %get3A_5] : memref<256x256xbf16, #tpu.memory_space<vmem>>, vector<256x256xbf16>
    %dot_general3A = arith.constant dense<0.000000e+00> : vector<4096x256xf32>
    %dot_general3A_7 = tpu.matmul %convert_element_type3A, %get3A_6, %dot_general3A {dimension_numbers = #tpu.dot_dimension_numbers<[1], [0], [0], [1], [0, 0, 1, 1], [], []>, transpose_lhs_hint = false} : vector<4096x256xbf16>, vector<256x256xbf16>, vector<4096x256xf32> -> vector<4096x256xf32>
    %get3A_8 = arith.constant 0 : index
    %get3A_9 = arith.constant 0 : index
    %get3A_10 = vector.load %arg3[%get3A_8, %get3A_9] : memref<1x256xf32, #tpu.memory_space<vmem>>, vector<1x256xf32>
    %add3A = vector.broadcast %get3A_10 : vector<1x256xf32> to vector<4096x256xf32>
    %add3A_11 = arith.addf %dot_general3A_7, %add3A : vector<4096x256xf32>
    %max3A = arith.constant 0.000000e+00 : f32
    %max3A_12 = vector.broadcast %max3A : f32 to vector<4096x256xf32>
    %max3A_13 = arith.maximumf %add3A_11, %max3A_12 : vector<4096x256xf32>
    %convert_element_type3A_14 = arith.truncf %max3A_13 : vector<4096x256xf32> to vector<4096x256xbf16>
    %get3A_15 = arith.constant 0 : index
    %get3A_16 = arith.constant 0 : index
    %get3A_17 = vector.load %arg4[%get3A_15, %get3A_16] : memref<256x128xbf16, #tpu.memory_space<vmem>>, vector<256x128xbf16>
    %dot_general3A_18 = arith.constant dense<0.000000e+00> : vector<4096x128xf32>
    %dot_general3A_19 = tpu.matmul %convert_element_type3A_14, %get3A_17, %dot_general3A_18 {dimension_numbers = #tpu.dot_dimension_numbers<[1], [0], [0], [1], [0, 0, 1, 1], [], []>, transpose_lhs_hint = false} : vector<4096x256xbf16>, vector<256x128xbf16>, vector<4096x128xf32> -> vector<4096x128xf32>
    %get3A_20 = arith.constant 0 : index
    %get3A_21 = arith.constant 0 : index
    %get3A_22 = vector.load %arg5[%get3A_20, %get3A_21] : memref<1x128xf32, #tpu.memory_space<vmem>>, vector<1x128xf32>
    %add3A_23 = vector.broadcast %get3A_22 : vector<1x128xf32> to vector<4096x128xf32>
    %add3A_24 = arith.addf %dot_general3A_19, %add3A_23 : vector<4096x128xf32>
    %max3A_25 = arith.constant 0.000000e+00 : f32
    %max3A_26 = vector.broadcast %max3A_25 : f32 to vector<4096x128xf32>
    %max3A_27 = arith.maximumf %add3A_24, %max3A_26 : vector<4096x128xf32>
    %convert_element_type3A_28 = arith.truncf %max3A_27 : vector<4096x128xf32> to vector<4096x128xbf16>
    %get3A_29 = arith.constant 0 : index
    %get3A_30 = arith.constant 0 : index
    %get3A_31 = vector.load %arg6[%get3A_29, %get3A_30] : memref<128x64xbf16, #tpu.memory_space<vmem>>, vector<128x64xbf16>
    %dot_general3A_32 = arith.constant dense<0.000000e+00> : vector<4096x64xf32>
    %dot_general3A_33 = tpu.matmul %convert_element_type3A_28, %get3A_31, %dot_general3A_32 {dimension_numbers = #tpu.dot_dimension_numbers<[1], [0], [0], [1], [0, 0, 1, 1], [], []>, transpose_lhs_hint = false} : vector<4096x128xbf16>, vector<128x64xbf16>, vector<4096x64xf32> -> vector<4096x64xf32>
    %get3A_34 = arith.constant 0 : index
    %get3A_35 = arith.constant 0 : index
    %get3A_36 = vector.load %arg7[%get3A_34, %get3A_35] : memref<1x64xf32, #tpu.memory_space<vmem>>, vector<1x64xf32>
    %add3A_37 = vector.broadcast %get3A_36 : vector<1x64xf32> to vector<4096x64xf32>
    %add3A_38 = arith.addf %dot_general3A_33, %add3A_37 : vector<4096x64xf32>
    %max3A_39 = arith.constant 0.000000e+00 : f32
    %max3A_40 = vector.broadcast %max3A_39 : f32 to vector<4096x64xf32>
    %max3A_41 = arith.maximumf %add3A_38, %max3A_40 : vector<4096x64xf32>
    %convert_element_type3A_42 = arith.truncf %max3A_41 : vector<4096x64xf32> to vector<4096x64xbf16>
    %get3A_43 = arith.constant 0 : index
    %get3A_44 = arith.constant 0 : index
    %get3A_45 = vector.load %arg8[%get3A_43, %get3A_44] : memref<64x1xbf16, #tpu.memory_space<vmem>>, vector<64x1xbf16>
    %dot_general3A_46 = arith.constant dense<0.000000e+00> : vector<4096x1xf32>
    %dot_general3A_47 = tpu.matmul %convert_element_type3A_42, %get3A_45, %dot_general3A_46 {dimension_numbers = #tpu.dot_dimension_numbers<[1], [0], [0], [1], [0, 0, 1, 1], [], []>, transpose_lhs_hint = false} : vector<4096x64xbf16>, vector<64x1xbf16>, vector<4096x1xf32> -> vector<4096x1xf32>
    %get3A_48 = arith.constant 0 : index
    %get3A_49 = arith.constant 0 : index
    %get3A_50 = vector.load %arg9[%get3A_48, %get3A_49] : memref<128x1xbf16, #tpu.memory_space<vmem>>, vector<128x1xbf16>
    %dot_general3A_51 = arith.constant dense<0.000000e+00> : vector<4096x1xf32>
    %dot_general3A_52 = tpu.matmul %convert_element_type3A_3, %get3A_50, %dot_general3A_51 {dimension_numbers = #tpu.dot_dimension_numbers<[1], [0], [0], [1], [0, 0, 1, 1], [], []>, transpose_lhs_hint = false} : vector<4096x128xbf16>, vector<128x1xbf16>, vector<4096x1xf32> -> vector<4096x1xf32>
    %add3A_53 = arith.addf %dot_general3A_47, %dot_general3A_52 : vector<4096x1xf32>
    %get3A_54 = arith.constant 0 : index
    %get3A_55 = arith.constant 0 : index
    %get3A_56 = vector.load %arg10[%get3A_54, %get3A_55] : memref<1x1xf32, #tpu.memory_space<vmem>>, vector<1x1xf32>
    %add3A_57 = vector.broadcast %get3A_56 : vector<1x1xf32> to vector<4096x1xf32>
    %add3A_58 = arith.addf %add3A_53, %add3A_57 : vector<4096x1xf32>
    %squeeze3A = vector.shape_cast %add3A_58 : vector<4096x1xf32> to vector<4096xf32>
    %logistic3A = arith.negf %squeeze3A : vector<4096xf32>
    %logistic3A_59 = math.exp %logistic3A : vector<4096xf32>
    %logistic3A_60 = arith.constant 1.000000e+00 : f32
    %logistic3A_61 = vector.broadcast %logistic3A_60 : f32 to vector<4096xf32>
    %logistic3A_62 = arith.addf %logistic3A_61, %logistic3A_59 : vector<4096xf32>
    %logistic3A_63 = arith.divf %logistic3A_61, %logistic3A_62 : vector<4096xf32>
    %swap3A = arith.constant 0 : index
    %swap3A_64 = vector.load %arg11[%swap3A] : memref<4096xf32, #tpu.memory_space<vmem>>, vector<4096xf32>
    tpu.vector_store %arg11[%swap3A], %logistic3A_63 {strides = array<i32>} : memref<4096xf32, #tpu.memory_space<vmem>>, vector<4096xf32>,
    return
  }
  func.func @transform_0(%arg0: i32) -> (i32, i32) {
    %c0_i32 = arith.constant 0 : i32
    %c0_i32_0 = arith.constant 0 : i32
    return %arg0, %c0_i32 : i32, i32
  }
  func.func @transform_1(%arg0: i32) -> (i32, i32) {
    %c0_i32 = arith.constant 0 : i32
    %c0_i32_0 = arith.constant 0 : i32
    %c0_i32_1 = arith.constant 0 : i32
    return %c0_i32, %c0_i32_0 : i32, i32
  }
  func.func @transform_2(%arg0: i32) -> (i32, i32) {
    %c0_i32 = arith.constant 0 : i32
    %c0_i32_0 = arith.constant 0 : i32
    %c0_i32_1 = arith.constant 0 : i32
    return %c0_i32, %c0_i32_0 : i32, i32
  }
  func.func @transform_3(%arg0: i32) -> (i32, i32) {
    %c0_i32 = arith.constant 0 : i32
    %c0_i32_0 = arith.constant 0 : i32
    %c0_i32_1 = arith.constant 0 : i32
    return %c0_i32, %c0_i32_0 : i32, i32
  }
  func.func @transform_4(%arg0: i32) -> (i32, i32) {
    %c0_i32 = arith.constant 0 : i32
    %c0_i32_0 = arith.constant 0 : i32
    %c0_i32_1 = arith.constant 0 : i32
    return %c0_i32, %c0_i32_0 : i32, i32
  }
  func.func @transform_5(%arg0: i32) -> (i32, i32) {
    %c0_i32 = arith.constant 0 : i32
    %c0_i32_0 = arith.constant 0 : i32
    %c0_i32_1 = arith.constant 0 : i32
    return %c0_i32, %c0_i32_0 : i32, i32
  }
  func.func @transform_6(%arg0: i32) -> (i32, i32) {
    %c0_i32 = arith.constant 0 : i32
    %c0_i32_0 = arith.constant 0 : i32
    %c0_i32_1 = arith.constant 0 : i32
    return %c0_i32, %c0_i32_0 : i32, i32
  }
  func.func @transform_7(%arg0: i32) -> (i32, i32) {
    %c0_i32 = arith.constant 0 : i32
    %c0_i32_0 = arith.constant 0 : i32
    %c0_i32_1 = arith.constant 0 : i32
    return %c0_i32, %c0_i32_0 : i32, i32
  }
  func.func @transform_8(%arg0: i32) -> (i32, i32) {
    %c0_i32 = arith.constant 0 : i32
    %c0_i32_0 = arith.constant 0 : i32
    %c0_i32_1 = arith.constant 0 : i32
    return %c0_i32, %c0_i32_0 : i32, i32
  }
  func.func @transform_9(%arg0: i32) -> (i32, i32) {
    %c0_i32 = arith.constant 0 : i32
    %c0_i32_0 = arith.constant 0 : i32
    %c0_i32_1 = arith.constant 0 : i32
    return %c0_i32, %c0_i32_0 : i32, i32
  }
  func.func @transform_10(%arg0: i32) -> i32 {
    %c0_i32 = arith.constant 0 : i32
    return %arg0 : i32
  }
}

</mosaic_0001>

<sc_bundles>
// kernel: kernel.6.cloned.1.call-start
scs
__scs_entry_jumppad:
0x0: {  	(pc) =	sbr.rel $0x88, $3  }
0x1: {  	(tag) =	ssettag $0x0;
	lr =	simm.s32 $0x1  }
0x2: {  	[smem:$0x3F93] =	sst lr;
	_ =	strace $0xD0000000  }
0x3: {  	_ = 	snop  }
0x4: {  	_ = 	snop  }
0x5: {  	_ = 	snop  }
0x6: {  	_ = 	snop  }
0x7: {  	_ = 	snop  }
__scs_overlays_trampoline_lowered:
0x8: {  	[smem:$0x3FA2] =	sst s0  }
0x9: {  	[smem:$0x3FA3] =	sst s1  }
0xa: {  	[smem:$0x3FA4] =	sst s2  }
0xb: {  	[smem:$0x3FA5] =	sst s3  }
0xc: {  	[smem:$0x3FA6] =	sst s4  }
0xd: {  	[smem:$0x3FA7] =	sst s5  }
0xe: {  	[smem:$0x3FA8] =	sst s6  }
0xf: {  	[smem:$0x3FA9] =	sst s7  }
0x10: {  	[smem:$0x3FAA] =	sst s8  }
0x11: {  	[smem:$0x3FAB] =	sst s9;
	s0 =	simm.s32 @!p0 $0x0  }
0x12: {  	s1 =	sld [smem:$0x3F91];
	s0 =	simm.s32 @p0 $0x1  }
0x13: {  	[smem:$0x3FAC] =	sst s0;
	s0 =	simm.s32 @!p1 $0x0  }
0x14: {  	s2 =	sld [smem:$0x3F90];
	s0 =	simm.s32 @p1 $0x1  }
0x15: {  	[smem:$0x3FAD] =	sst s0;
	s0 =	simm.s32 @!p2 $0x0  }
0x16: {  	s3 =	sld [smem:$0x3FDB];
	s0 =	simm.s32 @p2 $0x1  }
0x17: {  	s4 =	simm.s32 $0x1BF5;
	[smem:$0x3FAF] =	sst s0  }
0x18: {  	s0 =	sld [smem:$0x3F92];
	_ =	swait.ge [sflag:s4], $0x0  }
0x19: {  	s7 =	sld [smem:$0x3F93]  }
0x1a: {  	s8 =	sadd.s32 $0xFFFFE003, lr  }
0x1b: {  	s9 =	sadd.s32 $0xFFFFFEF7, lr;
	s5 =	simm.s32 $0xFFFFFFFF;
	p2 =	slt.u32 s8, $0xFFFFF086  }
0x1c: {  	p1 =	slt.u32 s9, $0xF7A;
	s5 =	simm.s32 @!p2 $0x0  }
0x1d: {  	s5 =	simm.s32 @p1 $0x1;
	p0 =	seq.s32 s7, s2  }
0x1e: {  	s7 =	smul.u32 @!p0 $0xF7A, s2;
	p2 =	seq.s32 @!p0 s5, $0x0  }
0x1f: {  	s9 =	smul.u32 $0xF7A, s1;
	s8 =	simm.s32 @!p0 $0x1BF5;
	p2 =	por !p2, p0  }
0x20: {  	[sflag:s8] =	ssyncset.s32 @!p0 $0xFFFFF086;
	s6 =	sadd.s32 @!p0 s3, s7;
	s7 =	simm.s32 @!p0 $0x108  }
0x21: {  	s3 =	sadd.s32 s3, s9;
	s6 =	sadd.s32 @!p0 $0x88, s6;
	s7 =	simm.s32 @p2 $0x1082  }
0x22: {  	[simem:s7], [sflag:s8] =	dma.local @!p0 [hbm:s6], $0xF7A  }
0x23: {  	s9 =	sor.u32 $0xD0000000, s2;
	s6 =	simm.s32 $0x108;
	_ =	swait.ge @!p0 [sflag:s8], $0x0  }
0x24: {  	s3 =	sadd.s32 $0x88, s3;
	s6 =	simm.s32 @!p1 $0x1082;
	[sflag:s4] =	ssyncset.s32 $0xFFFFF086  }
0x25: {  	[simem:s6], [sflag:s4] =	dma.local [hbm:s3], $0xF7A  }
0x26: {  	[smem:$0x3F93] =	sst s1;
	(tag) =	ssettag s2;
	_ =	strace s9  }
0x27: {  	s1 =	sld [smem:$0x3FA3]  }
0x28: {  	s2 =	sld [smem:$0x3FA4]  }
0x29: {  	s4 =	sld [smem:$0x3FA6]  }
0x2a: {  	p0 =	seq.s32 s5, $0x0;
	s5 =	sld [smem:$0x3FA7]  }
0x2b: {  	s6 =	sld [smem:$0x3FA8]  }
0x2c: {  	s7 =	sld [smem:$0x3FA9]  }
0x2d: {  	s3 =	simm.s32 $0x108;
	s8 =	sld [smem:$0x3FAA]  }
0x2e: {  	s3 =	simm.s32 @!p0 $0x1082;
	s9 =	sld [smem:$0x3FAB]  }
0x2f: {  	lr =	sadd.s32 s0, s3;
	s0 =	sld [smem:$0x3FA2]  }
0x30: {  	s3 =	sld [smem:$0x3FA5]  }
0x31: {  	[smem:$0x3FAE] =	sst s10  }
0x32: {  	s10 =	sld [smem:$0x3FAC];
	_ =	sdelay $0x3  }
0x33: {  	p0 =	seq.s32 s10, $0x1;
	s10 =	sld [smem:$0x3FAE];
	_ =	sdelay $0x3  }
0x34: {  	[smem:$0x3FAE] =	sst s10  }
0x35: {  	s10 =	sld [smem:$0x3FAD];
	_ =	sdelay $0x3  }
0x36: {  	p1 =	seq.s32 s10, $0x1;
	s10 =	sld [smem:$0x3FAE];
	_ =	sdelay $0x3  }
0x37: {  	[smem:$0x3FAE] =	sst s10  }
0x38: {  	s10 =	sld [smem:$0x3FAF]  }
0x39: {  	_ = 	snop;
	(pc) =	sbr.ind lr, $3  }
0x3a: {  	_ = 	snop  }
0x3b: {  	_ = 	snop  }
0x3c: {  	p2 =	seq.s32 s10, $0x1;
	s10 =	sld [smem:$0x3FAE]  }
0x3d: {  	_ =	shalt  }
0x3e: {  	_ =	shalt  }
0x3f: {  	_ =	shalt  }
0x40: {  	_ =	shalt  }
0x41: {  	_ =	shalt  }
0x42: {  	_ =	shalt  }
0x43: {  	_ =	shalt  }
0x44: {  	_ =	shalt  }
0x45: {  	_ =	shalt  }
0x46: {  	_ =	shalt  }
0x47: {  	_ =	shalt  }
0x48: {  	_ =	shalt  }
0x49: {  	_ =	shalt  }
0x4a: {  	_ =	shalt  }
0x4b: {  	_ =	shalt  }
0x4c: {  	_ =	shalt  }
0x4d: {  	_ =	shalt  }
0x4e: {  	_ =	shalt  }
0x4f: {  	_ =	shalt  }
0x50: {  	_ =	shalt  }
0x51: {  	_ =	shalt  }
0x52: {  	_ =	shalt  }
0x53: {  	_ =	shalt  }
0x54: {  	_ =	shalt  }
0x55: {  	_ =	shalt  }
0x56: {  	_ =	shalt  }
0x57: {  	_ =	shalt  }
0x58: {  	_ =	shalt  }
0x59: {  	_ =	shalt  }
0x5a: {  	_ =	shalt  }
0x5b: {  	_ =	shalt  }
0x5c: {  	_ =	shalt  }
0x5d: {  	_ =	shalt  }
0x5e: {  	_ =	shalt  }
0x5f: {  	_ =	shalt  }
0x60: {  	_ =	shalt  }
0x61: {  	_ =	shalt  }
0x62: {  	_ =	shalt  }
0x63: {  	_ =	shalt  }
0x64: {  	_ =	shalt  }
0x65: {  	_ =	shalt  }
0x66: {  	_ =	shalt  }
0x67: {  	_ =	shalt  }
0x68: {  	_ =	shalt  }
0x69: {  	_ =	shalt  }
0x6a: {  	_ =	shalt  }
0x6b: {  	_ =	shalt  }
0x6c: {  	_ =	shalt  }
0x6d: {  	_ =	shalt  }
0x6e: {  	_ =	shalt  }
0x6f: {  	_ =	shalt  }
0x70: {  	_ =	shalt  }
0x71: {  	_ =	shalt  }
0x72: {  	_ =	shalt  }
0x73: {  	_ =	shalt  }
0x74: {  	_ =	shalt  }
0x75: {  	_ =	shalt  }
0x76: {  	_ =	shalt  }
0x77: {  	_ =	shalt  }
0x78: {  	_ =	shalt  }
0x79: {  	_ =	shalt  }
0x7a: {  	_ =	shalt  }
0x7b: {  	_ =	shalt  }
0x7c: {  	_ =	shalt  }
0x7d: {  	_ =	shalt  }
0x7e: {  	_ =	shalt  }
0x7f: {  	_ =	shalt  }
0x80: {  	_ =	shalt  }
0x81: {  	_ =	shalt  }
0x82: {  	_ =	shalt  }
0x83: {  	_ =	shalt  }
0x84: {  	_ =	shalt  }
0x85: {  	_ =	shalt  }
0x86: {  	_ =	shalt  }
0x87: {  	_ =	shalt  }
.Lfunc_end0:
.L_simem_size_0:
called_computation_lowered:
.L_overlay_start_0:
0x88: {  	s2 =	sld [smem:$0x3FD9]  }
0x89: {  	s3 =	sld [smem:$0x3FFE];
	_ =	sdelay $0x1  }
0x8a: {  	s1 =	srdreg.scid  }
0x8b: {  	s0 =	sand.u32 $0x1, s1  }
0x8c: {  	s17 =	sshll.u32 s0, $0xA;
	s2 =	sadd.s32 s3, s2  }
0x8d: {  	s2 =	sadd.s32 s2, s17  }
0x8e: {  	[smem:$0x3FBA] =	sst s2  }
0x8f: {  	_ = 	snop  }
0x90: {  	s18 =	sld [smem:$0x3FC9]  }
0x91: {  	s4 =	sld [smem:$0x3FC8]  }
0x92: {  	s5 =	sld [smem:$0x3FC7]  }
0x93: {  	s6 =	sld [smem:$0x3FC6]  }
0x94: {  	s7 =	sld [smem:$0x3FC5]  }
0x95: {  	s8 =	sld [smem:$0x3FC4];
	(tm) =	ssettm $0x1  }
0x96: {  	s19 =	sld [smem:$0x3FFB];
	_ =	sdelay $0x3  }
0x97: {  	_ =	strace s19  }
0x98: {  	s2 =	sld [smem:$0x3FFC];
	_ =	sdelay $0x3  }
0x99: {  	_ =	strace s2  }
0x9a: {  	s2 =	sld [smem:$0x3FFD];
	_ =	sdelay $0x3  }
0x9b: {  	_ =	strace s2  }
0x9c: {  	_ =	strace $0x8FFFFFFF  }
0x9d: {  	s20 =	sld [smem:$0x3FDB];
	_ =	sdelay $0x1  }
0x9e: {  	s9 =	simm.s32 $_scs_section_size  }
0x9f: {  	s10 =	simm.s32 $_size__tile_overlayer_lowered;
	s11 =	simm.s32 $_tile_overlayer_lowered  }
0xa0: {  	s12 =	simm.s32 $0x1BFF;
	s21 =	sshll.u32 s11, $0x1;
	s9 =	sadd.s32 s9, s20  }
0xa1: {  	s22 =	simm.s32 $0x0;
	s10 =	sshll.u32 s10, $0x1;
	s11 =	sadd.s32 s21, s9  }
0xa2: {  	[timem:s22], [sflag:s12] =	dma.local [hbm:s11], s10  }
0xa3: {  	_ =	swait.ge [sflag:s12], s10  }
0xa4: {  	s10 =	ssub.s32 $0x0, s10;
	[sflag:s12] =	ssyncset.done $0x0  }
0xa5: {  	[sflag:s12] =	ssyncadd.s32 s10;
	_ =	sdelay $0x1  }
0xa6: {  	s23 =	simm.s32 $0x1B8B  }
0xa7: {  	_ =	swait.ge [sflag:s23], $0x1  }
0xa8: {  	[sflag:s23] =	ssyncset.done $0x0  }
0xa9: {  	[sflag:s23] =	ssyncadd.s32 $0xFFFFFFFF  }
0xaa: {  	s10 =	sld [smem:$0x0]  }
0xab: {  	s11 =	sand.u32 $0xFFFFFFFE, s1  }
0xac: {  	p0 =	sne.s32 s1, s11  }
0xad: {  	s11 =	sshll.u32 @p0 s11, $0xE  }
0xae: {  	s11 =	sadd.s32 @p0 $0x11B8D, s11;
	s12 =	sshll.u32 @p0 s10, $0x11  }
0xaf: {  	s11 =	sor.u32 @p0 s12, s11  }
0xb0: {  	[sflag:s11] =	ssyncadd.remote.s32 @p0 $0x1;
	_ =	sdelay $0x1  }
0xb1: {  	s11 =	simm.s32 @p0 $0x1B8D  }
0xb2: {  	_ =	swait.eq @p0 [sflag:s11], $0x1  }
0xb3: {  	[sflag:s11] =	ssyncadd.s32 @p0 $0xFFFFFFFF  }
0xb4: {  	s12 =	sshll.u32 @!p0 s1, $0xE  }
0xb5: {  	s12 =	sor.u32 @!p0 $0x4000, s12;
	s11 =	simm.s32 @!p0 $0x1B8D  }
0xb6: {  	s10 =	sshll.u32 @!p0 s10, $0x11;
	s12 =	sadd.s32 @!p0 $0x11B8D, s12;
	_ =	swait.eq @!p0 [sflag:s11], $0x1  }
0xb7: {  	s10 =	sor.u32 @!p0 s10, s12;
	[sflag:s11] =	ssyncadd.s32 @!p0 $0xFFFFFFFF  }
0xb8: {  	s25 =	simm.s32 $0x1B8E;
	s24 =	sld [smem:$0x3FFE];
	[sflag:s10] =	ssyncadd.remote.s32 @!p0 $0x1  }
0xb9: {  	s26 =	simm.s32 $execute0_lowered;
	[smem:$0x3FD2] =	sst s25  }
0xba: {  	s11 =	sshll.u32 s26, $0x1;
	_ =	strace $0x80000049;
	[dreg:$0x1] =	wrdreg $0xFFFFFFFF  }
0xbb: {  	s28 =	simm.s32 $_size_execute0_lowered;
	s9 =	sadd.s32 s9, s11;
	[dreg:$0x0] =	wrdreg $0x0  }
0xbc: {  	s11 =	sshll.u32 s28, $0x1;
	[dreg:$0x2] =	wrdreg s9  }
0xbd: {  	[dreg:$0x3] =	wrdreg s11  }
0xbe: {  	[dreg:$0x4] =	wrdreg $0xC0  }
0xbf: {  	_ =	task [dreg:s22], $0x5FFFF  }
0xc0: {  	[dreg:$0x1] =	wrdreg $0xFFFFFFFF  }
0xc1: {  	[dreg:$0x0] =	wrdreg $0x60  }
0xc2: {  	[dreg:$0x2] =	wrdreg s18  }
0xc3: {  	[dreg:$0x3] =	wrdreg s4  }
0xc4: {  	[dreg:$0x4] =	wrdreg s5  }
0xc5: {  	[dreg:$0x5] =	wrdreg s6  }
0xc6: {  	[dreg:$0x6] =	wrdreg s7  }
0xc7: {  	[dreg:$0x7] =	wrdreg s8  }
0xc8: {  	[dreg:$0x8] =	wrdreg s24  }
0xc9: {  	[dreg:$0x9] =	wrdreg $0x9  }
0xca: {  	_ =	task.clear_ibuf [dreg:s22], $0xAFFFF;
	_ =	strace $0x90000049  }
0xcb: {  	s29 =	simm.s32 $0x9;
	_ =	strace $0x8000004B  }
0xcc: {  	_ =	swait.ge [sflag:s29], $0x1  }
0xcd: {  	[sflag:s29] =	ssyncadd.s32 $0xFFFFFFFF  }
0xce: {  	_ =	strace $0x9000004B  }
0xcf: {  	_ =	sfence  }
0xd0: {  	s30 =	sld [smem:$0x0];
	_ =	sdelay $0x2  }
0xd1: {  	s31 =	sshll.u32 s1, $0xD;
	s1 =	sshrl.u32 s1, $0x2  }
0xd2: {  	s4 =	sand.u32 $0x4000, s31;
	s1 =	sadd.s32 s1, s30  }
0xd3: {  	s0 =	sor.u32 s4, s0;
	s1 =	sshll.u32 s1, $0x11  }
0xd4: {  	s0 =	sor.u32 s1, s0  }
0xd5: {  	s0 =	sadd.s32 $0x8F2B, s0  }
0xd6: {  	[sflag:s0] =	ssyncadd.remote.s32 $0x1  }
0xd7: {  	_ =	sfence.sel $0xFFFF  }
0xd8: {  	[dreg:$0x0] =	wrdreg $0xFFFFFFFF;
	(pc) =	sbr.abs _section_cstart, $3  }
0xd9: {  	[dreg:$0x1] =	wrdreg $0xFFFFFFFF  }
0xda: {  	_ =	task.clear_ibuf [dreg:s22], $0x2FFFF;
	_ =	strace $0x9FFFFFFF  }
0xdb: {  	(tm) =	ssettm $0x7FFFFFFF  }
tec
execute0_lowered:
.L_overlay_start_1:
0x0: {  	(tag) =	ssettag $0x1  }
0x1: {  	s0 =	rddreg [dreg:$0x0]  }
0x2: {  	s4 =	rddreg [dreg:$0x1]  }
0x3: {  	s1 =	rddreg [dreg:$0x2]  }
0x4: {  	s2 =	rddreg [dreg:$0x3]  }
0x5: {  	s3 =	srdreg.scid;
	s9 =	rddreg [dreg:$0x6]  }
0x6: {  	s5 =	stileid.u32;
	s7 =	sand.u32 $0x1, s3;
	s3 =	rddreg [dreg:$0x4]  }
0x7: {  	s6 =	sshll.u32 s5, $0x6;
	s5 =	rddreg [dreg:$0x5];
	s8 =	sshll.u32 s7, $0x5  }
0x8: {  	s7 =	ssub.s32 $0x2, s7;
	s8 =	sor.u32 s8, s6;
	s6 =	simm.s32 $0x0  }
0x9: {  	s13 =	sshrl.u32 s7, $0x1;
	s10 =	smul.u32 $0xC00, s8;
	[smem:$0x7FF] =	sst s6  }
0xa: {  	s7 =	ssub.s32 s7, s13;
	s0 =	sadd.s32 s0, s8;
	s14 =	sadd.s32 s4, s8  }
0xb: {  	_ =	strace $0x8000004A;
	[dreg:$0x8] =	wrdreg s0;
	s10 =	sshrl.u32 s10, $0x3  }
0xc: {  	[dreg:$0x9] =	wrdreg s14;
	s31 =	smax.u32 s7, $0x1;
	s9 =	sadd.s32 s10, s9  }
0xd: {  	s28 =	simm.s32 $0xC200;
	[dreg:$0x16] =	wrdreg s31;
	s15 =	sadd.s32 $0x61A00, s9  }
0xe: {  	s11 =	simm.s32 $0x400;
	s16 =	sadd.s32 $0x61A80, s9;
	[dreg:$0xa] =	wrdreg s15  }
0xf: {  	s12 =	simm.s32 $0xC00;
	s17 =	sadd.s32 $0x61B00, s9;
	[dreg:$0xb] =	wrdreg s16  }
0x10: {  	s29 =	simm.s32 $0x8;
	s18 =	sadd.s32 $0x62600, s9;
	[dreg:$0xc] =	wrdreg s17  }
0x11: {  	s30 =	simm.s32 $0xD;
	s19 =	sadd.s32 $0x62680, s9;
	[dreg:$0xd] =	wrdreg s18  }
0x12: {  	s8 =	simm.s32 $0x4;
	s20 =	sadd.s32 $0x62700, s9;
	[dreg:$0xe] =	wrdreg s19  }
0x13: {  	s4 =	simm.s32 $0x3;
	s21 =	sadd.s32 $0x63200, s9;
	[dreg:$0xf] =	wrdreg s20  }
0x14: {  	s13 =	simm.s32 $0x9;
	s22 =	sadd.s32 $0x63280, s9;
	[dreg:$0x10] =	wrdreg s21  }
0x15: {  	s7 =	simm.s32 $0x1;
	s23 =	sadd.s32 $0x63300, s9;
	[dreg:$0x11] =	wrdreg s22  }
0x16: {  	s0 =	simm.s32 $0x6;
	s24 =	sadd.s32 $0x63E00, s9;
	[dreg:$0x12] =	wrdreg s23  }
0x17: {  	s14 =	simm.s32 $0xC;
	s25 =	sadd.s32 $0x63E80, s9;
	[dreg:$0x13] =	wrdreg s24  }
0x18: {  	s10 =	simm.s32 $0xA;
	s26 =	sadd.s32 $0x63F00, s9;
	[dreg:$0x14] =	wrdreg s25  }
0x19: {  	s9 =	simm.s32 $0x7;
	[dreg:$0x15] =	wrdreg s26;
	s22 =	simm.s32 $0x10  }
0x1a: {  	s24 =	simm.s32 $0x40;
	s25 =	simm.s32 $0x200;
	s26 =	simm.s32 $0x6200  }
0x1b: {  	s18 =	simm.s32 $0x2;
	s19 =	simm.s32 $0x5;
	s20 =	simm.s32 $0xB  }
0x1c: {  	s15 =	simm.s32 $0xE;
	s16 =	simm.s32 $0xF;
	s17 =	simm.s32 $0x0  }
.LBB2_1:
0x1d: {  	s21 =	rddreg [dreg:$0x8]  }
0x1e: {  	[tilespmem:s6], [sflag:$0x10] =	stream.linear.gather [hbm4b:s21+s6], $0x100, $0x38;
	[tilespmem:$0x18200] =	vst v63  }
0x1f: {  	_ =	swait.ge [sflag:s22], $0x100  }
0x20: {  	[sflag:s22] =	ssyncset.done $0x0  }
0x21: {  	s23 =	simm.s32 $0x100;
	s21 =	rddreg [dreg:$0x9];
	[sflag:s22] =	ssyncadd.s32 $0xFFFFFF00  }
0x22: {  	[tilespmem:s23], [sflag:$0x10] =	stream.linear.gather [hbm4b:s21+s6], $0x100, $0x38;
	[tilespmem:$0x18200] =	vst v63  }
0x23: {  	_ =	swait.ge [sflag:s22], $0x100  }
0x24: {  	[sflag:s22] =	ssyncset.done $0x0  }
0x25: {  	[sflag:s22] =	ssyncadd.s32 $0xFFFFFF00  }
0x26: {  	[tilespmem:s25], [sflag:$0x1] =	stream.indirect.gather [hbm4b:s1+s24], $0x80, s6, s24, $0xb8;
	[tilespmem:$0x18200] =	vst v63  }
0x27: {  	_ = 	snop  }
0x28: {  	[tilespmem:s26], [sflag:$0x4] =	stream.indirect.gather [hbm4b:s2+s24], $0x80, s23, s24, $0xb8;
	[tilespmem:$0x18200] =	vst v63  }
0x29: {  	_ = 	snop  }
0x2a: {  	[tilespmem:s28], [sflag:$0x7] =	stream.indirect.gather [hbm4b:s3+s24], $0x80, s6, s24, $0xb8;
	[tilespmem:$0x18200] =	vst v63  }
0x2b: {  	s21 =	simm.s32 $0x12200  }
0x2c: {  	[tilespmem:s21], [sflag:$0xA] =	stream.indirect.gather [hbm4b:s5+s24], $0x80, s23, s24, $0xb8;
	[tilespmem:$0x18200] =	vst v63  }
0x2d: {  	s23 =	simm.s32 $0x2200  }
0x2e: {  	[tilespmem:s23], [sflag:$0x2] =	stream.indirect.gather [hbm4b:s1+s24], $0x80, s24, s24, $0xb8;
	[tilespmem:$0x18200] =	vst v63  }
0x2f: {  	s21 =	simm.s32 $0x140;
	s23 =	simm.s32 $0x8200  }
0x30: {  	[tilespmem:s23], [sflag:$0x5] =	stream.indirect.gather [hbm4b:s2+s24], $0x80, s21, s24, $0xb8;
	[tilespmem:$0x18200] =	vst v63  }
0x31: {  	s23 =	simm.s32 $0xE200  }
0x32: {  	[tilespmem:s23], [sflag:$0x8] =	stream.indirect.gather [hbm4b:s3+s24], $0x80, s24, s24, $0xb8;
	[tilespmem:$0x18200] =	vst v63  }
0x33: {  	s23 =	simm.s32 $0x14200  }
0x34: {  	[tilespmem:s23], [sflag:$0xB] =	stream.indirect.gather [hbm4b:s5+s24], $0x80, s21, s24, $0xb8;
	[tilespmem:$0x18200] =	vst v63  }
0x35: {  	_ =	swait.ge [sflag:s7], $0x2000  }
0x36: {  	[sflag:s7] =	ssyncset.done $0x0  }
0x37: {  	[sflag:s7] =	ssyncadd.s32 $0xFFFFE000  }
0x38: {  	_ =	swait.ge [sflag:s8], $0x2000  }
0x39: {  	[sflag:s8] =	ssyncset.done $0x0  }
0x3a: {  	[sflag:s8] =	ssyncadd.s32 $0xFFFFE000  }
0x3b: {  	_ =	swait.ge [sflag:s9], $0x2000  }
0x3c: {  	[sflag:s9] =	ssyncset.done $0x0  }
0x3d: {  	[sflag:s9] =	ssyncadd.s32 $0xFFFFE000  }
0x3e: {  	_ =	swait.ge [sflag:s10], $0x2000  }
0x3f: {  	[sflag:s10] =	ssyncset.done $0x0  }
0x40: {  	s21 =	simm.s32 $0x0;
	[sflag:s10] =	ssyncadd.s32 $0xFFFFE000  }
0x41: {  	v7 =	vld [tilespmem:s21+$0x12200]  }
0x42: {  	v11 =	vld [tilespmem:s21+$0x12210]  }
0x43: {  	v5 =	vld [tilespmem:s21+$0x12220]  }
0x44: {  	v4 =	vld [tilespmem:s21+$0x12230]  }
0x45: {  	v3 =	vld [tilespmem:s21+$0x12240]  }
0x46: {  	v2 =	vld [tilespmem:s21+$0x12250]  }
0x47: {  	v1 =	vld [tilespmem:s21+$0x12260]  }
0x48: {  	v0 =	vld [tilespmem:s21+$0x12270]  }
0x49: {  	v12 =	vld [tilespmem:s21+$0xC200]  }
0x4a: {  	v13 =	vld [tilespmem:s21+$0xC210]  }
0x4b: {  	v10 =	vld [tilespmem:s21+$0xC220]  }
0x4c: {  	v9 =	vld [tilespmem:s21+$0xC230]  }
0x4d: {  	v8 =	vld [tilespmem:s21+$0xC240]  }
0x4e: {  	v6 =	vld [tilespmem:s21+$0xC250];
	v12 =	vmul.f32 v7, v12  }
0x4f: {  	s31 =	simm.s32 $0x200;
	v11 =	vmul.f32 v11, v13;
	v7 =	vld [tilespmem:s21+$0xC260]  }
.LBB2_2:
0x50: {  	s23 =	sshra.s32 s31, $0x2;
	p0 =	sne.s32 s31, $0x7E00;
	[tilespmem:s21+$0xC200] =	vst v12;
	v5 =	vmul.f32 v5, v10;
	v10 =	vld [tilespmem:s21+$0xC270]  }
0x51: {  	v12 =	vld [tilespmem:s23+$0x12200];
	[tilespmem:s21+$0xC210] =	vst v11;
	v4 =	vmul.f32 v4, v9  }
0x52: {  	v11 =	vld [tilespmem:s23+$0x12210];
	[tilespmem:s21+$0xC220] =	vst v5;
	v3 =	vmul.f32 v3, v8  }
0x53: {  	v5 =	vld [tilespmem:s23+$0x12220];
	[tilespmem:s21+$0xC230] =	vst v4;
	v2 =	vmul.f32 v2, v6  }
0x54: {  	v4 =	vld [tilespmem:s23+$0x12230];
	[tilespmem:s21+$0xC240] =	vst v3;
	v1 =	vmul.f32 v1, v7  }
0x55: {  	v3 =	vld [tilespmem:s23+$0x12240];
	[tilespmem:s21+$0xC250] =	vst v2;
	v0 =	vmul.f32 v0, v10  }
0x56: {  	v2 =	vld [tilespmem:s23+$0x12250];
	[tilespmem:s21+$0xC260] =	vst v1  }
0x57: {  	v1 =	vld [tilespmem:s23+$0x12260];
	[tilespmem:s21+$0xC270] =	vst v0;
	s21 =	smov.u32 s23  }
0x58: {  	v0 =	vld [tilespmem:s21+$0x12270]  }
0x59: {  	v6 =	vld [tilespmem:s21+$0xC200]  }
0x5a: {  	v7 =	vld [tilespmem:s21+$0xC210]  }
.Ltmp0:
0x5b: {  	v10 =	vld [tilespmem:s21+$0xC220];
	(pc) =	sbr.rel @p0 .LBB2_2-.Ltmp0, $4  }
0x5c: {  	v9 =	vld [tilespmem:s21+$0xC230]  }
0x5d: {  	v8 =	vld [tilespmem:s21+$0xC240]  }
0x5e: {  	v12 =	vmul.f32 v12, v6;
	v6 =	vld [tilespmem:s21+$0xC250]  }
0x5f: {  	s31 =	sadd.s32 $0x200, s31;
	v11 =	vmul.f32 v11, v7;
	v7 =	vld [tilespmem:s21+$0xC260]  }
0x60: {  	[tilespmem:s21+$0xC200] =	vst v12;
	v5 =	vmul.f32 v5, v10;
	v10 =	vld [tilespmem:s21+$0xC270]  }
0x61: {  	[tilespmem:s21+$0xC210] =	vst v11;
	v4 =	vmul.f32 v4, v9  }
0x62: {  	[tilespmem:s21+$0xC220] =	vst v5;
	v3 =	vmul.f32 v3, v8  }
0x63: {  	[tilespmem:s21+$0xC230] =	vst v4;
	v2 =	vmul.f32 v2, v6  }
0x64: {  	[tilespmem:s21+$0xC240] =	vst v3;
	v1 =	vmul.f32 v1, v7  }
0x65: {  	[tilespmem:s21+$0xC250] =	vst v2;
	v0 =	vmul.f32 v0, v10  }
0x66: {  	[tilespmem:s21+$0xC260] =	vst v1  }
0x67: {  	s23 =	rddreg [dreg:$0xa];
	[tilespmem:s21+$0xC270] =	vst v0  }
0x68: {  	[hbm4b:s23+s11] =	stream.strided.scatter [tilespmem:s25], [sflag:$0xD], $0x2000, s12, s11, $0x38;
	[tilespmem:$0x18200] =	vst v63  }
0x69: {  	s23 =	rddreg [dreg:$0xb]  }
0x6a: {  	[hbm4b:s23+s11] =	stream.strided.scatter [tilespmem:s26], [sflag:$0xD], $0x2000, s12, s11, $0x38;
	[tilespmem:$0x18200] =	vst v63  }
0x6b: {  	s23 =	rddreg [dreg:$0xc]  }
0x6c: {  	[hbm4b:s23+s11] =	stream.strided.scatter [tilespmem:s28], [sflag:$0xD], $0x2000, s12, s11, $0x38;
	[tilespmem:$0x18200] =	vst v63  }
0x6d: {  	s21 =	simm.s32 $0x80;
	s23 =	simm.s32 $0x4200  }
0x6e: {  	[tilespmem:s23], [sflag:$0x3] =	stream.indirect.gather [hbm4b:s1+s24], $0x80, s21, s24, $0xb8;
	[tilespmem:$0x18200] =	vst v63  }
0x6f: {  	s31 =	simm.s32 $0xA200;
	s23 =	simm.s32 $0x180  }
0x70: {  	[tilespmem:s31], [sflag:$0x6] =	stream.indirect.gather [hbm4b:s2+s24], $0x80, s23, s24, $0xb8;
	[tilespmem:$0x18200] =	vst v63  }
0x71: {  	s31 =	simm.s32 $0x10200  }
0x72: {  	[tilespmem:s31], [sflag:$0x9] =	stream.indirect.gather [hbm4b:s3+s24], $0x80, s21, s24, $0xb8;
	[tilespmem:$0x18200] =	vst v63  }
0x73: {  	s21 =	simm.s32 $0x16200  }
0x74: {  	[tilespmem:s21], [sflag:$0xC] =	stream.indirect.gather [hbm4b:s5+s24], $0x80, s23, s24, $0xb8;
	[tilespmem:$0x18200] =	vst v63  }
0x75: {  	_ =	swait.ge [sflag:s18], $0x2000  }
0x76: {  	[sflag:s18] =	ssyncset.done $0x0  }
0x77: {  	[sflag:s18] =	ssyncadd.s32 $0xFFFFE000  }
0x78: {  	_ =	swait.ge [sflag:s19], $0x2000  }
0x79: {  	[sflag:s19] =	ssyncset.done $0x0  }
0x7a: {  	[sflag:s19] =	ssyncadd.s32 $0xFFFFE000  }
0x7b: {  	_ =	swait.ge [sflag:s29], $0x2000  }
0x7c: {  	[sflag:s29] =	ssyncset.done $0x0  }
0x7d: {  	[sflag:s29] =	ssyncadd.s32 $0xFFFFE000  }
0x7e: {  	_ =	swait.ge [sflag:s20], $0x2000  }
0x7f: {  	[sflag:s20] =	ssyncset.done $0x0  }
0x80: {  	s21 =	simm.s32 $0x0;
	[sflag:s20] =	ssyncadd.s32 $0xFFFFE000  }
0x81: {  	v7 =	vld [tilespmem:s21+$0x14200]  }
0x82: {  	v11 =	vld [tilespmem:s21+$0x14210]  }
0x83: {  	v5 =	vld [tilespmem:s21+$0x14220]  }
0x84: {  	v4 =	vld [tilespmem:s21+$0x14230]  }
0x85: {  	v3 =	vld [tilespmem:s21+$0x14240]  }
0x86: {  	v2 =	vld [tilespmem:s21+$0x14250]  }
0x87: {  	v1 =	vld [tilespmem:s21+$0x14260]  }
0x88: {  	v0 =	vld [tilespmem:s21+$0x14270]  }
0x89: {  	v12 =	vld [tilespmem:s21+$0xE200]  }
0x8a: {  	v13 =	vld [tilespmem:s21+$0xE210]  }
0x8b: {  	v10 =	vld [tilespmem:s21+$0xE220]  }
0x8c: {  	v9 =	vld [tilespmem:s21+$0xE230]  }
0x8d: {  	v8 =	vld [tilespmem:s21+$0xE240]  }
0x8e: {  	v6 =	vld [tilespmem:s21+$0xE250];
	v12 =	vmul.f32 v7, v12  }
0x8f: {  	s31 =	simm.s32 $0x200;
	v11 =	vmul.f32 v11, v13;
	v7 =	vld [tilespmem:s21+$0xE260]  }
.LBB2_4:
0x90: {  	s23 =	sshra.s32 s31, $0x2;
	p0 =	sne.s32 s31, $0x7E00;
	[tilespmem:s21+$0xE200] =	vst v12;
	v5 =	vmul.f32 v5, v10;
	v10 =	vld [tilespmem:s21+$0xE270]  }
0x91: {  	v12 =	vld [tilespmem:s23+$0x14200];
	[tilespmem:s21+$0xE210] =	vst v11;
	v4 =	vmul.f32 v4, v9  }
0x92: {  	v11 =	vld [tilespmem:s23+$0x14210];
	[tilespmem:s21+$0xE220] =	vst v5;
	v3 =	vmul.f32 v3, v8  }
0x93: {  	v5 =	vld [tilespmem:s23+$0x14220];
	[tilespmem:s21+$0xE230] =	vst v4;
	v2 =	vmul.f32 v2, v6  }
0x94: {  	v4 =	vld [tilespmem:s23+$0x14230];
	[tilespmem:s21+$0xE240] =	vst v3;
	v1 =	vmul.f32 v1, v7  }
0x95: {  	v3 =	vld [tilespmem:s23+$0x14240];
	[tilespmem:s21+$0xE250] =	vst v2;
	v0 =	vmul.f32 v0, v10  }
0x96: {  	v2 =	vld [tilespmem:s23+$0x14250];
	[tilespmem:s21+$0xE260] =	vst v1  }
0x97: {  	v1 =	vld [tilespmem:s23+$0x14260];
	[tilespmem:s21+$0xE270] =	vst v0;
	s21 =	smov.u32 s23  }
0x98: {  	v0 =	vld [tilespmem:s21+$0x14270]  }
0x99: {  	v6 =	vld [tilespmem:s21+$0xE200]  }
0x9a: {  	v7 =	vld [tilespmem:s21+$0xE210]  }
.Ltmp1:
0x9b: {  	v10 =	vld [tilespmem:s21+$0xE220];
	(pc) =	sbr.rel @p0 .LBB2_4-.Ltmp1, $4  }
0x9c: {  	v9 =	vld [tilespmem:s21+$0xE230]  }
0x9d: {  	v8 =	vld [tilespmem:s21+$0xE240]  }
0x9e: {  	v12 =	vmul.f32 v12, v6;
	v6 =	vld [tilespmem:s21+$0xE250]  }
0x9f: {  	s31 =	sadd.s32 $0x200, s31;
	v11 =	vmul.f32 v11, v7;
	v7 =	vld [tilespmem:s21+$0xE260]  }
0xa0: {  	[tilespmem:s21+$0xE200] =	vst v12;
	v5 =	vmul.f32 v5, v10;
	v10 =	vld [tilespmem:s21+$0xE270]  }
0xa1: {  	[tilespmem:s21+$0xE210] =	vst v11;
	v4 =	vmul.f32 v4, v9  }
0xa2: {  	[tilespmem:s21+$0xE220] =	vst v5;
	v3 =	vmul.f32 v3, v8  }
0xa3: {  	[tilespmem:s21+$0xE230] =	vst v4;
	v2 =	vmul.f32 v2, v6  }
0xa4: {  	[tilespmem:s21+$0xE240] =	vst v3;
	v1 =	vmul.f32 v1, v7  }
0xa5: {  	[tilespmem:s21+$0xE250] =	vst v2;
	v0 =	vmul.f32 v0, v10  }
0xa6: {  	[tilespmem:s21+$0xE260] =	vst v1  }
0xa7: {  	s23 =	simm.s32 $0x2200;
	[tilespmem:s21+$0xE270] =	vst v0;
	s21 =	rddreg [dreg:$0xd]  }
0xa8: {  	[hbm4b:s21+s11] =	stream.strided.scatter [tilespmem:s23], [sflag:$0xE], $0x2000, s12, s11, $0x38;
	[tilespmem:$0x18200] =	vst v63  }
0xa9: {  	s21 =	rddreg [dreg:$0xe];
	s23 =	simm.s32 $0x8200  }
0xaa: {  	[hbm4b:s21+s11] =	stream.strided.scatter [tilespmem:s23], [sflag:$0xE], $0x2000, s12, s11, $0x38;
	[tilespmem:$0x18200] =	vst v63  }
0xab: {  	s21 =	rddreg [dreg:$0xf];
	s23 =	simm.s32 $0xE200  }
0xac: {  	[hbm4b:s21+s11] =	stream.strided.scatter [tilespmem:s23], [sflag:$0xE], $0x2000, s12, s11, $0x38;
	[tilespmem:$0x18200] =	vst v63  }
0xad: {  	_ =	swait.ge [sflag:s30], $0x2000  }
0xae: {  	[sflag:s30] =	ssyncset.done $0x0  }
0xaf: {  	[sflag:s30] =	ssyncadd.s32 $0xFFFFE000  }
0xb0: {  	_ =	swait.ge [sflag:s30], $0x2000  }
0xb1: {  	[sflag:s30] =	ssyncset.done $0x0  }
0xb2: {  	[sflag:s30] =	ssyncadd.s32 $0xFFFFE000  }
0xb3: {  	_ =	swait.ge [sflag:s30], $0x2000  }
0xb4: {  	[sflag:s30] =	ssyncset.done $0x0  }
0xb5: {  	s21 =	simm.s32 $0xC0;
	[sflag:s30] =	ssyncadd.s32 $0xFFFFE000  }
0xb6: {  	[tilespmem:s25], [sflag:$0x1] =	stream.indirect.gather [hbm4b:s1+s24], $0x80, s21, s24, $0xb8;
	[tilespmem:$0x18200] =	vst v63  }
0xb7: {  	s23 =	simm.s32 $0x1C0  }
0xb8: {  	[tilespmem:s26], [sflag:$0x4] =	stream.indirect.gather [hbm4b:s2+s24], $0x80, s23, s24, $0xb8;
	[tilespmem:$0x18200] =	vst v63  }
0xb9: {  	_ = 	snop  }
0xba: {  	[tilespmem:s28], [sflag:$0x7] =	stream.indirect.gather [hbm4b:s3+s24], $0x80, s21, s24, $0xb8;
	[tilespmem:$0x18200] =	vst v63  }
0xbb: {  	s21 =	simm.s32 $0x12200  }
0xbc: {  	[tilespmem:s21], [sflag:$0xA] =	stream.indirect.gather [hbm4b:s5+s24], $0x80, s23, s24, $0xb8;
	[tilespmem:$0x18200] =	vst v63  }
0xbd: {  	_ =	swait.ge [sflag:s4], $0x2000  }
0xbe: {  	[sflag:s4] =	ssyncset.done $0x0  }
0xbf: {  	[sflag:s4] =	ssyncadd.s32 $0xFFFFE000  }
0xc0: {  	_ =	swait.ge [sflag:s0], $0x2000  }
0xc1: {  	[sflag:s0] =	ssyncset.done $0x0  }
0xc2: {  	[sflag:s0] =	ssyncadd.s32 $0xFFFFE000  }
0xc3: {  	_ =	swait.ge [sflag:s13], $0x2000  }
0xc4: {  	[sflag:s13] =	ssyncset.done $0x0  }
0xc5: {  	[sflag:s13] =	ssyncadd.s32 $0xFFFFE000  }
0xc6: {  	_ =	swait.ge [sflag:s14], $0x2000  }
0xc7: {  	[sflag:s14] =	ssyncset.done $0x0  }
0xc8: {  	s21 =	simm.s32 $0x0;
	[sflag:s14] =	ssyncadd.s32 $0xFFFFE000  }
0xc9: {  	v7 =	vld [tilespmem:s21+$0x16200]  }
0xca: {  	v11 =	vld [tilespmem:s21+$0x16210]  }
0xcb: {  	v5 =	vld [tilespmem:s21+$0x16220]  }
0xcc: {  	v4 =	vld [tilespmem:s21+$0x16230]  }
0xcd: {  	v3 =	vld [tilespmem:s21+$0x16240]  }
0xce: {  	v2 =	vld [tilespmem:s21+$0x16250]  }
0xcf: {  	v1 =	vld [tilespmem:s21+$0x16260]  }
0xd0: {  	v0 =	vld [tilespmem:s21+$0x16270]  }
0xd1: {  	v12 =	vld [tilespmem:s21+$0x10200]  }
0xd2: {  	v13 =	vld [tilespmem:s21+$0x10210]  }
0xd3: {  	v10 =	vld [tilespmem:s21+$0x10220]  }
0xd4: {  	v9 =	vld [tilespmem:s21+$0x10230]  }
0xd5: {  	v8 =	vld [tilespmem:s21+$0x10240]  }
0xd6: {  	v6 =	vld [tilespmem:s21+$0x10250];
	v12 =	vmul.f32 v7, v12  }
0xd7: {  	s31 =	simm.s32 $0x200;
	v11 =	vmul.f32 v11, v13;
	v7 =	vld [tilespmem:s21+$0x10260]  }
.LBB2_6:
0xd8: {  	s23 =	sshra.s32 s31, $0x2;
	p0 =	sne.s32 s31, $0x7E00;
	[tilespmem:s21+$0x10200] =	vst v12;
	v5 =	vmul.f32 v5, v10;
	v10 =	vld [tilespmem:s21+$0x10270]  }
0xd9: {  	v12 =	vld [tilespmem:s23+$0x16200];
	[tilespmem:s21+$0x10210] =	vst v11;
	v4 =	vmul.f32 v4, v9  }
0xda: {  	v11 =	vld [tilespmem:s23+$0x16210];
	[tilespmem:s21+$0x10220] =	vst v5;
	v3 =	vmul.f32 v3, v8  }
0xdb: {  	v5 =	vld [tilespmem:s23+$0x16220];
	[tilespmem:s21+$0x10230] =	vst v4;
	v2 =	vmul.f32 v2, v6  }
0xdc: {  	v4 =	vld [tilespmem:s23+$0x16230];
	[tilespmem:s21+$0x10240] =	vst v3;
	v1 =	vmul.f32 v1, v7  }
0xdd: {  	v3 =	vld [tilespmem:s23+$0x16240];
	[tilespmem:s21+$0x10250] =	vst v2;
	v0 =	vmul.f32 v0, v10  }
0xde: {  	v2 =	vld [tilespmem:s23+$0x16250];
	[tilespmem:s21+$0x10260] =	vst v1  }
0xdf: {  	v1 =	vld [tilespmem:s23+$0x16260];
	[tilespmem:s21+$0x10270] =	vst v0;
	s21 =	smov.u32 s23  }
0xe0: {  	v0 =	vld [tilespmem:s21+$0x16270]  }
0xe1: {  	v6 =	vld [tilespmem:s21+$0x10200]  }
0xe2: {  	v7 =	vld [tilespmem:s21+$0x10210]  }
.Ltmp2:
0xe3: {  	v10 =	vld [tilespmem:s21+$0x10220];
	(pc) =	sbr.rel @p0 .LBB2_6-.Ltmp2, $4  }
0xe4: {  	v9 =	vld [tilespmem:s21+$0x10230]  }
0xe5: {  	v8 =	vld [tilespmem:s21+$0x10240]  }
0xe6: {  	v12 =	vmul.f32 v12, v6;
	v6 =	vld [tilespmem:s21+$0x10250]  }
0xe7: {  	s31 =	sadd.s32 $0x200, s31;
	v11 =	vmul.f32 v11, v7;
	v7 =	vld [tilespmem:s21+$0x10260]  }
0xe8: {  	[tilespmem:s21+$0x10200] =	vst v12;
	v5 =	vmul.f32 v5, v10;
	v10 =	vld [tilespmem:s21+$0x10270]  }
0xe9: {  	[tilespmem:s21+$0x10210] =	vst v11;
	v4 =	vmul.f32 v4, v9  }
0xea: {  	[tilespmem:s21+$0x10220] =	vst v5;
	v3 =	vmul.f32 v3, v8  }
0xeb: {  	[tilespmem:s21+$0x10230] =	vst v4;
	v2 =	vmul.f32 v2, v6  }
0xec: {  	[tilespmem:s21+$0x10240] =	vst v3;
	v1 =	vmul.f32 v1, v7  }
0xed: {  	[tilespmem:s21+$0x10250] =	vst v2;
	v0 =	vmul.f32 v0, v10  }
0xee: {  	[tilespmem:s21+$0x10260] =	vst v1  }
0xef: {  	s23 =	simm.s32 $0x4200;
	[tilespmem:s21+$0x10270] =	vst v0;
	s21 =	rddreg [dreg:$0x10]  }
0xf0: {  	[hbm4b:s21+s11] =	stream.strided.scatter [tilespmem:s23], [sflag:$0xF], $0x2000, s12, s11, $0x38;
	[tilespmem:$0x18200] =	vst v63  }
0xf1: {  	s21 =	rddreg [dreg:$0x11];
	s23 =	simm.s32 $0xA200  }
0xf2: {  	[hbm4b:s21+s11] =	stream.strided.scatter [tilespmem:s23], [sflag:$0xF], $0x2000, s12, s11, $0x38;
	[tilespmem:$0x18200] =	vst v63  }
0xf3: {  	s21 =	rddreg [dreg:$0x12];
	s23 =	simm.s32 $0x10200  }
0xf4: {  	[hbm4b:s21+s11] =	stream.strided.scatter [tilespmem:s23], [sflag:$0xF], $0x2000, s12, s11, $0x38;
	[tilespmem:$0x18200] =	vst v63  }
0xf5: {  	_ =	swait.ge [sflag:s7], $0x2000  }
0xf6: {  	[sflag:s7] =	ssyncset.done $0x0  }
0xf7: {  	[sflag:s7] =	ssyncadd.s32 $0xFFFFE000  }
0xf8: {  	_ =	swait.ge [sflag:s8], $0x2000  }
0xf9: {  	[sflag:s8] =	ssyncset.done $0x0  }
0xfa: {  	[sflag:s8] =	ssyncadd.s32 $0xFFFFE000  }
0xfb: {  	_ =	swait.ge [sflag:s9], $0x2000  }
0xfc: {  	[sflag:s9] =	ssyncset.done $0x0  }
0xfd: {  	[sflag:s9] =	ssyncadd.s32 $0xFFFFE000  }
0xfe: {  	_ =	swait.ge [sflag:s10], $0x2000  }
0xff: {  	[sflag:s10] =	ssyncset.done $0x0  }
0x100: {  	s21 =	simm.s32 $0x0;
	[sflag:s10] =	ssyncadd.s32 $0xFFFFE000  }
0x101: {  	v7 =	vld [tilespmem:s21+$0x12200]  }
0x102: {  	v11 =	vld [tilespmem:s21+$0x12210]  }
0x103: {  	v5 =	vld [tilespmem:s21+$0x12220]  }
0x104: {  	v4 =	vld [tilespmem:s21+$0x12230]  }
0x105: {  	v3 =	vld [tilespmem:s21+$0x12240]  }
0x106: {  	v2 =	vld [tilespmem:s21+$0x12250]  }
0x107: {  	v1 =	vld [tilespmem:s21+$0x12260]  }
0x108: {  	v0 =	vld [tilespmem:s21+$0x12270]  }
0x109: {  	v12 =	vld [tilespmem:s21+$0xC200]  }
0x10a: {  	v13 =	vld [tilespmem:s21+$0xC210]  }
0x10b: {  	v10 =	vld [tilespmem:s21+$0xC220]  }
0x10c: {  	v9 =	vld [tilespmem:s21+$0xC230]  }
0x10d: {  	v8 =	vld [tilespmem:s21+$0xC240]  }
0x10e: {  	v6 =	vld [tilespmem:s21+$0xC250];
	v12 =	vmul.f32 v7, v12  }
0x10f: {  	s31 =	simm.s32 $0x200;
	v11 =	vmul.f32 v11, v13;
	v7 =	vld [tilespmem:s21+$0xC260]  }
.LBB2_8:
0x110: {  	s23 =	sshra.s32 s31, $0x2;
	p0 =	sne.s32 s31, $0x7E00;
	[tilespmem:s21+$0xC200] =	vst v12;
	v5 =	vmul.f32 v5, v10;
	v10 =	vld [tilespmem:s21+$0xC270]  }
0x111: {  	v12 =	vld [tilespmem:s23+$0x12200];
	[tilespmem:s21+$0xC210] =	vst v11;
	v4 =	vmul.f32 v4, v9  }
0x112: {  	v11 =	vld [tilespmem:s23+$0x12210];
	[tilespmem:s21+$0xC220] =	vst v5;
	v3 =	vmul.f32 v3, v8  }
0x113: {  	v5 =	vld [tilespmem:s23+$0x12220];
	[tilespmem:s21+$0xC230] =	vst v4;
	v2 =	vmul.f32 v2, v6  }
0x114: {  	v4 =	vld [tilespmem:s23+$0x12230];
	[tilespmem:s21+$0xC240] =	vst v3;
	v1 =	vmul.f32 v1, v7  }
0x115: {  	v3 =	vld [tilespmem:s23+$0x12240];
	[tilespmem:s21+$0xC250] =	vst v2;
	v0 =	vmul.f32 v0, v10  }
0x116: {  	v2 =	vld [tilespmem:s23+$0x12250];
	[tilespmem:s21+$0xC260] =	vst v1  }
0x117: {  	v1 =	vld [tilespmem:s23+$0x12260];
	[tilespmem:s21+$0xC270] =	vst v0;
	s21 =	smov.u32 s23  }
0x118: {  	v0 =	vld [tilespmem:s21+$0x12270]  }
0x119: {  	v6 =	vld [tilespmem:s21+$0xC200]  }
0x11a: {  	v7 =	vld [tilespmem:s21+$0xC210]  }
.Ltmp3:
0x11b: {  	v10 =	vld [tilespmem:s21+$0xC220];
	(pc) =	sbr.rel @p0 .LBB2_8-.Ltmp3, $4  }
0x11c: {  	v9 =	vld [tilespmem:s21+$0xC230]  }
0x11d: {  	v8 =	vld [tilespmem:s21+$0xC240]  }
0x11e: {  	v12 =	vmul.f32 v12, v6;
	v6 =	vld [tilespmem:s21+$0xC250]  }
0x11f: {  	s31 =	sadd.s32 $0x200, s31;
	v11 =	vmul.f32 v11, v7;
	v7 =	vld [tilespmem:s21+$0xC260]  }
0x120: {  	[tilespmem:s21+$0xC200] =	vst v12;
	v5 =	vmul.f32 v5, v10;
	v63 =	vld [tilespmem:s21+$0xC270]  }
0x121: {  	[tilespmem:s21+$0xC210] =	vst v11;
	v4 =	vmul.f32 v4, v9  }
0x122: {  	[tilespmem:s21+$0xC220] =	vst v5;
	v3 =	vmul.f32 v3, v8  }
0x123: {  	[tilespmem:s21+$0xC230] =	vst v4;
	v2 =	vmul.f32 v2, v6  }
0x124: {  	[tilespmem:s21+$0xC240] =	vst v3;
	v1 =	vmul.f32 v1, v7  }
0x125: {  	[tilespmem:s21+$0xC250] =	vst v2;
	v0 =	vmul.f32 v0, v63  }
0x126: {  	[tilespmem:s21+$0xC260] =	vst v1  }
0x127: {  	s23 =	rddreg [dreg:$0x13];
	[tilespmem:s21+$0xC270] =	vst v0  }
0x128: {  	[hbm4b:s23+s11] =	stream.strided.scatter [tilespmem:s25], [sflag:$0xD], $0x2000, s12, s11, $0x38;
	[tilespmem:$0x18200] =	vst v63  }
0x129: {  	s31 =	rddreg [dreg:$0x14]  }
0x12a: {  	[hbm4b:s31+s11] =	stream.strided.scatter [tilespmem:s26], [sflag:$0xD], $0x2000, s12, s11, $0x38;
	[tilespmem:$0x18200] =	vst v63  }
0x12b: {  	s23 =	rddreg [dreg:$0x15]  }
0x12c: {  	[hbm4b:s23+s11] =	stream.strided.scatter [tilespmem:s28], [sflag:$0xD], $0x2000, s12, s11, $0x38;
	[tilespmem:$0x18200] =	vst v63  }
0x12d: {  	_ =	swait.ge [sflag:s15], $0x2000  }
0x12e: {  	[sflag:s15] =	ssyncset.done $0x0  }
0x12f: {  	[sflag:s15] =	ssyncadd.s32 $0xFFFFE000  }
0x130: {  	_ =	swait.ge [sflag:s15], $0x2000  }
0x131: {  	[sflag:s15] =	ssyncset.done $0x0  }
0x132: {  	[sflag:s15] =	ssyncadd.s32 $0xFFFFE000  }
0x133: {  	_ =	swait.ge [sflag:s15], $0x2000  }
0x134: {  	[sflag:s15] =	ssyncset.done $0x0  }
0x135: {  	[sflag:s15] =	ssyncadd.s32 $0xFFFFE000  }
0x136: {  	_ =	swait.ge [sflag:s16], $0x2000  }
0x137: {  	[sflag:s16] =	ssyncset.done $0x0  }
0x138: {  	[sflag:s16] =	ssyncadd.s32 $0xFFFFE000  }
0x139: {  	_ =	swait.ge [sflag:s16], $0x2000  }
0x13a: {  	[sflag:s16] =	ssyncset.done $0x0  }
0x13b: {  	[sflag:s16] =	ssyncadd.s32 $0xFFFFE000  }
0x13c: {  	_ =	swait.ge [sflag:s16], $0x2000  }
0x13d: {  	[sflag:s16] =	ssyncset.done $0x0  }
0x13e: {  	[sflag:s16] =	ssyncadd.s32 $0xFFFFE000  }
0x13f: {  	_ =	swait.ge [sflag:s30], $0x2000  }
0x140: {  	[sflag:s30] =	ssyncset.done $0x0  }
0x141: {  	[sflag:s30] =	ssyncadd.s32 $0xFFFFE000  }
0x142: {  	_ =	swait.ge [sflag:s30], $0x2000  }
0x143: {  	[sflag:s30] =	ssyncset.done $0x0  }
0x144: {  	[sflag:s30] =	ssyncadd.s32 $0xFFFFE000  }
0x145: {  	_ =	swait.ge [sflag:s30], $0x2000  }
0x146: {  	s17 =	sadd.s32 $0x1, s17;
	s31 =	rddreg [dreg:$0x16]  }
0x147: {  	p0 =	sne.s32 s17, s31  }
.Ltmp4:
0x148: {  	_ = 	snop;
	(pc) =	sbr.rel @p0 .LBB2_1-.Ltmp4, $3  }
0x149: {  	_ =	sdelay $0x1  }
0x14a: {  	[sflag:s30] =	ssyncset.done $0x0  }
0x14b: {  	[sflag:s30] =	ssyncadd.s32 $0xFFFFE000  }
0x14c: {  	_ =	sfence.sel $0x180000  }
0x14d: {  	[bflag:$0x0] =	sbarrier.arrive $0xFFFF  }
0x14e: {  	_ =	strace $0x9000004A  }
0x14f: {  	s0 =	stileid.u32;
	[bflag:$0x2] =	sbarrier.arrive $0xFFFF  }
0x150: {  	p0 =	sne.s32 s0, $0x0;
	s0 =	rddreg [dreg:$0x7]  }
0x151: {  	s0 =	sadd.s32 @!p0 $0x100000, s0  }
0x152: {  	[sflag:s0] =	ssyncadd.tile.s32 @!p0 $0x1;
	_ =	shalt  }
.Lfunc_end2:
_tile_overlayer_lowered:
.L_overlay_start_2:
0x153: {  	(tag) =	ssettag $0x2  }
0x154: {  	s0 =	rddreg [dreg:$0x0];
	s2 =	stileid.u32  }
0x155: {  	s1 =	rddreg [dreg:$0x1];
	p0 =	sne.s32 s2, $0x0  }
0x156: {  	s3 =	rddreg [dreg:$0x2];
	[bflag:$0x3] =	sbarrier.arrive $0xFFFF;
	s2 =	simm.s32 @!p0 $0x1C10  }
0x157: {  	[timem:s3], [sflag:s2] =	dma.local @!p0 [hbm:s0], s1  }
0x158: {  	s0 =	simm.s32 @!p0 $0x10  }
0x159: {  	_ =	swait.ge @!p0 [sflag:s0], s1  }
0x15a: {  	s1 =	ssub.s32 @!p0 $0x0, s1;
	[sflag:s0] =	ssyncset.done @!p0 $0x0  }
0x15b: {  	[sflag:s0] =	ssyncadd.s32 @!p0 s1  }
0x15c: {  	[bflag:$0x3] =	sbarrier.arrive $0xFFFF  }
0x15d: {  	_ =	shalt  }

// kernel: kernel.9.cloned.1.call-start
scs
__scs_entry_jumppad:
0x0: {  	(pc) =	sbr.rel $0x88, $3  }
0x1: {  	(tag) =	ssettag $0x0;
	lr =	simm.s32 $0x1  }
0x2: {  	[smem:$0x3F93] =	sst lr;
	_ =	strace $0xD0000000  }
0x3: {  	_ = 	snop  }
0x4: {  	_ = 	snop  }
0x5: {  	_ = 	snop  }
0x6: {  	_ = 	snop  }
0x7: {  	_ = 	snop  }
__scs_overlays_trampoline_lowered:
0x8: {  	[smem:$0x3FA2] =	sst s0  }
0x9: {  	[smem:$0x3FA3] =	sst s1  }
0xa: {  	[smem:$0x3FA4] =	sst s2  }
0xb: {  	[smem:$0x3FA5] =	sst s3  }
0xc: {  	[smem:$0x3FA6] =	sst s4  }
0xd: {  	[smem:$0x3FA7] =	sst s5  }
0xe: {  	[smem:$0x3FA8] =	sst s6  }
0xf: {  	[smem:$0x3FA9] =	sst s7  }
0x10: {  	[smem:$0x3FAA] =	sst s8  }
0x11: {  	[smem:$0x3FAB] =	sst s9;
	s0 =	simm.s32 @!p0 $0x0  }
0x12: {  	s1 =	sld [smem:$0x3F91];
	s0 =	simm.s32 @p0 $0x1  }
0x13: {  	[smem:$0x3FAC] =	sst s0;
	s0 =	simm.s32 @!p1 $0x0  }
0x14: {  	s2 =	sld [smem:$0x3F90];
	s0 =	simm.s32 @p1 $0x1  }
0x15: {  	[smem:$0x3FAD] =	sst s0;
	s0 =	simm.s32 @!p2 $0x0  }
0x16: {  	s3 =	sld [smem:$0x3FDB];
	s0 =	simm.s32 @p2 $0x1  }
0x17: {  	s4 =	simm.s32 $0x1BF5;
	[smem:$0x3FAF] =	sst s0  }
0x18: {  	s0 =	sld [smem:$0x3F92];
	_ =	swait.ge [sflag:s4], $0x0  }
0x19: {  	s7 =	sld [smem:$0x3F93]  }
0x1a: {  	s8 =	sadd.s32 $0xFFFFE003, lr  }
0x1b: {  	s9 =	sadd.s32 $0xFFFFFEF7, lr;
	s5 =	simm.s32 $0xFFFFFFFF;
	p2 =	slt.u32 s8, $0xFFFFF086  }
0x1c: {  	p1 =	slt.u32 s9, $0xF7A;
	s5 =	simm.s32 @!p2 $0x0  }
0x1d: {  	s5 =	simm.s32 @p1 $0x1;
	p0 =	seq.s32 s7, s2  }
0x1e: {  	s7 =	smul.u32 @!p0 $0xF7A, s2;
	p2 =	seq.s32 @!p0 s5, $0x0  }
0x1f: {  	s9 =	smul.u32 $0xF7A, s1;
	s8 =	simm.s32 @!p0 $0x1BF5;
	p2 =	por !p2, p0  }
0x20: {  	[sflag:s8] =	ssyncset.s32 @!p0 $0xFFFFF086;
	s6 =	sadd.s32 @!p0 s3, s7;
	s7 =	simm.s32 @!p0 $0x108  }
0x21: {  	s3 =	sadd.s32 s3, s9;
	s6 =	sadd.s32 @!p0 $0x88, s6;
	s7 =	simm.s32 @p2 $0x1082  }
0x22: {  	[simem:s7], [sflag:s8] =	dma.local @!p0 [hbm:s6], $0xF7A  }
0x23: {  	s9 =	sor.u32 $0xD0000000, s2;
	s6 =	simm.s32 $0x108;
	_ =	swait.ge @!p0 [sflag:s8], $0x0  }
0x24: {  	s3 =	sadd.s32 $0x88, s3;
	s6 =	simm.s32 @!p1 $0x1082;
	[sflag:s4] =	ssyncset.s32 $0xFFFFF086  }
0x25: {  	[simem:s6], [sflag:s4] =	dma.local [hbm:s3], $0xF7A  }
0x26: {  	[smem:$0x3F93] =	sst s1;
	(tag) =	ssettag s2;
	_ =	strace s9  }
0x27: {  	s1 =	sld [smem:$0x3FA3]  }
0x28: {  	s2 =	sld [smem:$0x3FA4]  }
0x29: {  	s4 =	sld [smem:$0x3FA6]  }
0x2a: {  	p0 =	seq.s32 s5, $0x0;
	s5 =	sld [smem:$0x3FA7]  }
0x2b: {  	s6 =	sld [smem:$0x3FA8]  }
0x2c: {  	s7 =	sld [smem:$0x3FA9]  }
0x2d: {  	s3 =	simm.s32 $0x108;
	s8 =	sld [smem:$0x3FAA]  }
0x2e: {  	s3 =	simm.s32 @!p0 $0x1082;
	s9 =	sld [smem:$0x3FAB]  }
0x2f: {  	lr =	sadd.s32 s0, s3;
	s0 =	sld [smem:$0x3FA2]  }
0x30: {  	s3 =	sld [smem:$0x3FA5]  }
0x31: {  	[smem:$0x3FAE] =	sst s10  }
0x32: {  	s10 =	sld [smem:$0x3FAC];
	_ =	sdelay $0x3  }
0x33: {  	p0 =	seq.s32 s10, $0x1;
	s10 =	sld [smem:$0x3FAE];
	_ =	sdelay $0x3  }
0x34: {  	[smem:$0x3FAE] =	sst s10  }
0x35: {  	s10 =	sld [smem:$0x3FAD];
	_ =	sdelay $0x3  }
0x36: {  	p1 =	seq.s32 s10, $0x1;
	s10 =	sld [smem:$0x3FAE];
	_ =	sdelay $0x3  }
0x37: {  	[smem:$0x3FAE] =	sst s10  }
0x38: {  	s10 =	sld [smem:$0x3FAF]  }
0x39: {  	_ = 	snop;
	(pc) =	sbr.ind lr, $3  }
0x3a: {  	_ = 	snop  }
0x3b: {  	_ = 	snop  }
0x3c: {  	p2 =	seq.s32 s10, $0x1;
	s10 =	sld [smem:$0x3FAE]  }
0x3d: {  	_ =	shalt  }
0x3e: {  	_ =	shalt  }
0x3f: {  	_ =	shalt  }
0x40: {  	_ =	shalt  }
0x41: {  	_ =	shalt  }
0x42: {  	_ =	shalt  }
0x43: {  	_ =	shalt  }
0x44: {  	_ =	shalt  }
0x45: {  	_ =	shalt  }
0x46: {  	_ =	shalt  }
0x47: {  	_ =	shalt  }
0x48: {  	_ =	shalt  }
0x49: {  	_ =	shalt  }
0x4a: {  	_ =	shalt  }
0x4b: {  	_ =	shalt  }
0x4c: {  	_ =	shalt  }
0x4d: {  	_ =	shalt  }
0x4e: {  	_ =	shalt  }
0x4f: {  	_ =	shalt  }
0x50: {  	_ =	shalt  }
0x51: {  	_ =	shalt  }
0x52: {  	_ =	shalt  }
0x53: {  	_ =	shalt  }
0x54: {  	_ =	shalt  }
0x55: {  	_ =	shalt  }
0x56: {  	_ =	shalt  }
0x57: {  	_ =	shalt  }
0x58: {  	_ =	shalt  }
0x59: {  	_ =	shalt  }
0x5a: {  	_ =	shalt  }
0x5b: {  	_ =	shalt  }
0x5c: {  	_ =	shalt  }
0x5d: {  	_ =	shalt  }
0x5e: {  	_ =	shalt  }
0x5f: {  	_ =	shalt  }
0x60: {  	_ =	shalt  }
0x61: {  	_ =	shalt  }
0x62: {  	_ =	shalt  }
0x63: {  	_ =	shalt  }
0x64: {  	_ =	shalt  }
0x65: {  	_ =	shalt  }
0x66: {  	_ =	shalt  }
0x67: {  	_ =	shalt  }
0x68: {  	_ =	shalt  }
0x69: {  	_ =	shalt  }
0x6a: {  	_ =	shalt  }
0x6b: {  	_ =	shalt  }
0x6c: {  	_ =	shalt  }
0x6d: {  	_ =	shalt  }
0x6e: {  	_ =	shalt  }
0x6f: {  	_ =	shalt  }
0x70: {  	_ =	shalt  }
0x71: {  	_ =	shalt  }
0x72: {  	_ =	shalt  }
0x73: {  	_ =	shalt  }
0x74: {  	_ =	shalt  }
0x75: {  	_ =	shalt  }
0x76: {  	_ =	shalt  }
0x77: {  	_ =	shalt  }
0x78: {  	_ =	shalt  }
0x79: {  	_ =	shalt  }
0x7a: {  	_ =	shalt  }
0x7b: {  	_ =	shalt  }
0x7c: {  	_ =	shalt  }
0x7d: {  	_ =	shalt  }
0x7e: {  	_ =	shalt  }
0x7f: {  	_ =	shalt  }
0x80: {  	_ =	shalt  }
0x81: {  	_ =	shalt  }
0x82: {  	_ =	shalt  }
0x83: {  	_ =	shalt  }
0x84: {  	_ =	shalt  }
0x85: {  	_ =	shalt  }
0x86: {  	_ =	shalt  }
0x87: {  	_ =	shalt  }
.Lfunc_end0:
.L_simem_size_0:
called_computation.1_lowered:
.L_overlay_start_0:
0x88: {  	s2 =	sld [smem:$0x3FD9]  }
0x89: {  	s3 =	sld [smem:$0x3FFE];
	_ =	sdelay $0x1  }
0x8a: {  	s1 =	srdreg.scid  }
0x8b: {  	s0 =	sand.u32 $0x1, s1  }
0x8c: {  	s17 =	sshll.u32 s0, $0xA;
	s2 =	sadd.s32 s3, s2  }
0x8d: {  	s2 =	sadd.s32 s2, s17  }
0x8e: {  	[smem:$0x3FBA] =	sst s2  }
0x8f: {  	_ = 	snop  }
0x90: {  	s2 =	sld [smem:$0x3FC9]  }
0x91: {  	s18 =	sld [smem:$0x3FC8]  }
0x92: {  	s4 =	sld [smem:$0x3FC7]  }
0x93: {  	s5 =	sld [smem:$0x3FC6]  }
0x94: {  	s6 =	sld [smem:$0x3FC5]  }
0x95: {  	s7 =	sld [smem:$0x3FC4];
	(tm) =	ssettm $0x1  }
0x96: {  	s8 =	sld [smem:$0x3FFB];
	_ =	sdelay $0x3  }
0x97: {  	_ =	strace s8  }
0x98: {  	s8 =	sld [smem:$0x3FFC];
	_ =	sdelay $0x3  }
0x99: {  	_ =	strace s8  }
0x9a: {  	s8 =	sld [smem:$0x3FFD];
	_ =	sdelay $0x3  }
0x9b: {  	_ =	strace s8  }
0x9c: {  	_ =	strace $0x8FFFFFFF  }
0x9d: {  	s19 =	sld [smem:$0x3FDB];
	_ =	sdelay $0x1  }
0x9e: {  	s9 =	simm.s32 $_scs_section_size  }
0x9f: {  	s10 =	simm.s32 $_size__tile_overlayer_lowered;
	s11 =	simm.s32 $_tile_overlayer_lowered  }
0xa0: {  	s22 =	simm.s32 $0x1BFF;
	s21 =	sshll.u32 s11, $0x1;
	s8 =	sadd.s32 s9, s19  }
0xa1: {  	s12 =	simm.s32 $0x0;
	s20 =	sshll.u32 s10, $0x1;
	s10 =	sadd.s32 s21, s8  }
0xa2: {  	[timem:s12], [sflag:s22] =	dma.local [hbm:s10], s20  }
0xa3: {  	_ =	swait.ge [sflag:s22], s20  }
0xa4: {  	s9 =	ssub.s32 $0x0, s20;
	[sflag:s22] =	ssyncset.done $0x0  }
0xa5: {  	[sflag:s22] =	ssyncadd.s32 s9;
	_ =	sdelay $0x1  }
0xa6: {  	s23 =	simm.s32 $0x1B8B  }
0xa7: {  	_ =	swait.ge [sflag:s23], $0x1  }
0xa8: {  	[sflag:s23] =	ssyncset.done $0x0  }
0xa9: {  	s25 =	simm.s32 $0x1B8E;
	s24 =	sld [smem:$0x3FFE];
	[sflag:s23] =	ssyncadd.s32 $0xFFFFFFFF  }
0xaa: {  	s26 =	simm.s32 $execute0_lowered;
	[smem:$0x3FD2] =	sst s25  }
0xab: {  	s10 =	sshll.u32 s26, $0x1;
	_ =	strace $0x80000046;
	[dreg:$0x1] =	wrdreg $0xFFFFFFFF  }
0xac: {  	s28 =	simm.s32 $_size_execute0_lowered;
	s8 =	sadd.s32 s8, s10;
	[dreg:$0x0] =	wrdreg $0x0  }
0xad: {  	s10 =	sshll.u32 s28, $0x1;
	[dreg:$0x2] =	wrdreg s8  }
0xae: {  	[dreg:$0x3] =	wrdreg s10  }
0xaf: {  	[dreg:$0x4] =	wrdreg $0xC0  }
0xb0: {  	_ =	task [dreg:s12], $0x5FFFF  }
0xb1: {  	[dreg:$0x1] =	wrdreg $0xFFFFFFFF  }
0xb2: {  	[dreg:$0x0] =	wrdreg $0x60  }
0xb3: {  	[dreg:$0x2] =	wrdreg s2  }
0xb4: {  	[dreg:$0x3] =	wrdreg s18  }
0xb5: {  	[dreg:$0x4] =	wrdreg s4  }
0xb6: {  	[dreg:$0x5] =	wrdreg s5  }
0xb7: {  	[dreg:$0x6] =	wrdreg s6  }
0xb8: {  	[dreg:$0x7] =	wrdreg s7  }
0xb9: {  	[dreg:$0x8] =	wrdreg s24  }
0xba: {  	[dreg:$0x9] =	wrdreg $0xA  }
0xbb: {  	_ =	task.clear_ibuf [dreg:s12], $0xAFFFF;
	_ =	strace $0x90000046  }
0xbc: {  	s29 =	simm.s32 $0xA;
	_ =	strace $0x80000048  }
0xbd: {  	_ =	swait.ge [sflag:s29], $0x1  }
0xbe: {  	[sflag:s29] =	ssyncadd.s32 $0xFFFFFFFF  }
0xbf: {  	_ =	strace $0x90000048  }
0xc0: {  	_ =	sfence  }
0xc1: {  	s30 =	sld [smem:$0x0];
	_ =	sdelay $0x2  }
0xc2: {  	s31 =	sshll.u32 s1, $0xD;
	s1 =	sshrl.u32 s1, $0x2  }
0xc3: {  	s3 =	sand.u32 $0x4000, s31;
	s1 =	sadd.s32 s1, s30  }
0xc4: {  	s0 =	sor.u32 s3, s0;
	s1 =	sshll.u32 s1, $0x11  }
0xc5: {  	s0 =	sor.u32 s1, s0  }
0xc6: {  	s0 =	sadd.s32 $0x8F2B, s0  }
0xc7: {  	[sflag:s0] =	ssyncadd.remote.s32 $0x1  }
0xc8: {  	_ =	sfence.sel $0xFFFF  }
0xc9: {  	[dreg:$0x0] =	wrdreg $0xFFFFFFFF;
	(pc) =	sbr.abs _section_cstart, $3  }
0xca: {  	[dreg:$0x1] =	wrdreg $0xFFFFFFFF  }
0xcb: {  	_ =	task.clear_ibuf [dreg:s12], $0x2FFFF;
	_ =	strace $0x9FFFFFFF  }
0xcc: {  	(tm) =	ssettm $0x7FFFFFFF  }
0xcd: {  	_ =	shalt  }
tec
execute0_lowered:
.L_overlay_start_1:
0x0: {  	(tag) =	ssettag $0x1  }
0x1: {  	s1 =	rddreg [dreg:$0x0]  }
0x2: {  	s4 =	rddreg [dreg:$0x1]  }
0x3: {  	s0 =	rddreg [dreg:$0x2]  }
0x4: {  	s2 =	rddreg [dreg:$0x3]  }
0x5: {  	s3 =	rddreg [dreg:$0x4]  }
0x6: {  	s6 =	srdreg.scid;
	s9 =	stileid.u32  }
0x7: {  	s5 =	rddreg [dreg:$0x5];
	s8 =	sand.u32 $0x1, s6;
	s9 =	sshll.u32 s9, $0x1  }
0x8: {  	s7 =	rddreg [dreg:$0x6];
	s6 =	simm.s32 $0x0;
	s9 =	sor.u32 s8, s9  }
0x9: {  	s8 =	ssub.s32 $0x2, s8;
	s10 =	smul.u32 $0x18000, s9;
	s9 =	sshll.u32 s9, $0x5  }
0xa: {  	[smem:$0x7FF] =	sst s6;
	s13 =	sshrl.u32 s8, $0x1;
	s9 =	sor.u32 $0x400, s9  }
0xb: {  	_ =	strace $0x80000047;
	s8 =	ssub.s32 s8, s13;
	s1 =	sadd.s32 s1, s9  }
0xc: {  	s10 =	sshrl.u32 s10, $0x3;
	s14 =	sadd.s32 s4, s9;
	[dreg:$0x8] =	wrdreg s1  }
0xd: {  	s31 =	smax.u32 s8, $0x1;
	s7 =	sadd.s32 s10, s7;
	[dreg:$0x9] =	wrdreg s14  }
0xe: {  	s28 =	simm.s32 $0xC200;
	[dreg:$0x16] =	wrdreg s31;
	s15 =	sadd.s32 $0x1A00, s7  }
0xf: {  	s11 =	simm.s32 $0x400;
	s16 =	sadd.s32 $0x1A80, s7;
	[dreg:$0xa] =	wrdreg s15  }
0x10: {  	s12 =	simm.s32 $0xC00;
	s17 =	sadd.s32 $0x1B00, s7;
	[dreg:$0xb] =	wrdreg s16  }
0x11: {  	s29 =	simm.s32 $0x8;
	s18 =	sadd.s32 $0x2600, s7;
	[dreg:$0xc] =	wrdreg s17  }
0x12: {  	s30 =	simm.s32 $0xD;
	s19 =	sadd.s32 $0x2680, s7;
	[dreg:$0xd] =	wrdreg s18  }
0x13: {  	s13 =	simm.s32 $0x9;
	s20 =	sadd.s32 $0x2700, s7;
	[dreg:$0xe] =	wrdreg s19  }
0x14: {  	s8 =	simm.s32 $0x4;
	s21 =	sadd.s32 $0x3200, s7;
	[dreg:$0xf] =	wrdreg s20  }
0x15: {  	s9 =	simm.s32 $0x7;
	s22 =	sadd.s32 $0x3280, s7;
	[dreg:$0x10] =	wrdreg s21  }
0x16: {  	s4 =	simm.s32 $0x3;
	s23 =	sadd.s32 $0x3300, s7;
	[dreg:$0x11] =	wrdreg s22  }
0x17: {  	s10 =	simm.s32 $0xA;
	s24 =	sadd.s32 $0x3E00, s7;
	[dreg:$0x12] =	wrdreg s23  }
0x18: {  	s1 =	simm.s32 $0x6;
	s25 =	sadd.s32 $0x3E80, s7;
	[dreg:$0x13] =	wrdreg s24  }
0x19: {  	s14 =	simm.s32 $0xC;
	s26 =	sadd.s32 $0x3F00, s7;
	[dreg:$0x14] =	wrdreg s25  }
0x1a: {  	s7 =	simm.s32 $0x1;
	[dreg:$0x15] =	wrdreg s26;
	s22 =	simm.s32 $0x10  }
0x1b: {  	s24 =	simm.s32 $0x40;
	s25 =	simm.s32 $0x200;
	s26 =	simm.s32 $0x6200  }
0x1c: {  	s18 =	simm.s32 $0x2;
	s19 =	simm.s32 $0x5;
	s20 =	simm.s32 $0xB  }
0x1d: {  	s15 =	simm.s32 $0xE;
	s16 =	simm.s32 $0xF;
	s17 =	simm.s32 $0x0  }
.LBB2_1:
0x1e: {  	s21 =	rddreg [dreg:$0x8]  }
0x1f: {  	[tilespmem:s6], [sflag:$0x10] =	stream.linear.gather [hbm4b:s21+s6], $0x100, $0x38;
	[tilespmem:$0x18200] =	vst v63  }
0x20: {  	_ =	swait.ge [sflag:s22], $0x100  }
0x21: {  	[sflag:s22] =	ssyncset.done $0x0  }
0x22: {  	s23 =	simm.s32 $0x100;
	s21 =	rddreg [dreg:$0x9];
	[sflag:s22] =	ssyncadd.s32 $0xFFFFFF00  }
0x23: {  	[tilespmem:s23], [sflag:$0x10] =	stream.linear.gather [hbm4b:s21+s6], $0x100, $0x38;
	[tilespmem:$0x18200] =	vst v63  }
0x24: {  	_ =	swait.ge [sflag:s22], $0x100  }
0x25: {  	[sflag:s22] =	ssyncset.done $0x0  }
0x26: {  	[sflag:s22] =	ssyncadd.s32 $0xFFFFFF00  }
0x27: {  	[tilespmem:s25], [sflag:$0x1] =	stream.indirect.gather [hbm4b:s0+s24], $0x80, s6, s24, $0xb8;
	[tilespmem:$0x18200] =	vst v63  }
0x28: {  	_ = 	snop  }
0x29: {  	[tilespmem:s26], [sflag:$0x4] =	stream.indirect.gather [hbm4b:s2+s24], $0x80, s23, s24, $0xb8;
	[tilespmem:$0x18200] =	vst v63  }
0x2a: {  	_ = 	snop  }
0x2b: {  	[tilespmem:s28], [sflag:$0x7] =	stream.indirect.gather [hbm4b:s3+s24], $0x80, s6, s24, $0xb8;
	[tilespmem:$0x18200] =	vst v63  }
0x2c: {  	s21 =	simm.s32 $0x12200  }
0x2d: {  	[tilespmem:s21], [sflag:$0xA] =	stream.indirect.gather [hbm4b:s5+s24], $0x80, s23, s24, $0xb8;
	[tilespmem:$0x18200] =	vst v63  }
0x2e: {  	s23 =	simm.s32 $0x2200  }
0x2f: {  	[tilespmem:s23], [sflag:$0x2] =	stream.indirect.gather [hbm4b:s0+s24], $0x80, s24, s24, $0xb8;
	[tilespmem:$0x18200] =	vst v63  }
0x30: {  	s21 =	simm.s32 $0x140;
	s23 =	simm.s32 $0x8200  }
0x31: {  	[tilespmem:s23], [sflag:$0x5] =	stream.indirect.gather [hbm4b:s2+s24], $0x80, s21, s24, $0xb8;
	[tilespmem:$0x18200] =	vst v63  }
0x32: {  	s23 =	simm.s32 $0xE200  }
0x33: {  	[tilespmem:s23], [sflag:$0x8] =	stream.indirect.gather [hbm4b:s3+s24], $0x80, s24, s24, $0xb8;
	[tilespmem:$0x18200] =	vst v63  }
0x34: {  	s23 =	simm.s32 $0x14200  }
0x35: {  	[tilespmem:s23], [sflag:$0xB] =	stream.indirect.gather [hbm4b:s5+s24], $0x80, s21, s24, $0xb8;
	[tilespmem:$0x18200] =	vst v63  }
0x36: {  	_ =	swait.ge [sflag:s7], $0x2000  }
0x37: {  	[sflag:s7] =	ssyncset.done $0x0  }
0x38: {  	[sflag:s7] =	ssyncadd.s32 $0xFFFFE000  }
0x39: {  	_ =	swait.ge [sflag:s8], $0x2000  }
0x3a: {  	[sflag:s8] =	ssyncset.done $0x0  }
0x3b: {  	[sflag:s8] =	ssyncadd.s32 $0xFFFFE000  }
0x3c: {  	_ =	swait.ge [sflag:s9], $0x2000  }
0x3d: {  	[sflag:s9] =	ssyncset.done $0x0  }
0x3e: {  	[sflag:s9] =	ssyncadd.s32 $0xFFFFE000  }
0x3f: {  	_ =	swait.ge [sflag:s10], $0x2000  }
0x40: {  	[sflag:s10] =	ssyncset.done $0x0  }
0x41: {  	s21 =	simm.s32 $0x0;
	[sflag:s10] =	ssyncadd.s32 $0xFFFFE000  }
0x42: {  	v7 =	vld [tilespmem:s21+$0x12200]  }
0x43: {  	v11 =	vld [tilespmem:s21+$0x12210]  }
0x44: {  	v5 =	vld [tilespmem:s21+$0x12220]  }
0x45: {  	v4 =	vld [tilespmem:s21+$0x12230]  }
0x46: {  	v3 =	vld [tilespmem:s21+$0x12240]  }
0x47: {  	v2 =	vld [tilespmem:s21+$0x12250]  }
0x48: {  	v1 =	vld [tilespmem:s21+$0x12260]  }
0x49: {  	v0 =	vld [tilespmem:s21+$0x12270]  }
0x4a: {  	v12 =	vld [tilespmem:s21+$0xC200]  }
0x4b: {  	v13 =	vld [tilespmem:s21+$0xC210]  }
0x4c: {  	v10 =	vld [tilespmem:s21+$0xC220]  }
0x4d: {  	v9 =	vld [tilespmem:s21+$0xC230]  }
0x4e: {  	v8 =	vld [tilespmem:s21+$0xC240]  }
0x4f: {  	v6 =	vld [tilespmem:s21+$0xC250];
	v12 =	vmul.f32 v7, v12  }
0x50: {  	s31 =	simm.s32 $0x200;
	v11 =	vmul.f32 v11, v13;
	v7 =	vld [tilespmem:s21+$0xC260]  }
.LBB2_2:
0x51: {  	s23 =	sshra.s32 s31, $0x2;
	p0 =	sne.s32 s31, $0x7E00;
	[tilespmem:s21+$0xC200] =	vst v12;
	v5 =	vmul.f32 v5, v10;
	v10 =	vld [tilespmem:s21+$0xC270]  }
0x52: {  	v12 =	vld [tilespmem:s23+$0x12200];
	[tilespmem:s21+$0xC210] =	vst v11;
	v4 =	vmul.f32 v4, v9  }
0x53: {  	v11 =	vld [tilespmem:s23+$0x12210];
	[tilespmem:s21+$0xC220] =	vst v5;
	v3 =	vmul.f32 v3, v8  }
0x54: {  	v5 =	vld [tilespmem:s23+$0x12220];
	[tilespmem:s21+$0xC230] =	vst v4;
	v2 =	vmul.f32 v2, v6  }
0x55: {  	v4 =	vld [tilespmem:s23+$0x12230];
	[tilespmem:s21+$0xC240] =	vst v3;
	v1 =	vmul.f32 v1, v7  }
0x56: {  	v3 =	vld [tilespmem:s23+$0x12240];
	[tilespmem:s21+$0xC250] =	vst v2;
	v0 =	vmul.f32 v0, v10  }
0x57: {  	v2 =	vld [tilespmem:s23+$0x12250];
	[tilespmem:s21+$0xC260] =	vst v1  }
0x58: {  	v1 =	vld [tilespmem:s23+$0x12260];
	[tilespmem:s21+$0xC270] =	vst v0;
	s21 =	smov.u32 s23  }
0x59: {  	v0 =	vld [tilespmem:s21+$0x12270]  }
0x5a: {  	v6 =	vld [tilespmem:s21+$0xC200]  }
0x5b: {  	v7 =	vld [tilespmem:s21+$0xC210]  }
.Ltmp0:
0x5c: {  	v10 =	vld [tilespmem:s21+$0xC220];
	(pc) =	sbr.rel @p0 .LBB2_2-.Ltmp0, $4  }
0x5d: {  	v9 =	vld [tilespmem:s21+$0xC230]  }
0x5e: {  	v8 =	vld [tilespmem:s21+$0xC240]  }
0x5f: {  	v12 =	vmul.f32 v12, v6;
	v6 =	vld [tilespmem:s21+$0xC250]  }
0x60: {  	s31 =	sadd.s32 $0x200, s31;
	v11 =	vmul.f32 v11, v7;
	v7 =	vld [tilespmem:s21+$0xC260]  }
0x61: {  	[tilespmem:s21+$0xC200] =	vst v12;
	v5 =	vmul.f32 v5, v10;
	v10 =	vld [tilespmem:s21+$0xC270]  }
0x62: {  	[tilespmem:s21+$0xC210] =	vst v11;
	v4 =	vmul.f32 v4, v9  }
0x63: {  	[tilespmem:s21+$0xC220] =	vst v5;
	v3 =	vmul.f32 v3, v8  }
0x64: {  	[tilespmem:s21+$0xC230] =	vst v4;
	v2 =	vmul.f32 v2, v6  }
0x65: {  	[tilespmem:s21+$0xC240] =	vst v3;
	v1 =	vmul.f32 v1, v7  }
0x66: {  	[tilespmem:s21+$0xC250] =	vst v2;
	v0 =	vmul.f32 v0, v10  }
0x67: {  	[tilespmem:s21+$0xC260] =	vst v1  }
0x68: {  	s23 =	rddreg [dreg:$0xa];
	[tilespmem:s21+$0xC270] =	vst v0  }
0x69: {  	[hbm4b:s23+s11] =	stream.strided.scatter [tilespmem:s25], [sflag:$0xD], $0x2000, s12, s11, $0x38;
	[tilespmem:$0x18200] =	vst v63  }
0x6a: {  	s23 =	rddreg [dreg:$0xb]  }
0x6b: {  	[hbm4b:s23+s11] =	stream.strided.scatter [tilespmem:s26], [sflag:$0xD], $0x2000, s12, s11, $0x38;
	[tilespmem:$0x18200] =	vst v63  }
0x6c: {  	s23 =	rddreg [dreg:$0xc]  }
0x6d: {  	[hbm4b:s23+s11] =	stream.strided.scatter [tilespmem:s28], [sflag:$0xD], $0x2000, s12, s11, $0x38;
	[tilespmem:$0x18200] =	vst v63  }
0x6e: {  	s21 =	simm.s32 $0x80;
	s23 =	simm.s32 $0x4200  }
0x6f: {  	[tilespmem:s23], [sflag:$0x3] =	stream.indirect.gather [hbm4b:s0+s24], $0x80, s21, s24, $0xb8;
	[tilespmem:$0x18200] =	vst v63  }
0x70: {  	s31 =	simm.s32 $0xA200;
	s23 =	simm.s32 $0x180  }
0x71: {  	[tilespmem:s31], [sflag:$0x6] =	stream.indirect.gather [hbm4b:s2+s24], $0x80, s23, s24, $0xb8;
	[tilespmem:$0x18200] =	vst v63  }
0x72: {  	s31 =	simm.s32 $0x10200  }
0x73: {  	[tilespmem:s31], [sflag:$0x9] =	stream.indirect.gather [hbm4b:s3+s24], $0x80, s21, s24, $0xb8;
	[tilespmem:$0x18200] =	vst v63  }
0x74: {  	s21 =	simm.s32 $0x16200  }
0x75: {  	[tilespmem:s21], [sflag:$0xC] =	stream.indirect.gather [hbm4b:s5+s24], $0x80, s23, s24, $0xb8;
	[tilespmem:$0x18200] =	vst v63  }
0x76: {  	_ =	swait.ge [sflag:s18], $0x2000  }
0x77: {  	[sflag:s18] =	ssyncset.done $0x0  }
0x78: {  	[sflag:s18] =	ssyncadd.s32 $0xFFFFE000  }
0x79: {  	_ =	swait.ge [sflag:s19], $0x2000  }
0x7a: {  	[sflag:s19] =	ssyncset.done $0x0  }
0x7b: {  	[sflag:s19] =	ssyncadd.s32 $0xFFFFE000  }
0x7c: {  	_ =	swait.ge [sflag:s29], $0x2000  }
0x7d: {  	[sflag:s29] =	ssyncset.done $0x0  }
0x7e: {  	[sflag:s29] =	ssyncadd.s32 $0xFFFFE000  }
0x7f: {  	_ =	swait.ge [sflag:s20], $0x2000  }
0x80: {  	[sflag:s20] =	ssyncset.done $0x0  }
0x81: {  	s21 =	simm.s32 $0x0;
	[sflag:s20] =	ssyncadd.s32 $0xFFFFE000  }
0x82: {  	v7 =	vld [tilespmem:s21+$0x14200]  }
0x83: {  	v11 =	vld [tilespmem:s21+$0x14210]  }
0x84: {  	v5 =	vld [tilespmem:s21+$0x14220]  }
0x85: {  	v4 =	vld [tilespmem:s21+$0x14230]  }
0x86: {  	v3 =	vld [tilespmem:s21+$0x14240]  }
0x87: {  	v2 =	vld [tilespmem:s21+$0x14250]  }
0x88: {  	v1 =	vld [tilespmem:s21+$0x14260]  }
0x89: {  	v0 =	vld [tilespmem:s21+$0x14270]  }
0x8a: {  	v12 =	vld [tilespmem:s21+$0xE200]  }
0x8b: {  	v13 =	vld [tilespmem:s21+$0xE210]  }
0x8c: {  	v10 =	vld [tilespmem:s21+$0xE220]  }
0x8d: {  	v9 =	vld [tilespmem:s21+$0xE230]  }
0x8e: {  	v8 =	vld [tilespmem:s21+$0xE240]  }
0x8f: {  	v6 =	vld [tilespmem:s21+$0xE250];
	v12 =	vmul.f32 v7, v12  }
0x90: {  	s31 =	simm.s32 $0x200;
	v11 =	vmul.f32 v11, v13;
	v7 =	vld [tilespmem:s21+$0xE260]  }
.LBB2_4:
0x91: {  	s23 =	sshra.s32 s31, $0x2;
	p0 =	sne.s32 s31, $0x7E00;
	[tilespmem:s21+$0xE200] =	vst v12;
	v5 =	vmul.f32 v5, v10;
	v10 =	vld [tilespmem:s21+$0xE270]  }
0x92: {  	v12 =	vld [tilespmem:s23+$0x14200];
	[tilespmem:s21+$0xE210] =	vst v11;
	v4 =	vmul.f32 v4, v9  }
0x93: {  	v11 =	vld [tilespmem:s23+$0x14210];
	[tilespmem:s21+$0xE220] =	vst v5;
	v3 =	vmul.f32 v3, v8  }
0x94: {  	v5 =	vld [tilespmem:s23+$0x14220];
	[tilespmem:s21+$0xE230] =	vst v4;
	v2 =	vmul.f32 v2, v6  }
0x95: {  	v4 =	vld [tilespmem:s23+$0x14230];
	[tilespmem:s21+$0xE240] =	vst v3;
	v1 =	vmul.f32 v1, v7  }
0x96: {  	v3 =	vld [tilespmem:s23+$0x14240];
	[tilespmem:s21+$0xE250] =	vst v2;
	v0 =	vmul.f32 v0, v10  }
0x97: {  	v2 =	vld [tilespmem:s23+$0x14250];
	[tilespmem:s21+$0xE260] =	vst v1  }
0x98: {  	v1 =	vld [tilespmem:s23+$0x14260];
	[tilespmem:s21+$0xE270] =	vst v0;
	s21 =	smov.u32 s23  }
0x99: {  	v0 =	vld [tilespmem:s21+$0x14270]  }
0x9a: {  	v6 =	vld [tilespmem:s21+$0xE200]  }
0x9b: {  	v7 =	vld [tilespmem:s21+$0xE210]  }
.Ltmp1:
0x9c: {  	v10 =	vld [tilespmem:s21+$0xE220];
	(pc) =	sbr.rel @p0 .LBB2_4-.Ltmp1, $4  }
0x9d: {  	v9 =	vld [tilespmem:s21+$0xE230]  }
0x9e: {  	v8 =	vld [tilespmem:s21+$0xE240]  }
0x9f: {  	v12 =	vmul.f32 v12, v6;
	v6 =	vld [tilespmem:s21+$0xE250]  }
0xa0: {  	s31 =	sadd.s32 $0x200, s31;
	v11 =	vmul.f32 v11, v7;
	v7 =	vld [tilespmem:s21+$0xE260]  }
0xa1: {  	[tilespmem:s21+$0xE200] =	vst v12;
	v5 =	vmul.f32 v5, v10;
	v10 =	vld [tilespmem:s21+$0xE270]  }
0xa2: {  	[tilespmem:s21+$0xE210] =	vst v11;
	v4 =	vmul.f32 v4, v9  }
0xa3: {  	[tilespmem:s21+$0xE220] =	vst v5;
	v3 =	vmul.f32 v3, v8  }
0xa4: {  	[tilespmem:s21+$0xE230] =	vst v4;
	v2 =	vmul.f32 v2, v6  }
0xa5: {  	[tilespmem:s21+$0xE240] =	vst v3;
	v1 =	vmul.f32 v1, v7  }
0xa6: {  	[tilespmem:s21+$0xE250] =	vst v2;
	v0 =	vmul.f32 v0, v10  }
0xa7: {  	[tilespmem:s21+$0xE260] =	vst v1  }
0xa8: {  	s23 =	simm.s32 $0x2200;
	[tilespmem:s21+$0xE270] =	vst v0;
	s21 =	rddreg [dreg:$0xd]  }
0xa9: {  	[hbm4b:s21+s11] =	stream.strided.scatter [tilespmem:s23], [sflag:$0xE], $0x2000, s12, s11, $0x38;
	[tilespmem:$0x18200] =	vst v63  }
0xaa: {  	s21 =	rddreg [dreg:$0xe];
	s23 =	simm.s32 $0x8200  }
0xab: {  	[hbm4b:s21+s11] =	stream.strided.scatter [tilespmem:s23], [sflag:$0xE], $0x2000, s12, s11, $0x38;
	[tilespmem:$0x18200] =	vst v63  }
0xac: {  	s21 =	rddreg [dreg:$0xf];
	s23 =	simm.s32 $0xE200  }
0xad: {  	[hbm4b:s21+s11] =	stream.strided.scatter [tilespmem:s23], [sflag:$0xE], $0x2000, s12, s11, $0x38;
	[tilespmem:$0x18200] =	vst v63  }
0xae: {  	_ =	swait.ge [sflag:s30], $0x2000  }
0xaf: {  	[sflag:s30] =	ssyncset.done $0x0  }
0xb0: {  	[sflag:s30] =	ssyncadd.s32 $0xFFFFE000  }
0xb1: {  	_ =	swait.ge [sflag:s30], $0x2000  }
0xb2: {  	[sflag:s30] =	ssyncset.done $0x0  }
0xb3: {  	[sflag:s30] =	ssyncadd.s32 $0xFFFFE000  }
0xb4: {  	_ =	swait.ge [sflag:s30], $0x2000  }
0xb5: {  	[sflag:s30] =	ssyncset.done $0x0  }
0xb6: {  	s21 =	simm.s32 $0xC0;
	[sflag:s30] =	ssyncadd.s32 $0xFFFFE000  }
0xb7: {  	[tilespmem:s25], [sflag:$0x1] =	stream.indirect.gather [hbm4b:s0+s24], $0x80, s21, s24, $0xb8;
	[tilespmem:$0x18200] =	vst v63  }
0xb8: {  	s23 =	simm.s32 $0x1C0  }
0xb9: {  	[tilespmem:s26], [sflag:$0x4] =	stream.indirect.gather [hbm4b:s2+s24], $0x80, s23, s24, $0xb8;
	[tilespmem:$0x18200] =	vst v63  }
0xba: {  	_ = 	snop  }
0xbb: {  	[tilespmem:s28], [sflag:$0x7] =	stream.indirect.gather [hbm4b:s3+s24], $0x80, s21, s24, $0xb8;
	[tilespmem:$0x18200] =	vst v63  }
0xbc: {  	s21 =	simm.s32 $0x12200  }
0xbd: {  	[tilespmem:s21], [sflag:$0xA] =	stream.indirect.gather [hbm4b:s5+s24], $0x80, s23, s24, $0xb8;
	[tilespmem:$0x18200] =	vst v63  }
0xbe: {  	_ =	swait.ge [sflag:s4], $0x2000  }
0xbf: {  	[sflag:s4] =	ssyncset.done $0x0  }
0xc0: {  	[sflag:s4] =	ssyncadd.s32 $0xFFFFE000  }
0xc1: {  	_ =	swait.ge [sflag:s1], $0x2000  }
0xc2: {  	[sflag:s1] =	ssyncset.done $0x0  }
0xc3: {  	[sflag:s1] =	ssyncadd.s32 $0xFFFFE000  }
0xc4: {  	_ =	swait.ge [sflag:s13], $0x2000  }
0xc5: {  	[sflag:s13] =	ssyncset.done $0x0  }
0xc6: {  	[sflag:s13] =	ssyncadd.s32 $0xFFFFE000  }
0xc7: {  	_ =	swait.ge [sflag:s14], $0x2000  }
0xc8: {  	[sflag:s14] =	ssyncset.done $0x0  }
0xc9: {  	s21 =	simm.s32 $0x0;
	[sflag:s14] =	ssyncadd.s32 $0xFFFFE000  }
0xca: {  	v7 =	vld [tilespmem:s21+$0x16200]  }
0xcb: {  	v11 =	vld [tilespmem:s21+$0x16210]  }
0xcc: {  	v5 =	vld [tilespmem:s21+$0x16220]  }
0xcd: {  	v4 =	vld [tilespmem:s21+$0x16230]  }
0xce: {  	v3 =	vld [tilespmem:s21+$0x16240]  }
0xcf: {  	v2 =	vld [tilespmem:s21+$0x16250]  }
0xd0: {  	v1 =	vld [tilespmem:s21+$0x16260]  }
0xd1: {  	v0 =	vld [tilespmem:s21+$0x16270]  }
0xd2: {  	v12 =	vld [tilespmem:s21+$0x10200]  }
0xd3: {  	v13 =	vld [tilespmem:s21+$0x10210]  }
0xd4: {  	v10 =	vld [tilespmem:s21+$0x10220]  }
0xd5: {  	v9 =	vld [tilespmem:s21+$0x10230]  }
0xd6: {  	v8 =	vld [tilespmem:s21+$0x10240]  }
0xd7: {  	v6 =	vld [tilespmem:s21+$0x10250];
	v12 =	vmul.f32 v7, v12  }
0xd8: {  	s31 =	simm.s32 $0x200;
	v11 =	vmul.f32 v11, v13;
	v7 =	vld [tilespmem:s21+$0x10260]  }
.LBB2_6:
0xd9: {  	s23 =	sshra.s32 s31, $0x2;
	p0 =	sne.s32 s31, $0x7E00;
	[tilespmem:s21+$0x10200] =	vst v12;
	v5 =	vmul.f32 v5, v10;
	v10 =	vld [tilespmem:s21+$0x10270]  }
0xda: {  	v12 =	vld [tilespmem:s23+$0x16200];
	[tilespmem:s21+$0x10210] =	vst v11;
	v4 =	vmul.f32 v4, v9  }
0xdb: {  	v11 =	vld [tilespmem:s23+$0x16210];
	[tilespmem:s21+$0x10220] =	vst v5;
	v3 =	vmul.f32 v3, v8  }
0xdc: {  	v5 =	vld [tilespmem:s23+$0x16220];
	[tilespmem:s21+$0x10230] =	vst v4;
	v2 =	vmul.f32 v2, v6  }
0xdd: {  	v4 =	vld [tilespmem:s23+$0x16230];
	[tilespmem:s21+$0x10240] =	vst v3;
	v1 =	vmul.f32 v1, v7  }
0xde: {  	v3 =	vld [tilespmem:s23+$0x16240];
	[tilespmem:s21+$0x10250] =	vst v2;
	v0 =	vmul.f32 v0, v10  }
0xdf: {  	v2 =	vld [tilespmem:s23+$0x16250];
	[tilespmem:s21+$0x10260] =	vst v1  }
0xe0: {  	v1 =	vld [tilespmem:s23+$0x16260];
	[tilespmem:s21+$0x10270] =	vst v0;
	s21 =	smov.u32 s23  }
0xe1: {  	v0 =	vld [tilespmem:s21+$0x16270]  }
0xe2: {  	v6 =	vld [tilespmem:s21+$0x10200]  }
0xe3: {  	v7 =	vld [tilespmem:s21+$0x10210]  }
.Ltmp2:
0xe4: {  	v10 =	vld [tilespmem:s21+$0x10220];
	(pc) =	sbr.rel @p0 .LBB2_6-.Ltmp2, $4  }
0xe5: {  	v9 =	vld [tilespmem:s21+$0x10230]  }
0xe6: {  	v8 =	vld [tilespmem:s21+$0x10240]  }
0xe7: {  	v12 =	vmul.f32 v12, v6;
	v6 =	vld [tilespmem:s21+$0x10250]  }
0xe8: {  	s31 =	sadd.s32 $0x200, s31;
	v11 =	vmul.f32 v11, v7;
	v7 =	vld [tilespmem:s21+$0x10260]  }
0xe9: {  	[tilespmem:s21+$0x10200] =	vst v12;
	v5 =	vmul.f32 v5, v10;
	v10 =	vld [tilespmem:s21+$0x10270]  }
0xea: {  	[tilespmem:s21+$0x10210] =	vst v11;
	v4 =	vmul.f32 v4, v9  }
0xeb: {  	[tilespmem:s21+$0x10220] =	vst v5;
	v3 =	vmul.f32 v3, v8  }
0xec: {  	[tilespmem:s21+$0x10230] =	vst v4;
	v2 =	vmul.f32 v2, v6  }
0xed: {  	[tilespmem:s21+$0x10240] =	vst v3;
	v1 =	vmul.f32 v1, v7  }
0xee: {  	[tilespmem:s21+$0x10250] =	vst v2;
	v0 =	vmul.f32 v0, v10  }
0xef: {  	[tilespmem:s21+$0x10260] =	vst v1  }
0xf0: {  	s23 =	simm.s32 $0x4200;
	[tilespmem:s21+$0x10270] =	vst v0;
	s21 =	rddreg [dreg:$0x10]  }
0xf1: {  	[hbm4b:s21+s11] =	stream.strided.scatter [tilespmem:s23], [sflag:$0xF], $0x2000, s12, s11, $0x38;
	[tilespmem:$0x18200] =	vst v63  }
0xf2: {  	s21 =	rddreg [dreg:$0x11];
	s23 =	simm.s32 $0xA200  }
0xf3: {  	[hbm4b:s21+s11] =	stream.strided.scatter [tilespmem:s23], [sflag:$0xF], $0x2000, s12, s11, $0x38;
	[tilespmem:$0x18200] =	vst v63  }
0xf4: {  	s21 =	rddreg [dreg:$0x12];
	s23 =	simm.s32 $0x10200  }
0xf5: {  	[hbm4b:s21+s11] =	stream.strided.scatter [tilespmem:s23], [sflag:$0xF], $0x2000, s12, s11, $0x38;
	[tilespmem:$0x18200] =	vst v63  }
0xf6: {  	_ =	swait.ge [sflag:s7], $0x2000  }
0xf7: {  	[sflag:s7] =	ssyncset.done $0x0  }
0xf8: {  	[sflag:s7] =	ssyncadd.s32 $0xFFFFE000  }
0xf9: {  	_ =	swait.ge [sflag:s8], $0x2000  }
0xfa: {  	[sflag:s8] =	ssyncset.done $0x0  }
0xfb: {  	[sflag:s8] =	ssyncadd.s32 $0xFFFFE000  }
0xfc: {  	_ =	swait.ge [sflag:s9], $0x2000  }
0xfd: {  	[sflag:s9] =	ssyncset.done $0x0  }
0xfe: {  	[sflag:s9] =	ssyncadd.s32 $0xFFFFE000  }
0xff: {  	_ =	swait.ge [sflag:s10], $0x2000  }
0x100: {  	[sflag:s10] =	ssyncset.done $0x0  }
0x101: {  	s21 =	simm.s32 $0x0;
	[sflag:s10] =	ssyncadd.s32 $0xFFFFE000  }
0x102: {  	v7 =	vld [tilespmem:s21+$0x12200]  }
0x103: {  	v11 =	vld [tilespmem:s21+$0x12210]  }
0x104: {  	v5 =	vld [tilespmem:s21+$0x12220]  }
0x105: {  	v4 =	vld [tilespmem:s21+$0x12230]  }
0x106: {  	v3 =	vld [tilespmem:s21+$0x12240]  }
0x107: {  	v2 =	vld [tilespmem:s21+$0x12250]  }
0x108: {  	v1 =	vld [tilespmem:s21+$0x12260]  }
0x109: {  	v0 =	vld [tilespmem:s21+$0x12270]  }
0x10a: {  	v12 =	vld [tilespmem:s21+$0xC200]  }
0x10b: {  	v13 =	vld [tilespmem:s21+$0xC210]  }
0x10c: {  	v10 =	vld [tilespmem:s21+$0xC220]  }
0x10d: {  	v9 =	vld [tilespmem:s21+$0xC230]  }
0x10e: {  	v8 =	vld [tilespmem:s21+$0xC240]  }
0x10f: {  	v6 =	vld [tilespmem:s21+$0xC250];
	v12 =	vmul.f32 v7, v12  }
0x110: {  	s31 =	simm.s32 $0x200;
	v11 =	vmul.f32 v11, v13;
	v7 =	vld [tilespmem:s21+$0xC260]  }
.LBB2_8:
0x111: {  	s23 =	sshra.s32 s31, $0x2;
	p0 =	sne.s32 s31, $0x7E00;
	[tilespmem:s21+$0xC200] =	vst v12;
	v5 =	vmul.f32 v5, v10;
	v10 =	vld [tilespmem:s21+$0xC270]  }
0x112: {  	v12 =	vld [tilespmem:s23+$0x12200];
	[tilespmem:s21+$0xC210] =	vst v11;
	v4 =	vmul.f32 v4, v9  }
0x113: {  	v11 =	vld [tilespmem:s23+$0x12210];
	[tilespmem:s21+$0xC220] =	vst v5;
	v3 =	vmul.f32 v3, v8  }
0x114: {  	v5 =	vld [tilespmem:s23+$0x12220];
	[tilespmem:s21+$0xC230] =	vst v4;
	v2 =	vmul.f32 v2, v6  }
0x115: {  	v4 =	vld [tilespmem:s23+$0x12230];
	[tilespmem:s21+$0xC240] =	vst v3;
	v1 =	vmul.f32 v1, v7  }
0x116: {  	v3 =	vld [tilespmem:s23+$0x12240];
	[tilespmem:s21+$0xC250] =	vst v2;
	v0 =	vmul.f32 v0, v10  }
0x117: {  	v2 =	vld [tilespmem:s23+$0x12250];
	[tilespmem:s21+$0xC260] =	vst v1  }
0x118: {  	v1 =	vld [tilespmem:s23+$0x12260];
	[tilespmem:s21+$0xC270] =	vst v0;
	s21 =	smov.u32 s23  }
0x119: {  	v0 =	vld [tilespmem:s21+$0x12270]  }
0x11a: {  	v6 =	vld [tilespmem:s21+$0xC200]  }
0x11b: {  	v7 =	vld [tilespmem:s21+$0xC210]  }
.Ltmp3:
0x11c: {  	v10 =	vld [tilespmem:s21+$0xC220];
	(pc) =	sbr.rel @p0 .LBB2_8-.Ltmp3, $4  }
0x11d: {  	v9 =	vld [tilespmem:s21+$0xC230]  }
0x11e: {  	v8 =	vld [tilespmem:s21+$0xC240]  }
0x11f: {  	v12 =	vmul.f32 v12, v6;
	v6 =	vld [tilespmem:s21+$0xC250]  }
0x120: {  	s31 =	sadd.s32 $0x200, s31;
	v11 =	vmul.f32 v11, v7;
	v7 =	vld [tilespmem:s21+$0xC260]  }
0x121: {  	[tilespmem:s21+$0xC200] =	vst v12;
	v5 =	vmul.f32 v5, v10;
	v63 =	vld [tilespmem:s21+$0xC270]  }
0x122: {  	[tilespmem:s21+$0xC210] =	vst v11;
	v4 =	vmul.f32 v4, v9  }
0x123: {  	[tilespmem:s21+$0xC220] =	vst v5;
	v3 =	vmul.f32 v3, v8  }
0x124: {  	[tilespmem:s21+$0xC230] =	vst v4;
	v2 =	vmul.f32 v2, v6  }
0x125: {  	[tilespmem:s21+$0xC240] =	vst v3;
	v1 =	vmul.f32 v1, v7  }
0x126: {  	[tilespmem:s21+$0xC250] =	vst v2;
	v0 =	vmul.f32 v0, v63  }
0x127: {  	[tilespmem:s21+$0xC260] =	vst v1  }
0x128: {  	s23 =	rddreg [dreg:$0x13];
	[tilespmem:s21+$0xC270] =	vst v0  }
0x129: {  	[hbm4b:s23+s11] =	stream.strided.scatter [tilespmem:s25], [sflag:$0xD], $0x2000, s12, s11, $0x38;
	[tilespmem:$0x18200] =	vst v63  }
0x12a: {  	s31 =	rddreg [dreg:$0x14]  }
0x12b: {  	[hbm4b:s31+s11] =	stream.strided.scatter [tilespmem:s26], [sflag:$0xD], $0x2000, s12, s11, $0x38;
	[tilespmem:$0x18200] =	vst v63  }
0x12c: {  	s23 =	rddreg [dreg:$0x15]  }
0x12d: {  	[hbm4b:s23+s11] =	stream.strided.scatter [tilespmem:s28], [sflag:$0xD], $0x2000, s12, s11, $0x38;
	[tilespmem:$0x18200] =	vst v63  }
0x12e: {  	_ =	swait.ge [sflag:s15], $0x2000  }
0x12f: {  	[sflag:s15] =	ssyncset.done $0x0  }
0x130: {  	[sflag:s15] =	ssyncadd.s32 $0xFFFFE000  }
0x131: {  	_ =	swait.ge [sflag:s15], $0x2000  }
0x132: {  	[sflag:s15] =	ssyncset.done $0x0  }
0x133: {  	[sflag:s15] =	ssyncadd.s32 $0xFFFFE000  }
0x134: {  	_ =	swait.ge [sflag:s15], $0x2000  }
0x135: {  	[sflag:s15] =	ssyncset.done $0x0  }
0x136: {  	[sflag:s15] =	ssyncadd.s32 $0xFFFFE000  }
0x137: {  	_ =	swait.ge [sflag:s16], $0x2000  }
0x138: {  	[sflag:s16] =	ssyncset.done $0x0  }
0x139: {  	[sflag:s16] =	ssyncadd.s32 $0xFFFFE000  }
0x13a: {  	_ =	swait.ge [sflag:s16], $0x2000  }
0x13b: {  	[sflag:s16] =	ssyncset.done $0x0  }
0x13c: {  	[sflag:s16] =	ssyncadd.s32 $0xFFFFE000  }
0x13d: {  	_ =	swait.ge [sflag:s16], $0x2000  }
0x13e: {  	[sflag:s16] =	ssyncset.done $0x0  }
0x13f: {  	[sflag:s16] =	ssyncadd.s32 $0xFFFFE000  }
0x140: {  	_ =	swait.ge [sflag:s30], $0x2000  }
0x141: {  	[sflag:s30] =	ssyncset.done $0x0  }
0x142: {  	[sflag:s30] =	ssyncadd.s32 $0xFFFFE000  }
0x143: {  	_ =	swait.ge [sflag:s30], $0x2000  }
0x144: {  	[sflag:s30] =	ssyncset.done $0x0  }
0x145: {  	[sflag:s30] =	ssyncadd.s32 $0xFFFFE000  }
0x146: {  	_ =	swait.ge [sflag:s30], $0x2000  }
0x147: {  	s17 =	sadd.s32 $0x1, s17;
	s31 =	rddreg [dreg:$0x16]  }
0x148: {  	p0 =	sne.s32 s17, s31  }
.Ltmp4:
0x149: {  	_ = 	snop;
	(pc) =	sbr.rel @p0 .LBB2_1-.Ltmp4, $3  }
0x14a: {  	_ =	sdelay $0x1  }
0x14b: {  	[sflag:s30] =	ssyncset.done $0x0  }
0x14c: {  	[sflag:s30] =	ssyncadd.s32 $0xFFFFE000  }
0x14d: {  	_ =	sfence.sel $0x180000  }
0x14e: {  	[bflag:$0x0] =	sbarrier.arrive $0xFFFF  }
0x14f: {  	_ =	strace $0x90000047  }
0x150: {  	s0 =	stileid.u32;
	[bflag:$0x2] =	sbarrier.arrive $0xFFFF  }
0x151: {  	p0 =	sne.s32 s0, $0x0;
	s0 =	rddreg [dreg:$0x7]  }
0x152: {  	s0 =	sadd.s32 @!p0 $0x100000, s0  }
0x153: {  	[sflag:s0] =	ssyncadd.tile.s32 @!p0 $0x1;
	_ =	shalt  }
.Lfunc_end2:
_tile_overlayer_lowered:
.L_overlay_start_2:
0x154: {  	(tag) =	ssettag $0x2  }
0x155: {  	s0 =	rddreg [dreg:$0x0];
	s2 =	stileid.u32  }
0x156: {  	s1 =	rddreg [dreg:$0x1];
	p0 =	sne.s32 s2, $0x0  }
0x157: {  	s3 =	rddreg [dreg:$0x2];
	[bflag:$0x3] =	sbarrier.arrive $0xFFFF;
	s2 =	simm.s32 @!p0 $0x1C10  }
0x158: {  	[timem:s3], [sflag:s2] =	dma.local @!p0 [hbm:s0], s1  }
0x159: {  	s0 =	simm.s32 @!p0 $0x10  }
0x15a: {  	_ =	swait.ge @!p0 [sflag:s0], s1  }
0x15b: {  	s1 =	ssub.s32 @!p0 $0x0, s1;
	[sflag:s0] =	ssyncset.done @!p0 $0x0  }
0x15c: {  	[sflag:s0] =	ssyncadd.s32 @!p0 s1  }
0x15d: {  	[bflag:$0x3] =	sbarrier.arrive $0xFFFF  }
0x15e: {  	_ =	shalt  }

</sc_bundles>
